<compile_context>
chip_gen: v7x
topology: tpu7x:2x2x1
jax: 0.10.2.dev20260603
libtpu: 0.0.44.dev20260713+nightly
codegen_flags: <defaults>
</compile_context>

<pallas_src>
import functools

import jax
import jax.numpy as jnp
from jax import lax
from jax.experimental import pallas as pl
from jax.experimental.pallas import tpu as pltpu
from jax.experimental.pallas import tpu_sc as plsc

N_NODES = 10000
N_EDGES = 160000
D_IN = 256
D_H1 = 64
D_H2 = 32

N_PAD = 10240
NW = 32
GROUPS = 40
E_PAD = NW * GROUPS * 128
E_TILE = GROUPS * 128
ROWS_PER_TILE = N_PAD // 16

_mesh = plsc.VectorSubcoreMesh(core_axis_name="c", subcore_axis_name="s")
_sc_params = pltpu.CompilerParams(
    needs_layout_passes=False, use_tc_tiling_on_sc=False
)


@functools.partial(
    pl.kernel,
    out_type=jax.ShapeDtypeStruct((NW, N_PAD), jnp.float32),
    mesh=_mesh,
    compiler_params=_sc_params,
    scratch_types=[
        pltpu.VMEM((E_TILE,), jnp.int32),
        pltpu.VMEM((N_PAD,), jnp.float32),
    ],
)
def _deg_kernel(dst_hbm, out_hbm, idx_v, deg_v):
    c = lax.axis_index("c")
    s = lax.axis_index("s")
    wid = s * 2 + c

    zero16 = jnp.zeros((16,), jnp.float32)

    def zero_body(i, _):
        deg_v[pl.ds(i * 16, 16)] = zero16
        return 0

    lax.fori_loop(0, N_PAD // 16, zero_body, 0)

    pltpu.sync_copy(dst_hbm.at[wid], idx_v)

    ones16 = jnp.ones((16,), jnp.float32)

    def edge_body(i, _):
        idx16 = idx_v[pl.ds(i * 16, 16)]
        plsc.addupdate_scatter(deg_v, [idx16], ones16)
        return 0

    lax.fori_loop(0, E_TILE // 16, edge_body, 0)

    pltpu.sync_copy(deg_v, out_hbm.at[wid])


def _make_mp_kernel(D):
    @functools.partial(
        pl.kernel,
        out_type=jax.ShapeDtypeStruct((2, N_PAD, D), jnp.float32),
        mesh=_mesh,
        compiler_params=_sc_params,
        scratch_types=[
            pltpu.VMEM((GROUPS, 128), jnp.int32),
            pltpu.VMEM((GROUPS, 128), jnp.int32),
            pltpu.VMEM((128, D), jnp.float32),
            pltpu.VMEM((128, D), jnp.float32),
            pltpu.VMEM((128, D), jnp.float32),
            pltpu.VMEM((128, D), jnp.float32),
            pltpu.VMEM_SHARED((N_PAD, D), jnp.float32),
            pltpu.SemaphoreType.DMA,
            pltpu.SemaphoreType.DMA,
            pltpu.SemaphoreType.DMA,
            pltpu.SemaphoreType.DMA,
        ],
    )
    def mp(g_hbm, src_hbm, dst_hbm, out_hbm, src_v, dst_v, rows_a, rows_b,
           rows_c, rows_d, acc_sh, sem_a, sem_b, sem_c, sem_d):
        c = lax.axis_index("c")
        s = lax.axis_index("s")
        wid = s * 2 + c

        zero16 = jnp.zeros((16,), jnp.float32)
        dv = D // 16

        def zero_body(i, _):
            rows_a[i // dv, pl.ds((i % dv) * 16, 16)] = zero16
            return 0

        lax.fori_loop(0, 128 * dv, zero_body, 0)

        base_row = s * ROWS_PER_TILE
        for t in range(ROWS_PER_TILE // 128):
            pltpu.sync_copy(rows_a, acc_sh.at[pl.ds(base_row + t * 128, 128)])
        pltpu.sync_copy(src_hbm.at[wid], src_v)
        pltpu.sync_copy(dst_hbm.at[wid], dst_v)

        plsc.subcore_barrier()

        bufs = (rows_a, rows_b, rows_c, rows_d)
        sems = (sem_a, sem_b, sem_c, sem_d)
        for b in range(4):
            pltpu.async_copy(g_hbm.at[src_v.at[b]], bufs[b], sems[b])

        def group_body(i, _):
            j0 = 4 * i
            for b in range(4):
                j = j0 + b
                pltpu.make_async_copy(g_hbm.at[src_v.at[j]], bufs[b], sems[b]).wait()
                pltpu.sync_copy(bufs[b], acc_sh.at[dst_v.at[j]], add=True)
                nxt = jnp.minimum(j + 4, GROUPS - 1)
                pltpu.async_copy(g_hbm.at[src_v.at[nxt]], bufs[b], sems[b])
            return 0

        lax.fori_loop(0, GROUPS // 4, group_body, 0)
        for b in range(4):
            pltpu.make_async_copy(g_hbm.at[src_v.at[0]], bufs[b], sems[b]).wait()

        plsc.subcore_barrier()

        for t in range(ROWS_PER_TILE // 128):
            r = base_row + t * 128
            pltpu.sync_copy(acc_sh.at[pl.ds(r, 128)], rows_a)
            pltpu.sync_copy(rows_a, out_hbm.at[c, pl.ds(r, 128)])

    return mp


_mp_kernel_64 = _make_mp_kernel(D_H1)
_mp_kernel_32 = _make_mp_kernel(D_H2)


def _deg_reduce_body(p_ref, dis_ref, inv_ref):
    deg = jnp.sum(p_ref[...], axis=0, keepdims=True) + 1.0
    dis_ref[...] = lax.rsqrt(deg)
    inv_ref[...] = 1.0 / deg


def _layer1_body(x_ref, w_ref, dis_ref, h_ref, g_ref):
    h = jnp.dot(x_ref[...], w_ref[...], preferred_element_type=jnp.float32)
    h_ref[...] = h
    g_ref[...] = h * dis_ref[...]


def _layer2_body(h1_ref, s_ref, dis_ref, inv_ref, b1_ref, w2_ref, h2_ref, g2_ref):
    agg = dis_ref[...] * (s_ref[0] + s_ref[1]) + h1_ref[...] * inv_ref[...] + b1_ref[...]
    a1 = jnp.maximum(agg, 0.0)
    h2 = jnp.dot(a1, w2_ref[...], preferred_element_type=jnp.float32)
    h2_ref[...] = h2
    g2_ref[...] = h2 * dis_ref[...]


def _head_body(h2_ref, s_ref, dis_ref, inv_ref, b2_ref, wfc_ref, bfc_ref, o_ref):
    agg = dis_ref[...] * (s_ref[0] + s_ref[1]) + h2_ref[...] * inv_ref[...] + b2_ref[...]
    a2 = jnp.maximum(agg, 0.0)
    o_ref[...] = (
        jnp.dot(a2, wfc_ref[...], preferred_element_type=jnp.float32) + bfc_ref[...]
    )


_BM = 2000
_NBLK = N_NODES // _BM


def _rows_spec(width):
    return pl.BlockSpec((_BM, width), lambda i: (i, 0))


def _full_spec(shape):
    return pl.BlockSpec(shape, lambda i: tuple(0 for _ in shape))


def _agg_spec(width):
    return pl.BlockSpec((2, _BM, width), lambda i: (0, i, 0))


def kernel(x, edge_index, W1, b1, W2, b2, Wfc, bfc):
    f32 = jnp.float32
    src_pad = jnp.arange(E_PAD - N_EDGES, dtype=jnp.int32) % N_NODES
    dst_pad = jnp.full((E_PAD - N_EDGES,), N_PAD - 1, jnp.int32)
    src = jnp.concatenate([edge_index[0].astype(jnp.int32), src_pad]).reshape(NW, GROUPS, 128)
    dst = jnp.concatenate([edge_index[1].astype(jnp.int32), dst_pad]).reshape(NW, GROUPS, 128)
    dst_flat = dst.reshape(NW, E_TILE)

    deg_partials = _deg_kernel(dst_flat)

    dis_row, inv_row = pl.pallas_call(
        _deg_reduce_body,
        grid=(1,),
        in_specs=[_full_spec((NW, N_PAD))],
        out_specs=[_full_spec((1, N_PAD)), _full_spec((1, N_PAD))],
        out_shape=[jax.ShapeDtypeStruct((1, N_PAD), f32)] * 2,
    )(deg_partials)
    dis = dis_row.reshape(N_PAD, 1)[:N_NODES]
    inv = inv_row.reshape(N_PAD, 1)[:N_NODES]

    h1, g1 = pl.pallas_call(
        _layer1_body,
        grid=(_NBLK,),
        in_specs=[
            _rows_spec(D_IN),
            _full_spec((D_IN, D_H1)),
            _rows_spec(1),
        ],
        out_specs=[_rows_spec(D_H1), _rows_spec(D_H1)],
        out_shape=[jax.ShapeDtypeStruct((N_NODES, D_H1), f32)] * 2,
    )(x, W1, dis)

    s1 = _mp_kernel_64(g1, src, dst)

    h2, g2 = pl.pallas_call(
        _layer2_body,
        grid=(_NBLK,),
        in_specs=[
            _rows_spec(D_H1),
            _agg_spec(D_H1),
            _rows_spec(1),
            _rows_spec(1),
            _full_spec((1, D_H1)),
            _full_spec((D_H1, D_H2)),
        ],
        out_specs=[_rows_spec(D_H2), _rows_spec(D_H2)],
        out_shape=[jax.ShapeDtypeStruct((N_NODES, D_H2), f32)] * 2,
    )(h1, s1, dis, inv, b1.reshape(1, D_H1), W2)

    s2 = _mp_kernel_32(g2, src, dst)

    o = pl.pallas_call(
        _head_body,
        grid=(_NBLK,),
        in_specs=[
            _rows_spec(D_H2),
            _agg_spec(D_H2),
            _rows_spec(1),
            _rows_spec(1),
            _full_spec((1, D_H2)),
            _full_spec((D_H2, 1)),
            _full_spec((1, 1)),
        ],
        out_specs=_rows_spec(1),
        out_shape=jax.ShapeDtypeStruct((N_NODES, 1), f32),
    )(h2, s2, dis, inv, b2.reshape(1, D_H2), Wfc, bfc.reshape(1, 1))

    return o[:, 0]

# --- scband reference (transcript-rebuilt; emitter-appended) ---
"""Pipeline reference for scband-gnnmodel-84653805404378 (READ-ONLY COPY).

The authoritative reference and input builder live on the scoring server;
editing this copy changes nothing except your own understanding.
"""

import jax, jax.numpy as jnp
import numpy as np

N_NODES = 10000
N_EDGES = 160000
D_IN = 256
D_H1 = 64
D_H2 = 32


def _gcn_conv(x, edge_index, W, b, num_nodes):
    # PyG GCNConv: add self-loops, symmetric normalization, linear transform, scatter-add aggregation
    src = edge_index[0]
    dst = edge_index[1]
    loop = jnp.arange(num_nodes, dtype=src.dtype)
    src = jnp.concatenate([src, loop])
    dst = jnp.concatenate([dst, loop])
    deg = jnp.zeros((num_nodes,), dtype=x.dtype).at[dst].add(1.0)
    deg_inv_sqrt = jnp.where(deg > 0, deg ** -0.5, 0.0)
    norm = deg_inv_sqrt[src] * deg_inv_sqrt[dst]
    h = x @ W
    msg = h[src] * norm[:, None]
    out = jnp.zeros((num_nodes, h.shape[1]), dtype=x.dtype).at[dst].add(msg)
    return out + b


def setup_inputs(seed: int = 0) -> dict:
    key = jax.random.key(seed)
    ks = jax.random.split(key, 8)
    x = jax.random.normal(ks[0], (N_NODES, D_IN), dtype=jnp.float32)
    edge_index = jax.random.randint(ks[1], (2, N_EDGES), 0, N_NODES, dtype=jnp.int32)
    W1 = jax.random.normal(ks[2], (D_IN, D_H1), dtype=jnp.float32) * (1.0 / np.sqrt(D_IN))
    b1 = jnp.zeros((D_H1,), dtype=jnp.float32)
    W2 = jax.random.normal(ks[3], (D_H1, D_H2), dtype=jnp.float32) * (1.0 / np.sqrt(D_H1))
    b2 = jnp.zeros((D_H2,), dtype=jnp.float32)
    Wfc = jax.random.normal(ks[4], (D_H2, 1), dtype=jnp.float32) * (1.0 / np.sqrt(D_H2))
    bfc = jnp.zeros((1,), dtype=jnp.float32)
    return {"x": x, "edge_index": edge_index, "W1": W1, "b1": b1, "W2": W2, "b2": b2, "Wfc": Wfc, "bfc": bfc}


def reference(x, edge_index, W1, b1, W2, b2, Wfc, bfc):
    num_nodes = x.shape[0]
    h = jax.nn.relu(_gcn_conv(x, edge_index, W1, b1, num_nodes))
    # dropout is identity in eval mode
    h = jax.nn.relu(_gcn_conv(h, edge_index, W2, b2, num_nodes))
    out = h @ Wfc + bfc
    return jnp.squeeze(out, axis=-1)

if __name__ == "__main__":
    import jax
    _d = setup_inputs()
    print(jax.jit(kernel)(*tuple(_d.values())))

</pallas_src>

<mosaic_0001>
#map = affine_map<(d0, d1) -> (0, 0)>
#map1 = affine_map<(d0, d1) -> (0, 0, 0)>
module attributes {stable_mosaic.version = 14 : i64} {
  func.func @mp(%arg0: i32, %arg1: i32, %arg2: memref<10000x32xf32, #tpu.memory_space<hbm>>, %arg3: memref<32x40x128xi32, #tpu.memory_space<hbm>>, %arg4: memref<32x40x128xi32, #tpu.memory_space<hbm>>, %arg5: memref<2x10240x32xf32, #tpu.memory_space<hbm>>, %arg6: memref<40x128xi32, #tpu.memory_space<vmem>>, %arg7: memref<40x128xi32, #tpu.memory_space<vmem>>, %arg8: memref<128x32xf32, #tpu.memory_space<vmem>>, %arg9: memref<128x32xf32, #tpu.memory_space<vmem>>, %arg10: memref<128x32xf32, #tpu.memory_space<vmem>>, %arg11: memref<128x32xf32, #tpu.memory_space<vmem>>, %arg12: memref<10240x32xf32, #tpu.memory_space<vmem_shared>>, %arg13: memref<!tpu.dma_semaphore, #tpu.memory_space<semaphore_mem>>, %arg14: memref<!tpu.dma_semaphore, #tpu.memory_space<semaphore_mem>>, %arg15: memref<!tpu.dma_semaphore, #tpu.memory_space<semaphore_mem>>, %arg16: memref<!tpu.dma_semaphore, #tpu.memory_space<semaphore_mem>>) attributes {dimension_semantics = [#tpu.dimension_semantics<core_parallel>, #tpu.dimension_semantics<subcore_parallel>], iteration_bounds = array<i64: 2, 16>, scalar_prefetch = 0 : i64, scratch_operands = 11 : i64, tpu.core_type = #tpu.core_type<sc_vector_subcore>, window_params = [{transform_indices = #map}, {transform_indices = #map1}, {transform_indices = #map1}, {transform_indices = #map1}]} {
    %mul3A = arith.constant 2 : i32
    %mul3A_0 = arith.muli %arg1, %mul3A : i32
    %add3A = arith.addi %mul3A_0, %arg0 : i32
    %broadcast_in_dim3A = arith.constant 0.000000e+00 : f32
    %broadcast_in_dim3A_1 = vector.broadcast %broadcast_in_dim3A : f32 to vector<16xf32>
    %scan3A = arith.constant 0 : i32
    %scan3A_2 = arith.constant 0 : i32
    %scan3A_3 = arith.constant 256 : i32
    %scan3A_4 = arith.addi %scan3A_2, %scan3A_3 : i32
    %scan3A_5 = arith.constant 1 : i32
    %scan3A_6 = scf.for %scan3A_92 = %scan3A_2 to %scan3A_4 step %scan3A_5 iter_args(%scan3A_93 = %scan3A) -> (i32)  : i32 {
      %jit3A = arith.constant 2 : i32
      %div3A = arith.divsi %scan3A_92, %jit3A : i32
      %sign3A = arith.constant 0 : i32
      %sign3A_94 = arith.cmpi sgt, %scan3A_92, %sign3A : i32
      %sign3A_95 = arith.extui %sign3A_94 : i1 to i32
      %sign3A_96 = arith.constant 0 : i32
      %sign3A_97 = arith.cmpi slt, %scan3A_92, %sign3A_96 : i32
      %sign3A_98 = arith.extui %sign3A_97 : i1 to i32
      %sign3A_99 = arith.subi %sign3A_95, %sign3A_98 : i32
      %sign3A_100 = arith.constant 0 : i32
      %sign3A_101 = arith.cmpi sgt, %jit3A, %sign3A_100 : i32
      %sign3A_102 = arith.extui %sign3A_101 : i1 to i32
      %sign3A_103 = arith.constant 0 : i32
      %sign3A_104 = arith.cmpi slt, %jit3A, %sign3A_103 : i32
      %sign3A_105 = arith.extui %sign3A_104 : i1 to i32
      %sign3A_106 = arith.subi %sign3A_102, %sign3A_105 : i32
      %ne3A = arith.cmpi ne, %sign3A_99, %sign3A_106 : i32
      %rem3A = arith.remsi %scan3A_92, %jit3A : i32
      %ne3A_107 = arith.constant 0 : i32
      %ne3A_108 = arith.cmpi ne, %rem3A, %ne3A_107 : i32
      %and3A = arith.andi %ne3A, %ne3A_108 : i1
      %sub3A = arith.constant 1 : i32
      %sub3A_109 = arith.subi %div3A, %sub3A : i32
      %select_n3A = arith.select %and3A, %sub3A_109, %div3A : i32
      %jit3A_110 = arith.constant 2 : i32
      %eq3A = arith.constant 0 : i32
      %eq3A_111 = arith.cmpi eq, %jit3A_110, %eq3A : i32
      %jit3A_112 = arith.constant 1 : i32
      %select_n3A_113 = arith.select %eq3A_111, %jit3A_112, %jit3A_110 : i32
      %rem3A_114 = arith.remsi %scan3A_92, %select_n3A_113 : i32
      %ne3A_115 = arith.constant 0 : i32
      %ne3A_116 = arith.cmpi ne, %rem3A_114, %ne3A_115 : i32
      %lt3A = arith.constant 0 : i32
      %lt3A_117 = arith.cmpi slt, %rem3A_114, %lt3A : i32
      %lt3A_118 = arith.constant 0 : i32
      %lt3A_119 = arith.cmpi slt, %select_n3A_113, %lt3A_118 : i32
      %ne3A_120 = arith.xori %lt3A_117, %lt3A_119 : i1
      %and3A_121 = arith.andi %ne3A_120, %ne3A_116 : i1
      %add3A_122 = arith.addi %rem3A_114, %select_n3A_113 : i32
      %select_n3A_123 = arith.select %and3A_121, %add3A_122, %rem3A_114 : i32
      %mul3A_124 = arith.constant 16 : i32
      %mul3A_125 = arith.muli %select_n3A_123, %mul3A_124 : i32
      %swap3A = arith.index_cast %select_n3A : i32 to index
      %swap3A_126 = arith.index_cast %mul3A_125 : i32 to index
      %swap3A_127 = tpu.vector_load %arg8[%swap3A, %swap3A_126] {strides = array<i32>} : memref<128x32xf32, #tpu.memory_space<vmem>>, vector<16xf32>,
      tpu.vector_store %arg8[%swap3A, %swap3A_126], %broadcast_in_dim3A_1 {strides = array<i32>} : memref<128x32xf32, #tpu.memory_space<vmem>>, vector<16xf32>,
      %scan3A_128 = arith.constant 0 : i32
      scf.yield %scan3A_128 : i32
    }
    %scan3A_7 = arith.constant 256 : i32
    %mul3A_8 = arith.constant 640 : i32
    %mul3A_9 = arith.muli %arg1, %mul3A_8 : i32
    %add3A_10 = arith.constant 0 : i32
    %add3A_11 = arith.addi %mul3A_9, %add3A_10 : i32
    "tpu.region"() ({
      %run_scoped3A = tpu.sem_alloc : memref<!tpu.dma_semaphore, #tpu.memory_space<semaphore_mem>>
      %dma_start3A_92 = arith.constant 0 : i32
      %dma_start3A_93 = tpu.memref_slice %arg12[%add3A_11, %dma_start3A_92] : memref<10240x32xf32, #tpu.memory_space<vmem_shared>> -> memref<128x32xf32, #tpu.memory_space<vmem_shared>>
      %dma_start3A_94 = arith.constant 0 : i32
      %dma_start3A_95 = tpu.memref_slice %arg12[%add3A_11, %dma_start3A_94] : memref<10240x32xf32, #tpu.memory_space<vmem_shared>> -> memref<128x32xf32, #tpu.memory_space<vmem_shared>>
      tpu.enqueue_dma source(%arg8 : memref<128x32xf32, #tpu.memory_space<vmem>>) target(%dma_start3A_95 : memref<128x32xf32, #tpu.memory_space<vmem_shared>>) target_semaphore(%run_scoped3A : memref<!tpu.dma_semaphore, #tpu.memory_space<semaphore_mem>>)
      %dma_wait3A_96 = arith.constant 0 : i32
      %dma_wait3A_97 = tpu.memref_slice %arg12[%add3A_11, %dma_wait3A_96] : memref<10240x32xf32, #tpu.memory_space<vmem_shared>> -> memref<128x32xf32, #tpu.memory_space<vmem_shared>>
      %dma_wait3A_98 = arith.constant 0 : i32
      %dma_wait3A_99 = tpu.memref_slice %arg12[%add3A_11, %dma_wait3A_98] : memref<10240x32xf32, #tpu.memory_space<vmem_shared>> -> memref<128x32xf32, #tpu.memory_space<vmem_shared>>
      tpu.wait_dma2 semaphore(%run_scoped3A : memref<!tpu.dma_semaphore, #tpu.memory_space<semaphore_mem>>) src(%arg8 : memref<128x32xf32, #tpu.memory_space<vmem>>) dst(%dma_wait3A_99 : memref<128x32xf32, #tpu.memory_space<vmem_shared>>)
      tpu.yield
    }) : () -> ()
    %add3A_12 = arith.constant 128 : i32
    %add3A_13 = arith.addi %mul3A_9, %add3A_12 : i32
    "tpu.region"() ({
      %run_scoped3A = tpu.sem_alloc : memref<!tpu.dma_semaphore, #tpu.memory_space<semaphore_mem>>
      %dma_start3A_92 = arith.constant 0 : i32
      %dma_start3A_93 = tpu.memref_slice %arg12[%add3A_13, %dma_start3A_92] : memref<10240x32xf32, #tpu.memory_space<vmem_shared>> -> memref<128x32xf32, #tpu.memory_space<vmem_shared>>
      %dma_start3A_94 = arith.constant 0 : i32
      %dma_start3A_95 = tpu.memref_slice %arg12[%add3A_13, %dma_start3A_94] : memref<10240x32xf32, #tpu.memory_space<vmem_shared>> -> memref<128x32xf32, #tpu.memory_space<vmem_shared>>
      tpu.enqueue_dma source(%arg8 : memref<128x32xf32, #tpu.memory_space<vmem>>) target(%dma_start3A_95 : memref<128x32xf32, #tpu.memory_space<vmem_shared>>) target_semaphore(%run_scoped3A : memref<!tpu.dma_semaphore, #tpu.memory_space<semaphore_mem>>)
      %dma_wait3A_96 = arith.constant 0 : i32
      %dma_wait3A_97 = tpu.memref_slice %arg12[%add3A_13, %dma_wait3A_96] : memref<10240x32xf32, #tpu.memory_space<vmem_shared>> -> memref<128x32xf32, #tpu.memory_space<vmem_shared>>
      %dma_wait3A_98 = arith.constant 0 : i32
      %dma_wait3A_99 = tpu.memref_slice %arg12[%add3A_13, %dma_wait3A_98] : memref<10240x32xf32, #tpu.memory_space<vmem_shared>> -> memref<128x32xf32, #tpu.memory_space<vmem_shared>>
      tpu.wait_dma2 semaphore(%run_scoped3A : memref<!tpu.dma_semaphore, #tpu.memory_space<semaphore_mem>>) src(%arg8 : memref<128x32xf32, #tpu.memory_space<vmem>>) dst(%dma_wait3A_99 : memref<128x32xf32, #tpu.memory_space<vmem_shared>>)
      tpu.yield
    }) : () -> ()
    %add3A_14 = arith.constant 256 : i32
    %add3A_15 = arith.addi %mul3A_9, %add3A_14 : i32
    "tpu.region"() ({
      %run_scoped3A = tpu.sem_alloc : memref<!tpu.dma_semaphore, #tpu.memory_space<semaphore_mem>>
      %dma_start3A_92 = arith.constant 0 : i32
      %dma_start3A_93 = tpu.memref_slice %arg12[%add3A_15, %dma_start3A_92] : memref<10240x32xf32, #tpu.memory_space<vmem_shared>> -> memref<128x32xf32, #tpu.memory_space<vmem_shared>>
      %dma_start3A_94 = arith.constant 0 : i32
      %dma_start3A_95 = tpu.memref_slice %arg12[%add3A_15, %dma_start3A_94] : memref<10240x32xf32, #tpu.memory_space<vmem_shared>> -> memref<128x32xf32, #tpu.memory_space<vmem_shared>>
      tpu.enqueue_dma source(%arg8 : memref<128x32xf32, #tpu.memory_space<vmem>>) target(%dma_start3A_95 : memref<128x32xf32, #tpu.memory_space<vmem_shared>>) target_semaphore(%run_scoped3A : memref<!tpu.dma_semaphore, #tpu.memory_space<semaphore_mem>>)
      %dma_wait3A_96 = arith.constant 0 : i32
      %dma_wait3A_97 = tpu.memref_slice %arg12[%add3A_15, %dma_wait3A_96] : memref<10240x32xf32, #tpu.memory_space<vmem_shared>> -> memref<128x32xf32, #tpu.memory_space<vmem_shared>>
      %dma_wait3A_98 = arith.constant 0 : i32
      %dma_wait3A_99 = tpu.memref_slice %arg12[%add3A_15, %dma_wait3A_98] : memref<10240x32xf32, #tpu.memory_space<vmem_shared>> -> memref<128x32xf32, #tpu.memory_space<vmem_shared>>
      tpu.wait_dma2 semaphore(%run_scoped3A : memref<!tpu.dma_semaphore, #tpu.memory_space<semaphore_mem>>) src(%arg8 : memref<128x32xf32, #tpu.memory_space<vmem>>) dst(%dma_wait3A_99 : memref<128x32xf32, #tpu.memory_space<vmem_shared>>)
      tpu.yield
    }) : () -> ()
    %add3A_16 = arith.constant 384 : i32
    %add3A_17 = arith.addi %mul3A_9, %add3A_16 : i32
    "tpu.region"() ({
      %run_scoped3A = tpu.sem_alloc : memref<!tpu.dma_semaphore, #tpu.memory_space<semaphore_mem>>
      %dma_start3A_92 = arith.constant 0 : i32
      %dma_start3A_93 = tpu.memref_slice %arg12[%add3A_17, %dma_start3A_92] : memref<10240x32xf32, #tpu.memory_space<vmem_shared>> -> memref<128x32xf32, #tpu.memory_space<vmem_shared>>
      %dma_start3A_94 = arith.constant 0 : i32
      %dma_start3A_95 = tpu.memref_slice %arg12[%add3A_17, %dma_start3A_94] : memref<10240x32xf32, #tpu.memory_space<vmem_shared>> -> memref<128x32xf32, #tpu.memory_space<vmem_shared>>
      tpu.enqueue_dma source(%arg8 : memref<128x32xf32, #tpu.memory_space<vmem>>) target(%dma_start3A_95 : memref<128x32xf32, #tpu.memory_space<vmem_shared>>) target_semaphore(%run_scoped3A : memref<!tpu.dma_semaphore, #tpu.memory_space<semaphore_mem>>)
      %dma_wait3A_96 = arith.constant 0 : i32
      %dma_wait3A_97 = tpu.memref_slice %arg12[%add3A_17, %dma_wait3A_96] : memref<10240x32xf32, #tpu.memory_space<vmem_shared>> -> memref<128x32xf32, #tpu.memory_space<vmem_shared>>
      %dma_wait3A_98 = arith.constant 0 : i32
      %dma_wait3A_99 = tpu.memref_slice %arg12[%add3A_17, %dma_wait3A_98] : memref<10240x32xf32, #tpu.memory_space<vmem_shared>> -> memref<128x32xf32, #tpu.memory_space<vmem_shared>>
      tpu.wait_dma2 semaphore(%run_scoped3A : memref<!tpu.dma_semaphore, #tpu.memory_space<semaphore_mem>>) src(%arg8 : memref<128x32xf32, #tpu.memory_space<vmem>>) dst(%dma_wait3A_99 : memref<128x32xf32, #tpu.memory_space<vmem_shared>>)
      tpu.yield
    }) : () -> ()
    %add3A_18 = arith.constant 512 : i32
    %add3A_19 = arith.addi %mul3A_9, %add3A_18 : i32
    "tpu.region"() ({
      %run_scoped3A = tpu.sem_alloc : memref<!tpu.dma_semaphore, #tpu.memory_space<semaphore_mem>>
      %dma_start3A_92 = arith.constant 0 : i32
      %dma_start3A_93 = tpu.memref_slice %arg12[%add3A_19, %dma_start3A_92] : memref<10240x32xf32, #tpu.memory_space<vmem_shared>> -> memref<128x32xf32, #tpu.memory_space<vmem_shared>>
      %dma_start3A_94 = arith.constant 0 : i32
      %dma_start3A_95 = tpu.memref_slice %arg12[%add3A_19, %dma_start3A_94] : memref<10240x32xf32, #tpu.memory_space<vmem_shared>> -> memref<128x32xf32, #tpu.memory_space<vmem_shared>>
      tpu.enqueue_dma source(%arg8 : memref<128x32xf32, #tpu.memory_space<vmem>>) target(%dma_start3A_95 : memref<128x32xf32, #tpu.memory_space<vmem_shared>>) target_semaphore(%run_scoped3A : memref<!tpu.dma_semaphore, #tpu.memory_space<semaphore_mem>>)
      %dma_wait3A_96 = arith.constant 0 : i32
      %dma_wait3A_97 = tpu.memref_slice %arg12[%add3A_19, %dma_wait3A_96] : memref<10240x32xf32, #tpu.memory_space<vmem_shared>> -> memref<128x32xf32, #tpu.memory_space<vmem_shared>>
      %dma_wait3A_98 = arith.constant 0 : i32
      %dma_wait3A_99 = tpu.memref_slice %arg12[%add3A_19, %dma_wait3A_98] : memref<10240x32xf32, #tpu.memory_space<vmem_shared>> -> memref<128x32xf32, #tpu.memory_space<vmem_shared>>
      tpu.wait_dma2 semaphore(%run_scoped3A : memref<!tpu.dma_semaphore, #tpu.memory_space<semaphore_mem>>) src(%arg8 : memref<128x32xf32, #tpu.memory_space<vmem>>) dst(%dma_wait3A_99 : memref<128x32xf32, #tpu.memory_space<vmem_shared>>)
      tpu.yield
    }) : () -> ()
    "tpu.region"() ({
      %run_scoped3A = tpu.sem_alloc : memref<!tpu.dma_semaphore, #tpu.memory_space<semaphore_mem>>
      %dma_start3A_92 = arith.constant 0 : i32
      %dma_start3A_93 = arith.constant 0 : i32
      %dma_start3A_94 = tpu.memref_slice %arg3[%add3A, %dma_start3A_92, %dma_start3A_93] : memref<32x40x128xi32, #tpu.memory_space<hbm>> -> memref<1x40x128xi32, #tpu.memory_space<hbm>>
      %dma_start3A_95 = tpu.memref_squeeze %dma_start3A_94 : memref<1x40x128xi32, #tpu.memory_space<hbm>> -> memref<40x128xi32, #tpu.memory_space<hbm>>
      %dma_start3A_96 = arith.constant 0 : i32
      %dma_start3A_97 = arith.constant 0 : i32
      %dma_start3A_98 = tpu.memref_slice %arg3[%add3A, %dma_start3A_96, %dma_start3A_97] : memref<32x40x128xi32, #tpu.memory_space<hbm>> -> memref<1x40x128xi32, #tpu.memory_space<hbm>>
      %dma_start3A_99 = tpu.memref_squeeze %dma_start3A_98 : memref<1x40x128xi32, #tpu.memory_space<hbm>> -> memref<40x128xi32, #tpu.memory_space<hbm>>
      tpu.enqueue_dma source(%dma_start3A_99 : memref<40x128xi32, #tpu.memory_space<hbm>>) target(%arg6 : memref<40x128xi32, #tpu.memory_space<vmem>>) target_semaphore(%run_scoped3A : memref<!tpu.dma_semaphore, #tpu.memory_space<semaphore_mem>>)
      %dma_wait3A_100 = arith.constant 0 : i32
      %dma_wait3A_101 = arith.constant 0 : i32
      %dma_wait3A_102 = tpu.memref_slice %arg3[%add3A, %dma_wait3A_100, %dma_wait3A_101] : memref<32x40x128xi32, #tpu.memory_space<hbm>> -> memref<1x40x128xi32, #tpu.memory_space<hbm>>
      %dma_wait3A_103 = tpu.memref_squeeze %dma_wait3A_102 : memref<1x40x128xi32, #tpu.memory_space<hbm>> -> memref<40x128xi32, #tpu.memory_space<hbm>>
      %dma_wait3A_104 = arith.constant 0 : i32
      %dma_wait3A_105 = arith.constant 0 : i32
      %dma_wait3A_106 = tpu.memref_slice %arg3[%add3A, %dma_wait3A_104, %dma_wait3A_105] : memref<32x40x128xi32, #tpu.memory_space<hbm>> -> memref<1x40x128xi32, #tpu.memory_space<hbm>>
      %dma_wait3A_107 = tpu.memref_squeeze %dma_wait3A_106 : memref<1x40x128xi32, #tpu.memory_space<hbm>> -> memref<40x128xi32, #tpu.memory_space<hbm>>
      tpu.wait_dma2 semaphore(%run_scoped3A : memref<!tpu.dma_semaphore, #tpu.memory_space<semaphore_mem>>) src(%dma_wait3A_107 : memref<40x128xi32, #tpu.memory_space<hbm>>) dst(%arg6 : memref<40x128xi32, #tpu.memory_space<vmem>>)
      tpu.yield
    }) : () -> ()
    "tpu.region"() ({
      %run_scoped3A = tpu.sem_alloc : memref<!tpu.dma_semaphore, #tpu.memory_space<semaphore_mem>>
      %dma_start3A_92 = arith.constant 0 : i32
      %dma_start3A_93 = arith.constant 0 : i32
      %dma_start3A_94 = tpu.memref_slice %arg4[%add3A, %dma_start3A_92, %dma_start3A_93] : memref<32x40x128xi32, #tpu.memory_space<hbm>> -> memref<1x40x128xi32, #tpu.memory_space<hbm>>
      %dma_start3A_95 = tpu.memref_squeeze %dma_start3A_94 : memref<1x40x128xi32, #tpu.memory_space<hbm>> -> memref<40x128xi32, #tpu.memory_space<hbm>>
      %dma_start3A_96 = arith.constant 0 : i32
      %dma_start3A_97 = arith.constant 0 : i32
      %dma_start3A_98 = tpu.memref_slice %arg4[%add3A, %dma_start3A_96, %dma_start3A_97] : memref<32x40x128xi32, #tpu.memory_space<hbm>> -> memref<1x40x128xi32, #tpu.memory_space<hbm>>
      %dma_start3A_99 = tpu.memref_squeeze %dma_start3A_98 : memref<1x40x128xi32, #tpu.memory_space<hbm>> -> memref<40x128xi32, #tpu.memory_space<hbm>>
      tpu.enqueue_dma source(%dma_start3A_99 : memref<40x128xi32, #tpu.memory_space<hbm>>) target(%arg7 : memref<40x128xi32, #tpu.memory_space<vmem>>) target_semaphore(%run_scoped3A : memref<!tpu.dma_semaphore, #tpu.memory_space<semaphore_mem>>)
      %dma_wait3A_100 = arith.constant 0 : i32
      %dma_wait3A_101 = arith.constant 0 : i32
      %dma_wait3A_102 = tpu.memref_slice %arg4[%add3A, %dma_wait3A_100, %dma_wait3A_101] : memref<32x40x128xi32, #tpu.memory_space<hbm>> -> memref<1x40x128xi32, #tpu.memory_space<hbm>>
      %dma_wait3A_103 = tpu.memref_squeeze %dma_wait3A_102 : memref<1x40x128xi32, #tpu.memory_space<hbm>> -> memref<40x128xi32, #tpu.memory_space<hbm>>
      %dma_wait3A_104 = arith.constant 0 : i32
      %dma_wait3A_105 = arith.constant 0 : i32
      %dma_wait3A_106 = tpu.memref_slice %arg4[%add3A, %dma_wait3A_104, %dma_wait3A_105] : memref<32x40x128xi32, #tpu.memory_space<hbm>> -> memref<1x40x128xi32, #tpu.memory_space<hbm>>
      %dma_wait3A_107 = tpu.memref_squeeze %dma_wait3A_106 : memref<1x40x128xi32, #tpu.memory_space<hbm>> -> memref<40x128xi32, #tpu.memory_space<hbm>>
      tpu.wait_dma2 semaphore(%run_scoped3A : memref<!tpu.dma_semaphore, #tpu.memory_space<semaphore_mem>>) src(%dma_wait3A_107 : memref<40x128xi32, #tpu.memory_space<hbm>>) dst(%arg7 : memref<40x128xi32, #tpu.memory_space<vmem>>)
      tpu.yield
    }) : () -> ()
    %barrier3A = arith.constant 0 : index
    tpu.barrier barrier_id(%barrier3A)
    %dma_start3A = arith.constant 0 : i32
    %dma_start3A_20 = arith.constant 0 : i32
    %dma_start3A_21 = tpu.memref_slice %arg6[%dma_start3A, %dma_start3A_20] : memref<40x128xi32, #tpu.memory_space<vmem>> -> memref<1x128xi32, #tpu.memory_space<vmem>>
    %dma_start3A_22 = tpu.memref_squeeze %dma_start3A_21 : memref<1x128xi32, #tpu.memory_space<vmem>> -> memref<128xi32, #tpu.memory_space<vmem>>
    %dma_start3A_23 = arith.constant 0 : i32
    %dma_start3A_24 = arith.constant 0 : i32
    %dma_start3A_25 = tpu.memref_slice %arg2[%dma_start3A_23, %dma_start3A_24] : memref<10000x32xf32, #tpu.memory_space<hbm>> -> memref<10000x32xf32, #tpu.memory_space<hbm>>
    tpu.enqueue_indirect_dma source(%dma_start3A_25 : memref<10000x32xf32, #tpu.memory_space<hbm>>) target(%arg8 : memref<128x32xf32, #tpu.memory_space<vmem>>) offsets(%dma_start3A_22 : memref<128xi32, #tpu.memory_space<vmem>>) semaphore(%arg13 : memref<!tpu.dma_semaphore, #tpu.memory_space<semaphore_mem>>)
    %dma_start3A_26 = arith.constant 1 : i32
    %dma_start3A_27 = arith.constant 0 : i32
    %dma_start3A_28 = tpu.memref_slice %arg6[%dma_start3A_26, %dma_start3A_27] : memref<40x128xi32, #tpu.memory_space<vmem>> -> memref<1x128xi32, #tpu.memory_space<vmem>>
    %dma_start3A_29 = tpu.memref_squeeze %dma_start3A_28 : memref<1x128xi32, #tpu.memory_space<vmem>> -> memref<128xi32, #tpu.memory_space<vmem>>
    %dma_start3A_30 = arith.constant 0 : i32
    %dma_start3A_31 = arith.constant 0 : i32
    %dma_start3A_32 = tpu.memref_slice %arg2[%dma_start3A_30, %dma_start3A_31] : memref<10000x32xf32, #tpu.memory_space<hbm>> -> memref<10000x32xf32, #tpu.memory_space<hbm>>
    tpu.enqueue_indirect_dma source(%dma_start3A_32 : memref<10000x32xf32, #tpu.memory_space<hbm>>) target(%arg9 : memref<128x32xf32, #tpu.memory_space<vmem>>) offsets(%dma_start3A_29 : memref<128xi32, #tpu.memory_space<vmem>>) semaphore(%arg14 : memref<!tpu.dma_semaphore, #tpu.memory_space<semaphore_mem>>)
    %dma_start3A_33 = arith.constant 2 : i32
    %dma_start3A_34 = arith.constant 0 : i32
    %dma_start3A_35 = tpu.memref_slice %arg6[%dma_start3A_33, %dma_start3A_34] : memref<40x128xi32, #tpu.memory_space<vmem>> -> memref<1x128xi32, #tpu.memory_space<vmem>>
    %dma_start3A_36 = tpu.memref_squeeze %dma_start3A_35 : memref<1x128xi32, #tpu.memory_space<vmem>> -> memref<128xi32, #tpu.memory_space<vmem>>
    %dma_start3A_37 = arith.constant 0 : i32
    %dma_start3A_38 = arith.constant 0 : i32
    %dma_start3A_39 = tpu.memref_slice %arg2[%dma_start3A_37, %dma_start3A_38] : memref<10000x32xf32, #tpu.memory_space<hbm>> -> memref<10000x32xf32, #tpu.memory_space<hbm>>
    tpu.enqueue_indirect_dma source(%dma_start3A_39 : memref<10000x32xf32, #tpu.memory_space<hbm>>) target(%arg10 : memref<128x32xf32, #tpu.memory_space<vmem>>) offsets(%dma_start3A_36 : memref<128xi32, #tpu.memory_space<vmem>>) semaphore(%arg15 : memref<!tpu.dma_semaphore, #tpu.memory_space<semaphore_mem>>)
    %dma_start3A_40 = arith.constant 3 : i32
    %dma_start3A_41 = arith.constant 0 : i32
    %dma_start3A_42 = tpu.memref_slice %arg6[%dma_start3A_40, %dma_start3A_41] : memref<40x128xi32, #tpu.memory_space<vmem>> -> memref<1x128xi32, #tpu.memory_space<vmem>>
    %dma_start3A_43 = tpu.memref_squeeze %dma_start3A_42 : memref<1x128xi32, #tpu.memory_space<vmem>> -> memref<128xi32, #tpu.memory_space<vmem>>
    %dma_start3A_44 = arith.constant 0 : i32
    %dma_start3A_45 = arith.constant 0 : i32
    %dma_start3A_46 = tpu.memref_slice %arg2[%dma_start3A_44, %dma_start3A_45] : memref<10000x32xf32, #tpu.memory_space<hbm>> -> memref<10000x32xf32, #tpu.memory_space<hbm>>
    tpu.enqueue_indirect_dma source(%dma_start3A_46 : memref<10000x32xf32, #tpu.memory_space<hbm>>) target(%arg11 : memref<128x32xf32, #tpu.memory_space<vmem>>) offsets(%dma_start3A_43 : memref<128xi32, #tpu.memory_space<vmem>>) semaphore(%arg16 : memref<!tpu.dma_semaphore, #tpu.memory_space<semaphore_mem>>)
    %scan3A_47 = arith.constant 0 : i32
    %scan3A_48 = arith.constant 0 : i32
    %scan3A_49 = arith.constant 10 : i32
    %scan3A_50 = arith.addi %scan3A_48, %scan3A_49 : i32
    %scan3A_51 = arith.constant 1 : i32
    %scan3A_52 = scf.for %scan3A_92 = %scan3A_48 to %scan3A_50 step %scan3A_51 iter_args(%scan3A_93 = %scan3A_47) -> (i32)  : i32 {
      %mul3A_94 = arith.constant 4 : i32
      %mul3A_95 = arith.muli %mul3A_94, %scan3A_92 : i32
      %add3A_96 = arith.constant 0 : i32
      %add3A_97 = arith.addi %mul3A_95, %add3A_96 : i32
      %dma_wait3A_98 = arith.constant 0 : i32
      %dma_wait3A_99 = tpu.memref_slice %arg6[%add3A_97, %dma_wait3A_98] : memref<40x128xi32, #tpu.memory_space<vmem>> -> memref<1x128xi32, #tpu.memory_space<vmem>>
      %dma_wait3A_100 = tpu.memref_squeeze %dma_wait3A_99 : memref<1x128xi32, #tpu.memory_space<vmem>> -> memref<128xi32, #tpu.memory_space<vmem>>
      %dma_wait3A_101 = arith.constant 0 : i32
      %dma_wait3A_102 = arith.constant 0 : i32
      %dma_wait3A_103 = tpu.memref_slice %arg2[%dma_wait3A_101, %dma_wait3A_102] : memref<10000x32xf32, #tpu.memory_space<hbm>> -> memref<10000x32xf32, #tpu.memory_space<hbm>>
      tpu.wait_indirect_dma semaphore(%arg13 : memref<!tpu.dma_semaphore, #tpu.memory_space<semaphore_mem>>) src(%dma_wait3A_103 : memref<10000x32xf32, #tpu.memory_space<hbm>>) dst(%arg8 : memref<128x32xf32, #tpu.memory_space<vmem>>)
      "tpu.region"() ({
        %run_scoped3A = tpu.sem_alloc : memref<!tpu.dma_semaphore, #tpu.memory_space<semaphore_mem>>
        %dma_start3A_168 = arith.constant 0 : i32
        %dma_start3A_169 = tpu.memref_slice %arg7[%add3A_97, %dma_start3A_168] : memref<40x128xi32, #tpu.memory_space<vmem>> -> memref<1x128xi32, #tpu.memory_space<vmem>>
        %dma_start3A_170 = tpu.memref_squeeze %dma_start3A_169 : memref<1x128xi32, #tpu.memory_space<vmem>> -> memref<128xi32, #tpu.memory_space<vmem>>
        %dma_start3A_171 = arith.constant 0 : i32
        %dma_start3A_172 = arith.constant 0 : i32
        %dma_start3A_173 = tpu.memref_slice %arg12[%dma_start3A_171, %dma_start3A_172] : memref<10240x32xf32, #tpu.memory_space<vmem_shared>> -> memref<10240x32xf32, #tpu.memory_space<vmem_shared>>
        tpu.enqueue_indirect_dma source(%arg8 : memref<128x32xf32, #tpu.memory_space<vmem>>) target(%dma_start3A_173 : memref<10240x32xf32, #tpu.memory_space<vmem_shared>>) offsets(%dma_start3A_170 : memref<128xi32, #tpu.memory_space<vmem>>) semaphore(%run_scoped3A : memref<!tpu.dma_semaphore, #tpu.memory_space<semaphore_mem>>) {add = true}
        %dma_wait3A_174 = arith.constant 0 : i32
        %dma_wait3A_175 = tpu.memref_slice %arg7[%add3A_97, %dma_wait3A_174] : memref<40x128xi32, #tpu.memory_space<vmem>> -> memref<1x128xi32, #tpu.memory_space<vmem>>
        %dma_wait3A_176 = tpu.memref_squeeze %dma_wait3A_175 : memref<1x128xi32, #tpu.memory_space<vmem>> -> memref<128xi32, #tpu.memory_space<vmem>>
        %dma_wait3A_177 = arith.constant 0 : i32
        %dma_wait3A_178 = arith.constant 0 : i32
        %dma_wait3A_179 = tpu.memref_slice %arg12[%dma_wait3A_177, %dma_wait3A_178] : memref<10240x32xf32, #tpu.memory_space<vmem_shared>> -> memref<10240x32xf32, #tpu.memory_space<vmem_shared>>
        tpu.wait_indirect_dma semaphore(%run_scoped3A : memref<!tpu.dma_semaphore, #tpu.memory_space<semaphore_mem>>) src(%arg8 : memref<128x32xf32, #tpu.memory_space<vmem>>) dst(%dma_wait3A_179 : memref<10240x32xf32, #tpu.memory_space<vmem_shared>>)
        tpu.yield
      }) : () -> ()
      %add3A_104 = arith.constant 4 : i32
      %add3A_105 = arith.addi %add3A_97, %add3A_104 : i32
      %min3A = arith.constant 39 : i32
      %min3A_106 = arith.minsi %add3A_105, %min3A : i32
      %dma_start3A_107 = arith.constant 0 : i32
      %dma_start3A_108 = tpu.memref_slice %arg6[%min3A_106, %dma_start3A_107] : memref<40x128xi32, #tpu.memory_space<vmem>> -> memref<1x128xi32, #tpu.memory_space<vmem>>
      %dma_start3A_109 = tpu.memref_squeeze %dma_start3A_108 : memref<1x128xi32, #tpu.memory_space<vmem>> -> memref<128xi32, #tpu.memory_space<vmem>>
      %dma_start3A_110 = arith.constant 0 : i32
      %dma_start3A_111 = arith.constant 0 : i32
      %dma_start3A_112 = tpu.memref_slice %arg2[%dma_start3A_110, %dma_start3A_111] : memref<10000x32xf32, #tpu.memory_space<hbm>> -> memref<10000x32xf32, #tpu.memory_space<hbm>>
      tpu.enqueue_indirect_dma source(%dma_start3A_112 : memref<10000x32xf32, #tpu.memory_space<hbm>>) target(%arg8 : memref<128x32xf32, #tpu.memory_space<vmem>>) offsets(%dma_start3A_109 : memref<128xi32, #tpu.memory_space<vmem>>) semaphore(%arg13 : memref<!tpu.dma_semaphore, #tpu.memory_space<semaphore_mem>>)
      %add3A_113 = arith.constant 1 : i32
      %add3A_114 = arith.addi %mul3A_95, %add3A_113 : i32
      %dma_wait3A_115 = arith.constant 0 : i32
      %dma_wait3A_116 = tpu.memref_slice %arg6[%add3A_114, %dma_wait3A_115] : memref<40x128xi32, #tpu.memory_space<vmem>> -> memref<1x128xi32, #tpu.memory_space<vmem>>
      %dma_wait3A_117 = tpu.memref_squeeze %dma_wait3A_116 : memref<1x128xi32, #tpu.memory_space<vmem>> -> memref<128xi32, #tpu.memory_space<vmem>>
      %dma_wait3A_118 = arith.constant 0 : i32
      %dma_wait3A_119 = arith.constant 0 : i32
      %dma_wait3A_120 = tpu.memref_slice %arg2[%dma_wait3A_118, %dma_wait3A_119] : memref<10000x32xf32, #tpu.memory_space<hbm>> -> memref<10000x32xf32, #tpu.memory_space<hbm>>
      tpu.wait_indirect_dma semaphore(%arg14 : memref<!tpu.dma_semaphore, #tpu.memory_space<semaphore_mem>>) src(%dma_wait3A_120 : memref<10000x32xf32, #tpu.memory_space<hbm>>) dst(%arg9 : memref<128x32xf32, #tpu.memory_space<vmem>>)
      "tpu.region"() ({
        %run_scoped3A = tpu.sem_alloc : memref<!tpu.dma_semaphore, #tpu.memory_space<semaphore_mem>>
        %dma_start3A_168 = arith.constant 0 : i32
        %dma_start3A_169 = tpu.memref_slice %arg7[%add3A_114, %dma_start3A_168] : memref<40x128xi32, #tpu.memory_space<vmem>> -> memref<1x128xi32, #tpu.memory_space<vmem>>
        %dma_start3A_170 = tpu.memref_squeeze %dma_start3A_169 : memref<1x128xi32, #tpu.memory_space<vmem>> -> memref<128xi32, #tpu.memory_space<vmem>>
        %dma_start3A_171 = arith.constant 0 : i32
        %dma_start3A_172 = arith.constant 0 : i32
        %dma_start3A_173 = tpu.memref_slice %arg12[%dma_start3A_171, %dma_start3A_172] : memref<10240x32xf32, #tpu.memory_space<vmem_shared>> -> memref<10240x32xf32, #tpu.memory_space<vmem_shared>>
        tpu.enqueue_indirect_dma source(%arg9 : memref<128x32xf32, #tpu.memory_space<vmem>>) target(%dma_start3A_173 : memref<10240x32xf32, #tpu.memory_space<vmem_shared>>) offsets(%dma_start3A_170 : memref<128xi32, #tpu.memory_space<vmem>>) semaphore(%run_scoped3A : memref<!tpu.dma_semaphore, #tpu.memory_space<semaphore_mem>>) {add = true}
        %dma_wait3A_174 = arith.constant 0 : i32
        %dma_wait3A_175 = tpu.memref_slice %arg7[%add3A_114, %dma_wait3A_174] : memref<40x128xi32, #tpu.memory_space<vmem>> -> memref<1x128xi32, #tpu.memory_space<vmem>>
        %dma_wait3A_176 = tpu.memref_squeeze %dma_wait3A_175 : memref<1x128xi32, #tpu.memory_space<vmem>> -> memref<128xi32, #tpu.memory_space<vmem>>
        %dma_wait3A_177 = arith.constant 0 : i32
        %dma_wait3A_178 = arith.constant 0 : i32
        %dma_wait3A_179 = tpu.memref_slice %arg12[%dma_wait3A_177, %dma_wait3A_178] : memref<10240x32xf32, #tpu.memory_space<vmem_shared>> -> memref<10240x32xf32, #tpu.memory_space<vmem_shared>>
        tpu.wait_indirect_dma semaphore(%run_scoped3A : memref<!tpu.dma_semaphore, #tpu.memory_space<semaphore_mem>>) src(%arg9 : memref<128x32xf32, #tpu.memory_space<vmem>>) dst(%dma_wait3A_179 : memref<10240x32xf32, #tpu.memory_space<vmem_shared>>)
        tpu.yield
      }) : () -> ()
      %add3A_121 = arith.constant 4 : i32
      %add3A_122 = arith.addi %add3A_114, %add3A_121 : i32
      %min3A_123 = arith.constant 39 : i32
      %min3A_124 = arith.minsi %add3A_122, %min3A_123 : i32
      %dma_start3A_125 = arith.constant 0 : i32
      %dma_start3A_126 = tpu.memref_slice %arg6[%min3A_124, %dma_start3A_125] : memref<40x128xi32, #tpu.memory_space<vmem>> -> memref<1x128xi32, #tpu.memory_space<vmem>>
      %dma_start3A_127 = tpu.memref_squeeze %dma_start3A_126 : memref<1x128xi32, #tpu.memory_space<vmem>> -> memref<128xi32, #tpu.memory_space<vmem>>
      %dma_start3A_128 = arith.constant 0 : i32
      %dma_start3A_129 = arith.constant 0 : i32
      %dma_start3A_130 = tpu.memref_slice %arg2[%dma_start3A_128, %dma_start3A_129] : memref<10000x32xf32, #tpu.memory_space<hbm>> -> memref<10000x32xf32, #tpu.memory_space<hbm>>
      tpu.enqueue_indirect_dma source(%dma_start3A_130 : memref<10000x32xf32, #tpu.memory_space<hbm>>) target(%arg9 : memref<128x32xf32, #tpu.memory_space<vmem>>) offsets(%dma_start3A_127 : memref<128xi32, #tpu.memory_space<vmem>>) semaphore(%arg14 : memref<!tpu.dma_semaphore, #tpu.memory_space<semaphore_mem>>)
      %add3A_131 = arith.constant 2 : i32
      %add3A_132 = arith.addi %mul3A_95, %add3A_131 : i32
      %dma_wait3A_133 = arith.constant 0 : i32
      %dma_wait3A_134 = tpu.memref_slice %arg6[%add3A_132, %dma_wait3A_133] : memref<40x128xi32, #tpu.memory_space<vmem>> -> memref<1x128xi32, #tpu.memory_space<vmem>>
      %dma_wait3A_135 = tpu.memref_squeeze %dma_wait3A_134 : memref<1x128xi32, #tpu.memory_space<vmem>> -> memref<128xi32, #tpu.memory_space<vmem>>
      %dma_wait3A_136 = arith.constant 0 : i32
      %dma_wait3A_137 = arith.constant 0 : i32
      %dma_wait3A_138 = tpu.memref_slice %arg2[%dma_wait3A_136, %dma_wait3A_137] : memref<10000x32xf32, #tpu.memory_space<hbm>> -> memref<10000x32xf32, #tpu.memory_space<hbm>>
      tpu.wait_indirect_dma semaphore(%arg15 : memref<!tpu.dma_semaphore, #tpu.memory_space<semaphore_mem>>) src(%dma_wait3A_138 : memref<10000x32xf32, #tpu.memory_space<hbm>>) dst(%arg10 : memref<128x32xf32, #tpu.memory_space<vmem>>)
      "tpu.region"() ({
        %run_scoped3A = tpu.sem_alloc : memref<!tpu.dma_semaphore, #tpu.memory_space<semaphore_mem>>
        %dma_start3A_168 = arith.constant 0 : i32
        %dma_start3A_169 = tpu.memref_slice %arg7[%add3A_132, %dma_start3A_168] : memref<40x128xi32, #tpu.memory_space<vmem>> -> memref<1x128xi32, #tpu.memory_space<vmem>>
        %dma_start3A_170 = tpu.memref_squeeze %dma_start3A_169 : memref<1x128xi32, #tpu.memory_space<vmem>> -> memref<128xi32, #tpu.memory_space<vmem>>
        %dma_start3A_171 = arith.constant 0 : i32
        %dma_start3A_172 = arith.constant 0 : i32
        %dma_start3A_173 = tpu.memref_slice %arg12[%dma_start3A_171, %dma_start3A_172] : memref<10240x32xf32, #tpu.memory_space<vmem_shared>> -> memref<10240x32xf32, #tpu.memory_space<vmem_shared>>
        tpu.enqueue_indirect_dma source(%arg10 : memref<128x32xf32, #tpu.memory_space<vmem>>) target(%dma_start3A_173 : memref<10240x32xf32, #tpu.memory_space<vmem_shared>>) offsets(%dma_start3A_170 : memref<128xi32, #tpu.memory_space<vmem>>) semaphore(%run_scoped3A : memref<!tpu.dma_semaphore, #tpu.memory_space<semaphore_mem>>) {add = true}
        %dma_wait3A_174 = arith.constant 0 : i32
        %dma_wait3A_175 = tpu.memref_slice %arg7[%add3A_132, %dma_wait3A_174] : memref<40x128xi32, #tpu.memory_space<vmem>> -> memref<1x128xi32, #tpu.memory_space<vmem>>
        %dma_wait3A_176 = tpu.memref_squeeze %dma_wait3A_175 : memref<1x128xi32, #tpu.memory_space<vmem>> -> memref<128xi32, #tpu.memory_space<vmem>>
        %dma_wait3A_177 = arith.constant 0 : i32
        %dma_wait3A_178 = arith.constant 0 : i32
        %dma_wait3A_179 = tpu.memref_slice %arg12[%dma_wait3A_177, %dma_wait3A_178] : memref<10240x32xf32, #tpu.memory_space<vmem_shared>> -> memref<10240x32xf32, #tpu.memory_space<vmem_shared>>
        tpu.wait_indirect_dma semaphore(%run_scoped3A : memref<!tpu.dma_semaphore, #tpu.memory_space<semaphore_mem>>) src(%arg10 : memref<128x32xf32, #tpu.memory_space<vmem>>) dst(%dma_wait3A_179 : memref<10240x32xf32, #tpu.memory_space<vmem_shared>>)
        tpu.yield
      }) : () -> ()
      %add3A_139 = arith.constant 4 : i32
      %add3A_140 = arith.addi %add3A_132, %add3A_139 : i32
      %min3A_141 = arith.constant 39 : i32
      %min3A_142 = arith.minsi %add3A_140, %min3A_141 : i32
      %dma_start3A_143 = arith.constant 0 : i32
      %dma_start3A_144 = tpu.memref_slice %arg6[%min3A_142, %dma_start3A_143] : memref<40x128xi32, #tpu.memory_space<vmem>> -> memref<1x128xi32, #tpu.memory_space<vmem>>
      %dma_start3A_145 = tpu.memref_squeeze %dma_start3A_144 : memref<1x128xi32, #tpu.memory_space<vmem>> -> memref<128xi32, #tpu.memory_space<vmem>>
      %dma_start3A_146 = arith.constant 0 : i32
      %dma_start3A_147 = arith.constant 0 : i32
      %dma_start3A_148 = tpu.memref_slice %arg2[%dma_start3A_146, %dma_start3A_147] : memref<10000x32xf32, #tpu.memory_space<hbm>> -> memref<10000x32xf32, #tpu.memory_space<hbm>>
      tpu.enqueue_indirect_dma source(%dma_start3A_148 : memref<10000x32xf32, #tpu.memory_space<hbm>>) target(%arg10 : memref<128x32xf32, #tpu.memory_space<vmem>>) offsets(%dma_start3A_145 : memref<128xi32, #tpu.memory_space<vmem>>) semaphore(%arg15 : memref<!tpu.dma_semaphore, #tpu.memory_space<semaphore_mem>>)
      %add3A_149 = arith.constant 3 : i32
      %add3A_150 = arith.addi %mul3A_95, %add3A_149 : i32
      %dma_wait3A_151 = arith.constant 0 : i32
      %dma_wait3A_152 = tpu.memref_slice %arg6[%add3A_150, %dma_wait3A_151] : memref<40x128xi32, #tpu.memory_space<vmem>> -> memref<1x128xi32, #tpu.memory_space<vmem>>
      %dma_wait3A_153 = tpu.memref_squeeze %dma_wait3A_152 : memref<1x128xi32, #tpu.memory_space<vmem>> -> memref<128xi32, #tpu.memory_space<vmem>>
      %dma_wait3A_154 = arith.constant 0 : i32
      %dma_wait3A_155 = arith.constant 0 : i32
      %dma_wait3A_156 = tpu.memref_slice %arg2[%dma_wait3A_154, %dma_wait3A_155] : memref<10000x32xf32, #tpu.memory_space<hbm>> -> memref<10000x32xf32, #tpu.memory_space<hbm>>
      tpu.wait_indirect_dma semaphore(%arg16 : memref<!tpu.dma_semaphore, #tpu.memory_space<semaphore_mem>>) src(%dma_wait3A_156 : memref<10000x32xf32, #tpu.memory_space<hbm>>) dst(%arg11 : memref<128x32xf32, #tpu.memory_space<vmem>>)
      "tpu.region"() ({
        %run_scoped3A = tpu.sem_alloc : memref<!tpu.dma_semaphore, #tpu.memory_space<semaphore_mem>>
        %dma_start3A_168 = arith.constant 0 : i32
        %dma_start3A_169 = tpu.memref_slice %arg7[%add3A_150, %dma_start3A_168] : memref<40x128xi32, #tpu.memory_space<vmem>> -> memref<1x128xi32, #tpu.memory_space<vmem>>
        %dma_start3A_170 = tpu.memref_squeeze %dma_start3A_169 : memref<1x128xi32, #tpu.memory_space<vmem>> -> memref<128xi32, #tpu.memory_space<vmem>>
        %dma_start3A_171 = arith.constant 0 : i32
        %dma_start3A_172 = arith.constant 0 : i32
        %dma_start3A_173 = tpu.memref_slice %arg12[%dma_start3A_171, %dma_start3A_172] : memref<10240x32xf32, #tpu.memory_space<vmem_shared>> -> memref<10240x32xf32, #tpu.memory_space<vmem_shared>>
        tpu.enqueue_indirect_dma source(%arg11 : memref<128x32xf32, #tpu.memory_space<vmem>>) target(%dma_start3A_173 : memref<10240x32xf32, #tpu.memory_space<vmem_shared>>) offsets(%dma_start3A_170 : memref<128xi32, #tpu.memory_space<vmem>>) semaphore(%run_scoped3A : memref<!tpu.dma_semaphore, #tpu.memory_space<semaphore_mem>>) {add = true}
        %dma_wait3A_174 = arith.constant 0 : i32
        %dma_wait3A_175 = tpu.memref_slice %arg7[%add3A_150, %dma_wait3A_174] : memref<40x128xi32, #tpu.memory_space<vmem>> -> memref<1x128xi32, #tpu.memory_space<vmem>>
        %dma_wait3A_176 = tpu.memref_squeeze %dma_wait3A_175 : memref<1x128xi32, #tpu.memory_space<vmem>> -> memref<128xi32, #tpu.memory_space<vmem>>
        %dma_wait3A_177 = arith.constant 0 : i32
        %dma_wait3A_178 = arith.constant 0 : i32
        %dma_wait3A_179 = tpu.memref_slice %arg12[%dma_wait3A_177, %dma_wait3A_178] : memref<10240x32xf32, #tpu.memory_space<vmem_shared>> -> memref<10240x32xf32, #tpu.memory_space<vmem_shared>>
        tpu.wait_indirect_dma semaphore(%run_scoped3A : memref<!tpu.dma_semaphore, #tpu.memory_space<semaphore_mem>>) src(%arg11 : memref<128x32xf32, #tpu.memory_space<vmem>>) dst(%dma_wait3A_179 : memref<10240x32xf32, #tpu.memory_space<vmem_shared>>)
        tpu.yield
      }) : () -> ()
      %add3A_157 = arith.constant 4 : i32
      %add3A_158 = arith.addi %add3A_150, %add3A_157 : i32
      %min3A_159 = arith.constant 39 : i32
      %min3A_160 = arith.minsi %add3A_158, %min3A_159 : i32
      %dma_start3A_161 = arith.constant 0 : i32
      %dma_start3A_162 = tpu.memref_slice %arg6[%min3A_160, %dma_start3A_161] : memref<40x128xi32, #tpu.memory_space<vmem>> -> memref<1x128xi32, #tpu.memory_space<vmem>>
      %dma_start3A_163 = tpu.memref_squeeze %dma_start3A_162 : memref<1x128xi32, #tpu.memory_space<vmem>> -> memref<128xi32, #tpu.memory_space<vmem>>
      %dma_start3A_164 = arith.constant 0 : i32
      %dma_start3A_165 = arith.constant 0 : i32
      %dma_start3A_166 = tpu.memref_slice %arg2[%dma_start3A_164, %dma_start3A_165] : memref<10000x32xf32, #tpu.memory_space<hbm>> -> memref<10000x32xf32, #tpu.memory_space<hbm>>
      tpu.enqueue_indirect_dma source(%dma_start3A_166 : memref<10000x32xf32, #tpu.memory_space<hbm>>) target(%arg11 : memref<128x32xf32, #tpu.memory_space<vmem>>) offsets(%dma_start3A_163 : memref<128xi32, #tpu.memory_space<vmem>>) semaphore(%arg16 : memref<!tpu.dma_semaphore, #tpu.memory_space<semaphore_mem>>)
      %scan3A_167 = arith.constant 0 : i32
      scf.yield %scan3A_167 : i32
    }
    %scan3A_53 = arith.constant 10 : i32
    %dma_wait3A = arith.constant 0 : i32
    %dma_wait3A_54 = arith.constant 0 : i32
    %dma_wait3A_55 = tpu.memref_slice %arg6[%dma_wait3A, %dma_wait3A_54] : memref<40x128xi32, #tpu.memory_space<vmem>> -> memref<1x128xi32, #tpu.memory_space<vmem>>
    %dma_wait3A_56 = tpu.memref_squeeze %dma_wait3A_55 : memref<1x128xi32, #tpu.memory_space<vmem>> -> memref<128xi32, #tpu.memory_space<vmem>>
    %dma_wait3A_57 = arith.constant 0 : i32
    %dma_wait3A_58 = arith.constant 0 : i32
    %dma_wait3A_59 = tpu.memref_slice %arg2[%dma_wait3A_57, %dma_wait3A_58] : memref<10000x32xf32, #tpu.memory_space<hbm>> -> memref<10000x32xf32, #tpu.memory_space<hbm>>
    tpu.wait_indirect_dma semaphore(%arg13 : memref<!tpu.dma_semaphore, #tpu.memory_space<semaphore_mem>>) src(%dma_wait3A_59 : memref<10000x32xf32, #tpu.memory_space<hbm>>) dst(%arg8 : memref<128x32xf32, #tpu.memory_space<vmem>>)
    %dma_wait3A_60 = arith.constant 0 : i32
    %dma_wait3A_61 = arith.constant 0 : i32
    %dma_wait3A_62 = tpu.memref_slice %arg6[%dma_wait3A_60, %dma_wait3A_61] : memref<40x128xi32, #tpu.memory_space<vmem>> -> memref<1x128xi32, #tpu.memory_space<vmem>>
    %dma_wait3A_63 = tpu.memref_squeeze %dma_wait3A_62 : memref<1x128xi32, #tpu.memory_space<vmem>> -> memref<128xi32, #tpu.memory_space<vmem>>
    %dma_wait3A_64 = arith.constant 0 : i32
    %dma_wait3A_65 = arith.constant 0 : i32
    %dma_wait3A_66 = tpu.memref_slice %arg2[%dma_wait3A_64, %dma_wait3A_65] : memref<10000x32xf32, #tpu.memory_space<hbm>> -> memref<10000x32xf32, #tpu.memory_space<hbm>>
    tpu.wait_indirect_dma semaphore(%arg14 : memref<!tpu.dma_semaphore, #tpu.memory_space<semaphore_mem>>) src(%dma_wait3A_66 : memref<10000x32xf32, #tpu.memory_space<hbm>>) dst(%arg9 : memref<128x32xf32, #tpu.memory_space<vmem>>)
    %dma_wait3A_67 = arith.constant 0 : i32
    %dma_wait3A_68 = arith.constant 0 : i32
    %dma_wait3A_69 = tpu.memref_slice %arg6[%dma_wait3A_67, %dma_wait3A_68] : memref<40x128xi32, #tpu.memory_space<vmem>> -> memref<1x128xi32, #tpu.memory_space<vmem>>
    %dma_wait3A_70 = tpu.memref_squeeze %dma_wait3A_69 : memref<1x128xi32, #tpu.memory_space<vmem>> -> memref<128xi32, #tpu.memory_space<vmem>>
    %dma_wait3A_71 = arith.constant 0 : i32
    %dma_wait3A_72 = arith.constant 0 : i32
    %dma_wait3A_73 = tpu.memref_slice %arg2[%dma_wait3A_71, %dma_wait3A_72] : memref<10000x32xf32, #tpu.memory_space<hbm>> -> memref<10000x32xf32, #tpu.memory_space<hbm>>
    tpu.wait_indirect_dma semaphore(%arg15 : memref<!tpu.dma_semaphore, #tpu.memory_space<semaphore_mem>>) src(%dma_wait3A_73 : memref<10000x32xf32, #tpu.memory_space<hbm>>) dst(%arg10 : memref<128x32xf32, #tpu.memory_space<vmem>>)
    %dma_wait3A_74 = arith.constant 0 : i32
    %dma_wait3A_75 = arith.constant 0 : i32
    %dma_wait3A_76 = tpu.memref_slice %arg6[%dma_wait3A_74, %dma_wait3A_75] : memref<40x128xi32, #tpu.memory_space<vmem>> -> memref<1x128xi32, #tpu.memory_space<vmem>>
    %dma_wait3A_77 = tpu.memref_squeeze %dma_wait3A_76 : memref<1x128xi32, #tpu.memory_space<vmem>> -> memref<128xi32, #tpu.memory_space<vmem>>
    %dma_wait3A_78 = arith.constant 0 : i32
    %dma_wait3A_79 = arith.constant 0 : i32
    %dma_wait3A_80 = tpu.memref_slice %arg2[%dma_wait3A_78, %dma_wait3A_79] : memref<10000x32xf32, #tpu.memory_space<hbm>> -> memref<10000x32xf32, #tpu.memory_space<hbm>>
    tpu.wait_indirect_dma semaphore(%arg16 : memref<!tpu.dma_semaphore, #tpu.memory_space<semaphore_mem>>) src(%dma_wait3A_80 : memref<10000x32xf32, #tpu.memory_space<hbm>>) dst(%arg11 : memref<128x32xf32, #tpu.memory_space<vmem>>)
    %barrier3A_81 = arith.constant 0 : index
    tpu.barrier barrier_id(%barrier3A_81)
    %add3A_82 = arith.constant 0 : i32
    %add3A_83 = arith.addi %mul3A_9, %add3A_82 : i32
    "tpu.region"() ({
      %run_scoped3A = tpu.sem_alloc : memref<!tpu.dma_semaphore, #tpu.memory_space<semaphore_mem>>
      %dma_start3A_92 = arith.constant 0 : i32
      %dma_start3A_93 = tpu.memref_slice %arg12[%add3A_83, %dma_start3A_92] : memref<10240x32xf32, #tpu.memory_space<vmem_shared>> -> memref<128x32xf32, #tpu.memory_space<vmem_shared>>
      %dma_start3A_94 = arith.constant 0 : i32
      %dma_start3A_95 = tpu.memref_slice %arg12[%add3A_83, %dma_start3A_94] : memref<10240x32xf32, #tpu.memory_space<vmem_shared>> -> memref<128x32xf32, #tpu.memory_space<vmem_shared>>
      tpu.enqueue_dma source(%dma_start3A_95 : memref<128x32xf32, #tpu.memory_space<vmem_shared>>) target(%arg8 : memref<128x32xf32, #tpu.memory_space<vmem>>) target_semaphore(%run_scoped3A : memref<!tpu.dma_semaphore, #tpu.memory_space<semaphore_mem>>)
      %dma_wait3A_96 = arith.constant 0 : i32
      %dma_wait3A_97 = tpu.memref_slice %arg12[%add3A_83, %dma_wait3A_96] : memref<10240x32xf32, #tpu.memory_space<vmem_shared>> -> memref<128x32xf32, #tpu.memory_space<vmem_shared>>
      %dma_wait3A_98 = arith.constant 0 : i32
      %dma_wait3A_99 = tpu.memref_slice %arg12[%add3A_83, %dma_wait3A_98] : memref<10240x32xf32, #tpu.memory_space<vmem_shared>> -> memref<128x32xf32, #tpu.memory_space<vmem_shared>>
      tpu.wait_dma2 semaphore(%run_scoped3A : memref<!tpu.dma_semaphore, #tpu.memory_space<semaphore_mem>>) src(%dma_wait3A_99 : memref<128x32xf32, #tpu.memory_space<vmem_shared>>) dst(%arg8 : memref<128x32xf32, #tpu.memory_space<vmem>>)
      tpu.yield
    }) : () -> ()
    "tpu.region"() ({
      %run_scoped3A = tpu.sem_alloc : memref<!tpu.dma_semaphore, #tpu.memory_space<semaphore_mem>>
      %dma_start3A_92 = arith.constant 0 : i32
      %dma_start3A_93 = tpu.memref_slice %arg5[%arg0, %add3A_83, %dma_start3A_92] : memref<2x10240x32xf32, #tpu.memory_space<hbm>> -> memref<1x128x32xf32, #tpu.memory_space<hbm>>
      %dma_start3A_94 = tpu.memref_squeeze %dma_start3A_93 : memref<1x128x32xf32, #tpu.memory_space<hbm>> -> memref<128x32xf32, #tpu.memory_space<hbm>>
      %dma_start3A_95 = arith.constant 0 : i32
      %dma_start3A_96 = tpu.memref_slice %arg5[%arg0, %add3A_83, %dma_start3A_95] : memref<2x10240x32xf32, #tpu.memory_space<hbm>> -> memref<1x128x32xf32, #tpu.memory_space<hbm>>
      %dma_start3A_97 = tpu.memref_squeeze %dma_start3A_96 : memref<1x128x32xf32, #tpu.memory_space<hbm>> -> memref<128x32xf32, #tpu.memory_space<hbm>>
      tpu.enqueue_dma source(%arg8 : memref<128x32xf32, #tpu.memory_space<vmem>>) target(%dma_start3A_97 : memref<128x32xf32, #tpu.memory_space<hbm>>) target_semaphore(%run_scoped3A : memref<!tpu.dma_semaphore, #tpu.memory_space<semaphore_mem>>)
      %dma_wait3A_98 = arith.constant 0 : i32
      %dma_wait3A_99 = tpu.memref_slice %arg5[%arg0, %add3A_83, %dma_wait3A_98] : memref<2x10240x32xf32, #tpu.memory_space<hbm>> -> memref<1x128x32xf32, #tpu.memory_space<hbm>>
      %dma_wait3A_100 = tpu.memref_squeeze %dma_wait3A_99 : memref<1x128x32xf32, #tpu.memory_space<hbm>> -> memref<128x32xf32, #tpu.memory_space<hbm>>
      %dma_wait3A_101 = arith.constant 0 : i32
      %dma_wait3A_102 = tpu.memref_slice %arg5[%arg0, %add3A_83, %dma_wait3A_101] : memref<2x10240x32xf32, #tpu.memory_space<hbm>> -> memref<1x128x32xf32, #tpu.memory_space<hbm>>
      %dma_wait3A_103 = tpu.memref_squeeze %dma_wait3A_102 : memref<1x128x32xf32, #tpu.memory_space<hbm>> -> memref<128x32xf32, #tpu.memory_space<hbm>>
      tpu.wait_dma2 semaphore(%run_scoped3A : memref<!tpu.dma_semaphore, #tpu.memory_space<semaphore_mem>>) src(%arg8 : memref<128x32xf32, #tpu.memory_space<vmem>>) dst(%dma_wait3A_103 : memref<128x32xf32, #tpu.memory_space<hbm>>)
      tpu.yield
    }) : () -> ()
    %add3A_84 = arith.constant 128 : i32
    %add3A_85 = arith.addi %mul3A_9, %add3A_84 : i32
    "tpu.region"() ({
      %run_scoped3A = tpu.sem_alloc : memref<!tpu.dma_semaphore, #tpu.memory_space<semaphore_mem>>
      %dma_start3A_92 = arith.constant 0 : i32
      %dma_start3A_93 = tpu.memref_slice %arg12[%add3A_85, %dma_start3A_92] : memref<10240x32xf32, #tpu.memory_space<vmem_shared>> -> memref<128x32xf32, #tpu.memory_space<vmem_shared>>
      %dma_start3A_94 = arith.constant 0 : i32
      %dma_start3A_95 = tpu.memref_slice %arg12[%add3A_85, %dma_start3A_94] : memref<10240x32xf32, #tpu.memory_space<vmem_shared>> -> memref<128x32xf32, #tpu.memory_space<vmem_shared>>
      tpu.enqueue_dma source(%dma_start3A_95 : memref<128x32xf32, #tpu.memory_space<vmem_shared>>) target(%arg8 : memref<128x32xf32, #tpu.memory_space<vmem>>) target_semaphore(%run_scoped3A : memref<!tpu.dma_semaphore, #tpu.memory_space<semaphore_mem>>)
      %dma_wait3A_96 = arith.constant 0 : i32
      %dma_wait3A_97 = tpu.memref_slice %arg12[%add3A_85, %dma_wait3A_96] : memref<10240x32xf32, #tpu.memory_space<vmem_shared>> -> memref<128x32xf32, #tpu.memory_space<vmem_shared>>
      %dma_wait3A_98 = arith.constant 0 : i32
      %dma_wait3A_99 = tpu.memref_slice %arg12[%add3A_85, %dma_wait3A_98] : memref<10240x32xf32, #tpu.memory_space<vmem_shared>> -> memref<128x32xf32, #tpu.memory_space<vmem_shared>>
      tpu.wait_dma2 semaphore(%run_scoped3A : memref<!tpu.dma_semaphore, #tpu.memory_space<semaphore_mem>>) src(%dma_wait3A_99 : memref<128x32xf32, #tpu.memory_space<vmem_shared>>) dst(%arg8 : memref<128x32xf32, #tpu.memory_space<vmem>>)
      tpu.yield
    }) : () -> ()
    "tpu.region"() ({
      %run_scoped3A = tpu.sem_alloc : memref<!tpu.dma_semaphore, #tpu.memory_space<semaphore_mem>>
      %dma_start3A_92 = arith.constant 0 : i32
      %dma_start3A_93 = tpu.memref_slice %arg5[%arg0, %add3A_85, %dma_start3A_92] : memref<2x10240x32xf32, #tpu.memory_space<hbm>> -> memref<1x128x32xf32, #tpu.memory_space<hbm>>
      %dma_start3A_94 = tpu.memref_squeeze %dma_start3A_93 : memref<1x128x32xf32, #tpu.memory_space<hbm>> -> memref<128x32xf32, #tpu.memory_space<hbm>>
      %dma_start3A_95 = arith.constant 0 : i32
      %dma_start3A_96 = tpu.memref_slice %arg5[%arg0, %add3A_85, %dma_start3A_95] : memref<2x10240x32xf32, #tpu.memory_space<hbm>> -> memref<1x128x32xf32, #tpu.memory_space<hbm>>
      %dma_start3A_97 = tpu.memref_squeeze %dma_start3A_96 : memref<1x128x32xf32, #tpu.memory_space<hbm>> -> memref<128x32xf32, #tpu.memory_space<hbm>>
      tpu.enqueue_dma source(%arg8 : memref<128x32xf32, #tpu.memory_space<vmem>>) target(%dma_start3A_97 : memref<128x32xf32, #tpu.memory_space<hbm>>) target_semaphore(%run_scoped3A : memref<!tpu.dma_semaphore, #tpu.memory_space<semaphore_mem>>)
      %dma_wait3A_98 = arith.constant 0 : i32
      %dma_wait3A_99 = tpu.memref_slice %arg5[%arg0, %add3A_85, %dma_wait3A_98] : memref<2x10240x32xf32, #tpu.memory_space<hbm>> -> memref<1x128x32xf32, #tpu.memory_space<hbm>>
      %dma_wait3A_100 = tpu.memref_squeeze %dma_wait3A_99 : memref<1x128x32xf32, #tpu.memory_space<hbm>> -> memref<128x32xf32, #tpu.memory_space<hbm>>
      %dma_wait3A_101 = arith.constant 0 : i32
      %dma_wait3A_102 = tpu.memref_slice %arg5[%arg0, %add3A_85, %dma_wait3A_101] : memref<2x10240x32xf32, #tpu.memory_space<hbm>> -> memref<1x128x32xf32, #tpu.memory_space<hbm>>
      %dma_wait3A_103 = tpu.memref_squeeze %dma_wait3A_102 : memref<1x128x32xf32, #tpu.memory_space<hbm>> -> memref<128x32xf32, #tpu.memory_space<hbm>>
      tpu.wait_dma2 semaphore(%run_scoped3A : memref<!tpu.dma_semaphore, #tpu.memory_space<semaphore_mem>>) src(%arg8 : memref<128x32xf32, #tpu.memory_space<vmem>>) dst(%dma_wait3A_103 : memref<128x32xf32, #tpu.memory_space<hbm>>)
      tpu.yield
    }) : () -> ()
    %add3A_86 = arith.constant 256 : i32
    %add3A_87 = arith.addi %mul3A_9, %add3A_86 : i32
    "tpu.region"() ({
      %run_scoped3A = tpu.sem_alloc : memref<!tpu.dma_semaphore, #tpu.memory_space<semaphore_mem>>
      %dma_start3A_92 = arith.constant 0 : i32
      %dma_start3A_93 = tpu.memref_slice %arg12[%add3A_87, %dma_start3A_92] : memref<10240x32xf32, #tpu.memory_space<vmem_shared>> -> memref<128x32xf32, #tpu.memory_space<vmem_shared>>
      %dma_start3A_94 = arith.constant 0 : i32
      %dma_start3A_95 = tpu.memref_slice %arg12[%add3A_87, %dma_start3A_94] : memref<10240x32xf32, #tpu.memory_space<vmem_shared>> -> memref<128x32xf32, #tpu.memory_space<vmem_shared>>
      tpu.enqueue_dma source(%dma_start3A_95 : memref<128x32xf32, #tpu.memory_space<vmem_shared>>) target(%arg8 : memref<128x32xf32, #tpu.memory_space<vmem>>) target_semaphore(%run_scoped3A : memref<!tpu.dma_semaphore, #tpu.memory_space<semaphore_mem>>)
      %dma_wait3A_96 = arith.constant 0 : i32
      %dma_wait3A_97 = tpu.memref_slice %arg12[%add3A_87, %dma_wait3A_96] : memref<10240x32xf32, #tpu.memory_space<vmem_shared>> -> memref<128x32xf32, #tpu.memory_space<vmem_shared>>
      %dma_wait3A_98 = arith.constant 0 : i32
      %dma_wait3A_99 = tpu.memref_slice %arg12[%add3A_87, %dma_wait3A_98] : memref<10240x32xf32, #tpu.memory_space<vmem_shared>> -> memref<128x32xf32, #tpu.memory_space<vmem_shared>>
      tpu.wait_dma2 semaphore(%run_scoped3A : memref<!tpu.dma_semaphore, #tpu.memory_space<semaphore_mem>>) src(%dma_wait3A_99 : memref<128x32xf32, #tpu.memory_space<vmem_shared>>) dst(%arg8 : memref<128x32xf32, #tpu.memory_space<vmem>>)
      tpu.yield
    }) : () -> ()
    "tpu.region"() ({
      %run_scoped3A = tpu.sem_alloc : memref<!tpu.dma_semaphore, #tpu.memory_space<semaphore_mem>>
      %dma_start3A_92 = arith.constant 0 : i32
      %dma_start3A_93 = tpu.memref_slice %arg5[%arg0, %add3A_87, %dma_start3A_92] : memref<2x10240x32xf32, #tpu.memory_space<hbm>> -> memref<1x128x32xf32, #tpu.memory_space<hbm>>
      %dma_start3A_94 = tpu.memref_squeeze %dma_start3A_93 : memref<1x128x32xf32, #tpu.memory_space<hbm>> -> memref<128x32xf32, #tpu.memory_space<hbm>>
      %dma_start3A_95 = arith.constant 0 : i32
      %dma_start3A_96 = tpu.memref_slice %arg5[%arg0, %add3A_87, %dma_start3A_95] : memref<2x10240x32xf32, #tpu.memory_space<hbm>> -> memref<1x128x32xf32, #tpu.memory_space<hbm>>
      %dma_start3A_97 = tpu.memref_squeeze %dma_start3A_96 : memref<1x128x32xf32, #tpu.memory_space<hbm>> -> memref<128x32xf32, #tpu.memory_space<hbm>>
      tpu.enqueue_dma source(%arg8 : memref<128x32xf32, #tpu.memory_space<vmem>>) target(%dma_start3A_97 : memref<128x32xf32, #tpu.memory_space<hbm>>) target_semaphore(%run_scoped3A : memref<!tpu.dma_semaphore, #tpu.memory_space<semaphore_mem>>)
      %dma_wait3A_98 = arith.constant 0 : i32
      %dma_wait3A_99 = tpu.memref_slice %arg5[%arg0, %add3A_87, %dma_wait3A_98] : memref<2x10240x32xf32, #tpu.memory_space<hbm>> -> memref<1x128x32xf32, #tpu.memory_space<hbm>>
      %dma_wait3A_100 = tpu.memref_squeeze %dma_wait3A_99 : memref<1x128x32xf32, #tpu.memory_space<hbm>> -> memref<128x32xf32, #tpu.memory_space<hbm>>
      %dma_wait3A_101 = arith.constant 0 : i32
      %dma_wait3A_102 = tpu.memref_slice %arg5[%arg0, %add3A_87, %dma_wait3A_101] : memref<2x10240x32xf32, #tpu.memory_space<hbm>> -> memref<1x128x32xf32, #tpu.memory_space<hbm>>
      %dma_wait3A_103 = tpu.memref_squeeze %dma_wait3A_102 : memref<1x128x32xf32, #tpu.memory_space<hbm>> -> memref<128x32xf32, #tpu.memory_space<hbm>>
      tpu.wait_dma2 semaphore(%run_scoped3A : memref<!tpu.dma_semaphore, #tpu.memory_space<semaphore_mem>>) src(%arg8 : memref<128x32xf32, #tpu.memory_space<vmem>>) dst(%dma_wait3A_103 : memref<128x32xf32, #tpu.memory_space<hbm>>)
      tpu.yield
    }) : () -> ()
    %add3A_88 = arith.constant 384 : i32
    %add3A_89 = arith.addi %mul3A_9, %add3A_88 : i32
    "tpu.region"() ({
      %run_scoped3A = tpu.sem_alloc : memref<!tpu.dma_semaphore, #tpu.memory_space<semaphore_mem>>
      %dma_start3A_92 = arith.constant 0 : i32
      %dma_start3A_93 = tpu.memref_slice %arg12[%add3A_89, %dma_start3A_92] : memref<10240x32xf32, #tpu.memory_space<vmem_shared>> -> memref<128x32xf32, #tpu.memory_space<vmem_shared>>
      %dma_start3A_94 = arith.constant 0 : i32
      %dma_start3A_95 = tpu.memref_slice %arg12[%add3A_89, %dma_start3A_94] : memref<10240x32xf32, #tpu.memory_space<vmem_shared>> -> memref<128x32xf32, #tpu.memory_space<vmem_shared>>
      tpu.enqueue_dma source(%dma_start3A_95 : memref<128x32xf32, #tpu.memory_space<vmem_shared>>) target(%arg8 : memref<128x32xf32, #tpu.memory_space<vmem>>) target_semaphore(%run_scoped3A : memref<!tpu.dma_semaphore, #tpu.memory_space<semaphore_mem>>)
      %dma_wait3A_96 = arith.constant 0 : i32
      %dma_wait3A_97 = tpu.memref_slice %arg12[%add3A_89, %dma_wait3A_96] : memref<10240x32xf32, #tpu.memory_space<vmem_shared>> -> memref<128x32xf32, #tpu.memory_space<vmem_shared>>
      %dma_wait3A_98 = arith.constant 0 : i32
      %dma_wait3A_99 = tpu.memref_slice %arg12[%add3A_89, %dma_wait3A_98] : memref<10240x32xf32, #tpu.memory_space<vmem_shared>> -> memref<128x32xf32, #tpu.memory_space<vmem_shared>>
      tpu.wait_dma2 semaphore(%run_scoped3A : memref<!tpu.dma_semaphore, #tpu.memory_space<semaphore_mem>>) src(%dma_wait3A_99 : memref<128x32xf32, #tpu.memory_space<vmem_shared>>) dst(%arg8 : memref<128x32xf32, #tpu.memory_space<vmem>>)
      tpu.yield
    }) : () -> ()
    "tpu.region"() ({
      %run_scoped3A = tpu.sem_alloc : memref<!tpu.dma_semaphore, #tpu.memory_space<semaphore_mem>>
      %dma_start3A_92 = arith.constant 0 : i32
      %dma_start3A_93 = tpu.memref_slice %arg5[%arg0, %add3A_89, %dma_start3A_92] : memref<2x10240x32xf32, #tpu.memory_space<hbm>> -> memref<1x128x32xf32, #tpu.memory_space<hbm>>
      %dma_start3A_94 = tpu.memref_squeeze %dma_start3A_93 : memref<1x128x32xf32, #tpu.memory_space<hbm>> -> memref<128x32xf32, #tpu.memory_space<hbm>>
      %dma_start3A_95 = arith.constant 0 : i32
      %dma_start3A_96 = tpu.memref_slice %arg5[%arg0, %add3A_89, %dma_start3A_95] : memref<2x10240x32xf32, #tpu.memory_space<hbm>> -> memref<1x128x32xf32, #tpu.memory_space<hbm>>
      %dma_start3A_97 = tpu.memref_squeeze %dma_start3A_96 : memref<1x128x32xf32, #tpu.memory_space<hbm>> -> memref<128x32xf32, #tpu.memory_space<hbm>>
      tpu.enqueue_dma source(%arg8 : memref<128x32xf32, #tpu.memory_space<vmem>>) target(%dma_start3A_97 : memref<128x32xf32, #tpu.memory_space<hbm>>) target_semaphore(%run_scoped3A : memref<!tpu.dma_semaphore, #tpu.memory_space<semaphore_mem>>)
      %dma_wait3A_98 = arith.constant 0 : i32
      %dma_wait3A_99 = tpu.memref_slice %arg5[%arg0, %add3A_89, %dma_wait3A_98] : memref<2x10240x32xf32, #tpu.memory_space<hbm>> -> memref<1x128x32xf32, #tpu.memory_space<hbm>>
      %dma_wait3A_100 = tpu.memref_squeeze %dma_wait3A_99 : memref<1x128x32xf32, #tpu.memory_space<hbm>> -> memref<128x32xf32, #tpu.memory_space<hbm>>
      %dma_wait3A_101 = arith.constant 0 : i32
      %dma_wait3A_102 = tpu.memref_slice %arg5[%arg0, %add3A_89, %dma_wait3A_101] : memref<2x10240x32xf32, #tpu.memory_space<hbm>> -> memref<1x128x32xf32, #tpu.memory_space<hbm>>
      %dma_wait3A_103 = tpu.memref_squeeze %dma_wait3A_102 : memref<1x128x32xf32, #tpu.memory_space<hbm>> -> memref<128x32xf32, #tpu.memory_space<hbm>>
      tpu.wait_dma2 semaphore(%run_scoped3A : memref<!tpu.dma_semaphore, #tpu.memory_space<semaphore_mem>>) src(%arg8 : memref<128x32xf32, #tpu.memory_space<vmem>>) dst(%dma_wait3A_103 : memref<128x32xf32, #tpu.memory_space<hbm>>)
      tpu.yield
    }) : () -> ()
    %add3A_90 = arith.constant 512 : i32
    %add3A_91 = arith.addi %mul3A_9, %add3A_90 : i32
    "tpu.region"() ({
      %run_scoped3A = tpu.sem_alloc : memref<!tpu.dma_semaphore, #tpu.memory_space<semaphore_mem>>
      %dma_start3A_92 = arith.constant 0 : i32
      %dma_start3A_93 = tpu.memref_slice %arg12[%add3A_91, %dma_start3A_92] : memref<10240x32xf32, #tpu.memory_space<vmem_shared>> -> memref<128x32xf32, #tpu.memory_space<vmem_shared>>
      %dma_start3A_94 = arith.constant 0 : i32
      %dma_start3A_95 = tpu.memref_slice %arg12[%add3A_91, %dma_start3A_94] : memref<10240x32xf32, #tpu.memory_space<vmem_shared>> -> memref<128x32xf32, #tpu.memory_space<vmem_shared>>
      tpu.enqueue_dma source(%dma_start3A_95 : memref<128x32xf32, #tpu.memory_space<vmem_shared>>) target(%arg8 : memref<128x32xf32, #tpu.memory_space<vmem>>) target_semaphore(%run_scoped3A : memref<!tpu.dma_semaphore, #tpu.memory_space<semaphore_mem>>)
      %dma_wait3A_96 = arith.constant 0 : i32
      %dma_wait3A_97 = tpu.memref_slice %arg12[%add3A_91, %dma_wait3A_96] : memref<10240x32xf32, #tpu.memory_space<vmem_shared>> -> memref<128x32xf32, #tpu.memory_space<vmem_shared>>
      %dma_wait3A_98 = arith.constant 0 : i32
      %dma_wait3A_99 = tpu.memref_slice %arg12[%add3A_91, %dma_wait3A_98] : memref<10240x32xf32, #tpu.memory_space<vmem_shared>> -> memref<128x32xf32, #tpu.memory_space<vmem_shared>>
      tpu.wait_dma2 semaphore(%run_scoped3A : memref<!tpu.dma_semaphore, #tpu.memory_space<semaphore_mem>>) src(%dma_wait3A_99 : memref<128x32xf32, #tpu.memory_space<vmem_shared>>) dst(%arg8 : memref<128x32xf32, #tpu.memory_space<vmem>>)
      tpu.yield
    }) : () -> ()
    "tpu.region"() ({
      %run_scoped3A = tpu.sem_alloc : memref<!tpu.dma_semaphore, #tpu.memory_space<semaphore_mem>>
      %dma_start3A_92 = arith.constant 0 : i32
      %dma_start3A_93 = tpu.memref_slice %arg5[%arg0, %add3A_91, %dma_start3A_92] : memref<2x10240x32xf32, #tpu.memory_space<hbm>> -> memref<1x128x32xf32, #tpu.memory_space<hbm>>
      %dma_start3A_94 = tpu.memref_squeeze %dma_start3A_93 : memref<1x128x32xf32, #tpu.memory_space<hbm>> -> memref<128x32xf32, #tpu.memory_space<hbm>>
      %dma_start3A_95 = arith.constant 0 : i32
      %dma_start3A_96 = tpu.memref_slice %arg5[%arg0, %add3A_91, %dma_start3A_95] : memref<2x10240x32xf32, #tpu.memory_space<hbm>> -> memref<1x128x32xf32, #tpu.memory_space<hbm>>
      %dma_start3A_97 = tpu.memref_squeeze %dma_start3A_96 : memref<1x128x32xf32, #tpu.memory_space<hbm>> -> memref<128x32xf32, #tpu.memory_space<hbm>>
      tpu.enqueue_dma source(%arg8 : memref<128x32xf32, #tpu.memory_space<vmem>>) target(%dma_start3A_97 : memref<128x32xf32, #tpu.memory_space<hbm>>) target_semaphore(%run_scoped3A : memref<!tpu.dma_semaphore, #tpu.memory_space<semaphore_mem>>)
      %dma_wait3A_98 = arith.constant 0 : i32
      %dma_wait3A_99 = tpu.memref_slice %arg5[%arg0, %add3A_91, %dma_wait3A_98] : memref<2x10240x32xf32, #tpu.memory_space<hbm>> -> memref<1x128x32xf32, #tpu.memory_space<hbm>>
      %dma_wait3A_100 = tpu.memref_squeeze %dma_wait3A_99 : memref<1x128x32xf32, #tpu.memory_space<hbm>> -> memref<128x32xf32, #tpu.memory_space<hbm>>
      %dma_wait3A_101 = arith.constant 0 : i32
      %dma_wait3A_102 = tpu.memref_slice %arg5[%arg0, %add3A_91, %dma_wait3A_101] : memref<2x10240x32xf32, #tpu.memory_space<hbm>> -> memref<1x128x32xf32, #tpu.memory_space<hbm>>
      %dma_wait3A_103 = tpu.memref_squeeze %dma_wait3A_102 : memref<1x128x32xf32, #tpu.memory_space<hbm>> -> memref<128x32xf32, #tpu.memory_space<hbm>>
      tpu.wait_dma2 semaphore(%run_scoped3A : memref<!tpu.dma_semaphore, #tpu.memory_space<semaphore_mem>>) src(%arg8 : memref<128x32xf32, #tpu.memory_space<vmem>>) dst(%dma_wait3A_103 : memref<128x32xf32, #tpu.memory_space<hbm>>)
      tpu.yield
    }) : () -> ()
    return
  }
}

#map = affine_map<(d0, d1) -> (0, 0)>
#map1 = affine_map<(d0, d1) -> (0, 0, 0)>
module attributes {stable_mosaic.version = 14 : i64} {
  func.func @mp(%arg0: i32, %arg1: i32, %arg2: memref<10000x64xf32, #tpu.memory_space<hbm>>, %arg3: memref<32x40x128xi32, #tpu.memory_space<hbm>>, %arg4: memref<32x40x128xi32, #tpu.memory_space<hbm>>, %arg5: memref<2x10240x64xf32, #tpu.memory_space<hbm>>, %arg6: memref<40x128xi32, #tpu.memory_space<vmem>>, %arg7: memref<40x128xi32, #tpu.memory_space<vmem>>, %arg8: memref<128x64xf32, #tpu.memory_space<vmem>>, %arg9: memref<128x64xf32, #tpu.memory_space<vmem>>, %arg10: memref<128x64xf32, #tpu.memory_space<vmem>>, %arg11: memref<128x64xf32, #tpu.memory_space<vmem>>, %arg12: memref<10240x64xf32, #tpu.memory_space<vmem_shared>>, %arg13: memref<!tpu.dma_semaphore, #tpu.memory_space<semaphore_mem>>, %arg14: memref<!tpu.dma_semaphore, #tpu.memory_space<semaphore_mem>>, %arg15: memref<!tpu.dma_semaphore, #tpu.memory_space<semaphore_mem>>, %arg16: memref<!tpu.dma_semaphore, #tpu.memory_space<semaphore_mem>>) attributes {dimension_semantics = [#tpu.dimension_semantics<core_parallel>, #tpu.dimension_semantics<subcore_parallel>], iteration_bounds = array<i64: 2, 16>, scalar_prefetch = 0 : i64, scratch_operands = 11 : i64, tpu.core_type = #tpu.core_type<sc_vector_subcore>, window_params = [{transform_indices = #map}, {transform_indices = #map1}, {transform_indices = #map1}, {transform_indices = #map1}]} {
    %mul3A = arith.constant 2 : i32
    %mul3A_0 = arith.muli %arg1, %mul3A : i32
    %add3A = arith.addi %mul3A_0, %arg0 : i32
    %broadcast_in_dim3A = arith.constant 0.000000e+00 : f32
    %broadcast_in_dim3A_1 = vector.broadcast %broadcast_in_dim3A : f32 to vector<16xf32>
    %scan3A = arith.constant 0 : i32
    %scan3A_2 = arith.constant 0 : i32
    %scan3A_3 = arith.constant 512 : i32
    %scan3A_4 = arith.addi %scan3A_2, %scan3A_3 : i32
    %scan3A_5 = arith.constant 1 : i32
    %scan3A_6 = scf.for %scan3A_92 = %scan3A_2 to %scan3A_4 step %scan3A_5 iter_args(%scan3A_93 = %scan3A) -> (i32)  : i32 {
      %jit3A = arith.constant 4 : i32
      %div3A = arith.divsi %scan3A_92, %jit3A : i32
      %sign3A = arith.constant 0 : i32
      %sign3A_94 = arith.cmpi sgt, %scan3A_92, %sign3A : i32
      %sign3A_95 = arith.extui %sign3A_94 : i1 to i32
      %sign3A_96 = arith.constant 0 : i32
      %sign3A_97 = arith.cmpi slt, %scan3A_92, %sign3A_96 : i32
      %sign3A_98 = arith.extui %sign3A_97 : i1 to i32
      %sign3A_99 = arith.subi %sign3A_95, %sign3A_98 : i32
      %sign3A_100 = arith.constant 0 : i32
      %sign3A_101 = arith.cmpi sgt, %jit3A, %sign3A_100 : i32
      %sign3A_102 = arith.extui %sign3A_101 : i1 to i32
      %sign3A_103 = arith.constant 0 : i32
      %sign3A_104 = arith.cmpi slt, %jit3A, %sign3A_103 : i32
      %sign3A_105 = arith.extui %sign3A_104 : i1 to i32
      %sign3A_106 = arith.subi %sign3A_102, %sign3A_105 : i32
      %ne3A = arith.cmpi ne, %sign3A_99, %sign3A_106 : i32
      %rem3A = arith.remsi %scan3A_92, %jit3A : i32
      %ne3A_107 = arith.constant 0 : i32
      %ne3A_108 = arith.cmpi ne, %rem3A, %ne3A_107 : i32
      %and3A = arith.andi %ne3A, %ne3A_108 : i1
      %sub3A = arith.constant 1 : i32
      %sub3A_109 = arith.subi %div3A, %sub3A : i32
      %select_n3A = arith.select %and3A, %sub3A_109, %div3A : i32
      %jit3A_110 = arith.constant 4 : i32
      %eq3A = arith.constant 0 : i32
      %eq3A_111 = arith.cmpi eq, %jit3A_110, %eq3A : i32
      %jit3A_112 = arith.constant 1 : i32
      %select_n3A_113 = arith.select %eq3A_111, %jit3A_112, %jit3A_110 : i32
      %rem3A_114 = arith.remsi %scan3A_92, %select_n3A_113 : i32
      %ne3A_115 = arith.constant 0 : i32
      %ne3A_116 = arith.cmpi ne, %rem3A_114, %ne3A_115 : i32
      %lt3A = arith.constant 0 : i32
      %lt3A_117 = arith.cmpi slt, %rem3A_114, %lt3A : i32
      %lt3A_118 = arith.constant 0 : i32
      %lt3A_119 = arith.cmpi slt, %select_n3A_113, %lt3A_118 : i32
      %ne3A_120 = arith.xori %lt3A_117, %lt3A_119 : i1
      %and3A_121 = arith.andi %ne3A_120, %ne3A_116 : i1
      %add3A_122 = arith.addi %rem3A_114, %select_n3A_113 : i32
      %select_n3A_123 = arith.select %and3A_121, %add3A_122, %rem3A_114 : i32
      %mul3A_124 = arith.constant 16 : i32
      %mul3A_125 = arith.muli %select_n3A_123, %mul3A_124 : i32
      %swap3A = arith.index_cast %select_n3A : i32 to index
      %swap3A_126 = arith.index_cast %mul3A_125 : i32 to index
      %swap3A_127 = tpu.vector_load %arg8[%swap3A, %swap3A_126] {strides = array<i32>} : memref<128x64xf32, #tpu.memory_space<vmem>>, vector<16xf32>,
      tpu.vector_store %arg8[%swap3A, %swap3A_126], %broadcast_in_dim3A_1 {strides = array<i32>} : memref<128x64xf32, #tpu.memory_space<vmem>>, vector<16xf32>,
      %scan3A_128 = arith.constant 0 : i32
      scf.yield %scan3A_128 : i32
    }
    %scan3A_7 = arith.constant 512 : i32
    %mul3A_8 = arith.constant 640 : i32
    %mul3A_9 = arith.muli %arg1, %mul3A_8 : i32
    %add3A_10 = arith.constant 0 : i32
    %add3A_11 = arith.addi %mul3A_9, %add3A_10 : i32
    "tpu.region"() ({
      %run_scoped3A = tpu.sem_alloc : memref<!tpu.dma_semaphore, #tpu.memory_space<semaphore_mem>>
      %dma_start3A_92 = arith.constant 0 : i32
      %dma_start3A_93 = tpu.memref_slice %arg12[%add3A_11, %dma_start3A_92] : memref<10240x64xf32, #tpu.memory_space<vmem_shared>> -> memref<128x64xf32, #tpu.memory_space<vmem_shared>>
      %dma_start3A_94 = arith.constant 0 : i32
      %dma_start3A_95 = tpu.memref_slice %arg12[%add3A_11, %dma_start3A_94] : memref<10240x64xf32, #tpu.memory_space<vmem_shared>> -> memref<128x64xf32, #tpu.memory_space<vmem_shared>>
      tpu.enqueue_dma source(%arg8 : memref<128x64xf32, #tpu.memory_space<vmem>>) target(%dma_start3A_95 : memref<128x64xf32, #tpu.memory_space<vmem_shared>>) target_semaphore(%run_scoped3A : memref<!tpu.dma_semaphore, #tpu.memory_space<semaphore_mem>>)
      %dma_wait3A_96 = arith.constant 0 : i32
      %dma_wait3A_97 = tpu.memref_slice %arg12[%add3A_11, %dma_wait3A_96] : memref<10240x64xf32, #tpu.memory_space<vmem_shared>> -> memref<128x64xf32, #tpu.memory_space<vmem_shared>>
      %dma_wait3A_98 = arith.constant 0 : i32
      %dma_wait3A_99 = tpu.memref_slice %arg12[%add3A_11, %dma_wait3A_98] : memref<10240x64xf32, #tpu.memory_space<vmem_shared>> -> memref<128x64xf32, #tpu.memory_space<vmem_shared>>
      tpu.wait_dma2 semaphore(%run_scoped3A : memref<!tpu.dma_semaphore, #tpu.memory_space<semaphore_mem>>) src(%arg8 : memref<128x64xf32, #tpu.memory_space<vmem>>) dst(%dma_wait3A_99 : memref<128x64xf32, #tpu.memory_space<vmem_shared>>)
      tpu.yield
    }) : () -> ()
    %add3A_12 = arith.constant 128 : i32
    %add3A_13 = arith.addi %mul3A_9, %add3A_12 : i32
    "tpu.region"() ({
      %run_scoped3A = tpu.sem_alloc : memref<!tpu.dma_semaphore, #tpu.memory_space<semaphore_mem>>
      %dma_start3A_92 = arith.constant 0 : i32
      %dma_start3A_93 = tpu.memref_slice %arg12[%add3A_13, %dma_start3A_92] : memref<10240x64xf32, #tpu.memory_space<vmem_shared>> -> memref<128x64xf32, #tpu.memory_space<vmem_shared>>
      %dma_start3A_94 = arith.constant 0 : i32
      %dma_start3A_95 = tpu.memref_slice %arg12[%add3A_13, %dma_start3A_94] : memref<10240x64xf32, #tpu.memory_space<vmem_shared>> -> memref<128x64xf32, #tpu.memory_space<vmem_shared>>
      tpu.enqueue_dma source(%arg8 : memref<128x64xf32, #tpu.memory_space<vmem>>) target(%dma_start3A_95 : memref<128x64xf32, #tpu.memory_space<vmem_shared>>) target_semaphore(%run_scoped3A : memref<!tpu.dma_semaphore, #tpu.memory_space<semaphore_mem>>)
      %dma_wait3A_96 = arith.constant 0 : i32
      %dma_wait3A_97 = tpu.memref_slice %arg12[%add3A_13, %dma_wait3A_96] : memref<10240x64xf32, #tpu.memory_space<vmem_shared>> -> memref<128x64xf32, #tpu.memory_space<vmem_shared>>
      %dma_wait3A_98 = arith.constant 0 : i32
      %dma_wait3A_99 = tpu.memref_slice %arg12[%add3A_13, %dma_wait3A_98] : memref<10240x64xf32, #tpu.memory_space<vmem_shared>> -> memref<128x64xf32, #tpu.memory_space<vmem_shared>>
      tpu.wait_dma2 semaphore(%run_scoped3A : memref<!tpu.dma_semaphore, #tpu.memory_space<semaphore_mem>>) src(%arg8 : memref<128x64xf32, #tpu.memory_space<vmem>>) dst(%dma_wait3A_99 : memref<128x64xf32, #tpu.memory_space<vmem_shared>>)
      tpu.yield
    }) : () -> ()
    %add3A_14 = arith.constant 256 : i32
    %add3A_15 = arith.addi %mul3A_9, %add3A_14 : i32
    "tpu.region"() ({
      %run_scoped3A = tpu.sem_alloc : memref<!tpu.dma_semaphore, #tpu.memory_space<semaphore_mem>>
      %dma_start3A_92 = arith.constant 0 : i32
      %dma_start3A_93 = tpu.memref_slice %arg12[%add3A_15, %dma_start3A_92] : memref<10240x64xf32, #tpu.memory_space<vmem_shared>> -> memref<128x64xf32, #tpu.memory_space<vmem_shared>>
      %dma_start3A_94 = arith.constant 0 : i32
      %dma_start3A_95 = tpu.memref_slice %arg12[%add3A_15, %dma_start3A_94] : memref<10240x64xf32, #tpu.memory_space<vmem_shared>> -> memref<128x64xf32, #tpu.memory_space<vmem_shared>>
      tpu.enqueue_dma source(%arg8 : memref<128x64xf32, #tpu.memory_space<vmem>>) target(%dma_start3A_95 : memref<128x64xf32, #tpu.memory_space<vmem_shared>>) target_semaphore(%run_scoped3A : memref<!tpu.dma_semaphore, #tpu.memory_space<semaphore_mem>>)
      %dma_wait3A_96 = arith.constant 0 : i32
      %dma_wait3A_97 = tpu.memref_slice %arg12[%add3A_15, %dma_wait3A_96] : memref<10240x64xf32, #tpu.memory_space<vmem_shared>> -> memref<128x64xf32, #tpu.memory_space<vmem_shared>>
      %dma_wait3A_98 = arith.constant 0 : i32
      %dma_wait3A_99 = tpu.memref_slice %arg12[%add3A_15, %dma_wait3A_98] : memref<10240x64xf32, #tpu.memory_space<vmem_shared>> -> memref<128x64xf32, #tpu.memory_space<vmem_shared>>
      tpu.wait_dma2 semaphore(%run_scoped3A : memref<!tpu.dma_semaphore, #tpu.memory_space<semaphore_mem>>) src(%arg8 : memref<128x64xf32, #tpu.memory_space<vmem>>) dst(%dma_wait3A_99 : memref<128x64xf32, #tpu.memory_space<vmem_shared>>)
      tpu.yield
    }) : () -> ()
    %add3A_16 = arith.constant 384 : i32
    %add3A_17 = arith.addi %mul3A_9, %add3A_16 : i32
    "tpu.region"() ({
      %run_scoped3A = tpu.sem_alloc : memref<!tpu.dma_semaphore, #tpu.memory_space<semaphore_mem>>
      %dma_start3A_92 = arith.constant 0 : i32
      %dma_start3A_93 = tpu.memref_slice %arg12[%add3A_17, %dma_start3A_92] : memref<10240x64xf32, #tpu.memory_space<vmem_shared>> -> memref<128x64xf32, #tpu.memory_space<vmem_shared>>
      %dma_start3A_94 = arith.constant 0 : i32
      %dma_start3A_95 = tpu.memref_slice %arg12[%add3A_17, %dma_start3A_94] : memref<10240x64xf32, #tpu.memory_space<vmem_shared>> -> memref<128x64xf32, #tpu.memory_space<vmem_shared>>
      tpu.enqueue_dma source(%arg8 : memref<128x64xf32, #tpu.memory_space<vmem>>) target(%dma_start3A_95 : memref<128x64xf32, #tpu.memory_space<vmem_shared>>) target_semaphore(%run_scoped3A : memref<!tpu.dma_semaphore, #tpu.memory_space<semaphore_mem>>)
      %dma_wait3A_96 = arith.constant 0 : i32
      %dma_wait3A_97 = tpu.memref_slice %arg12[%add3A_17, %dma_wait3A_96] : memref<10240x64xf32, #tpu.memory_space<vmem_shared>> -> memref<128x64xf32, #tpu.memory_space<vmem_shared>>
      %dma_wait3A_98 = arith.constant 0 : i32
      %dma_wait3A_99 = tpu.memref_slice %arg12[%add3A_17, %dma_wait3A_98] : memref<10240x64xf32, #tpu.memory_space<vmem_shared>> -> memref<128x64xf32, #tpu.memory_space<vmem_shared>>
      tpu.wait_dma2 semaphore(%run_scoped3A : memref<!tpu.dma_semaphore, #tpu.memory_space<semaphore_mem>>) src(%arg8 : memref<128x64xf32, #tpu.memory_space<vmem>>) dst(%dma_wait3A_99 : memref<128x64xf32, #tpu.memory_space<vmem_shared>>)
      tpu.yield
    }) : () -> ()
    %add3A_18 = arith.constant 512 : i32
    %add3A_19 = arith.addi %mul3A_9, %add3A_18 : i32
    "tpu.region"() ({
      %run_scoped3A = tpu.sem_alloc : memref<!tpu.dma_semaphore, #tpu.memory_space<semaphore_mem>>
      %dma_start3A_92 = arith.constant 0 : i32
      %dma_start3A_93 = tpu.memref_slice %arg12[%add3A_19, %dma_start3A_92] : memref<10240x64xf32, #tpu.memory_space<vmem_shared>> -> memref<128x64xf32, #tpu.memory_space<vmem_shared>>
      %dma_start3A_94 = arith.constant 0 : i32
      %dma_start3A_95 = tpu.memref_slice %arg12[%add3A_19, %dma_start3A_94] : memref<10240x64xf32, #tpu.memory_space<vmem_shared>> -> memref<128x64xf32, #tpu.memory_space<vmem_shared>>
      tpu.enqueue_dma source(%arg8 : memref<128x64xf32, #tpu.memory_space<vmem>>) target(%dma_start3A_95 : memref<128x64xf32, #tpu.memory_space<vmem_shared>>) target_semaphore(%run_scoped3A : memref<!tpu.dma_semaphore, #tpu.memory_space<semaphore_mem>>)
      %dma_wait3A_96 = arith.constant 0 : i32
      %dma_wait3A_97 = tpu.memref_slice %arg12[%add3A_19, %dma_wait3A_96] : memref<10240x64xf32, #tpu.memory_space<vmem_shared>> -> memref<128x64xf32, #tpu.memory_space<vmem_shared>>
      %dma_wait3A_98 = arith.constant 0 : i32
      %dma_wait3A_99 = tpu.memref_slice %arg12[%add3A_19, %dma_wait3A_98] : memref<10240x64xf32, #tpu.memory_space<vmem_shared>> -> memref<128x64xf32, #tpu.memory_space<vmem_shared>>
      tpu.wait_dma2 semaphore(%run_scoped3A : memref<!tpu.dma_semaphore, #tpu.memory_space<semaphore_mem>>) src(%arg8 : memref<128x64xf32, #tpu.memory_space<vmem>>) dst(%dma_wait3A_99 : memref<128x64xf32, #tpu.memory_space<vmem_shared>>)
      tpu.yield
    }) : () -> ()
    "tpu.region"() ({
      %run_scoped3A = tpu.sem_alloc : memref<!tpu.dma_semaphore, #tpu.memory_space<semaphore_mem>>
      %dma_start3A_92 = arith.constant 0 : i32
      %dma_start3A_93 = arith.constant 0 : i32
      %dma_start3A_94 = tpu.memref_slice %arg3[%add3A, %dma_start3A_92, %dma_start3A_93] : memref<32x40x128xi32, #tpu.memory_space<hbm>> -> memref<1x40x128xi32, #tpu.memory_space<hbm>>
      %dma_start3A_95 = tpu.memref_squeeze %dma_start3A_94 : memref<1x40x128xi32, #tpu.memory_space<hbm>> -> memref<40x128xi32, #tpu.memory_space<hbm>>
      %dma_start3A_96 = arith.constant 0 : i32
      %dma_start3A_97 = arith.constant 0 : i32
      %dma_start3A_98 = tpu.memref_slice %arg3[%add3A, %dma_start3A_96, %dma_start3A_97] : memref<32x40x128xi32, #tpu.memory_space<hbm>> -> memref<1x40x128xi32, #tpu.memory_space<hbm>>
      %dma_start3A_99 = tpu.memref_squeeze %dma_start3A_98 : memref<1x40x128xi32, #tpu.memory_space<hbm>> -> memref<40x128xi32, #tpu.memory_space<hbm>>
      tpu.enqueue_dma source(%dma_start3A_99 : memref<40x128xi32, #tpu.memory_space<hbm>>) target(%arg6 : memref<40x128xi32, #tpu.memory_space<vmem>>) target_semaphore(%run_scoped3A : memref<!tpu.dma_semaphore, #tpu.memory_space<semaphore_mem>>)
      %dma_wait3A_100 = arith.constant 0 : i32
      %dma_wait3A_101 = arith.constant 0 : i32
      %dma_wait3A_102 = tpu.memref_slice %arg3[%add3A, %dma_wait3A_100, %dma_wait3A_101] : memref<32x40x128xi32, #tpu.memory_space<hbm>> -> memref<1x40x128xi32, #tpu.memory_space<hbm>>
      %dma_wait3A_103 = tpu.memref_squeeze %dma_wait3A_102 : memref<1x40x128xi32, #tpu.memory_space<hbm>> -> memref<40x128xi32, #tpu.memory_space<hbm>>
      %dma_wait3A_104 = arith.constant 0 : i32
      %dma_wait3A_105 = arith.constant 0 : i32
      %dma_wait3A_106 = tpu.memref_slice %arg3[%add3A, %dma_wait3A_104, %dma_wait3A_105] : memref<32x40x128xi32, #tpu.memory_space<hbm>> -> memref<1x40x128xi32, #tpu.memory_space<hbm>>
      %dma_wait3A_107 = tpu.memref_squeeze %dma_wait3A_106 : memref<1x40x128xi32, #tpu.memory_space<hbm>> -> memref<40x128xi32, #tpu.memory_space<hbm>>
      tpu.wait_dma2 semaphore(%run_scoped3A : memref<!tpu.dma_semaphore, #tpu.memory_space<semaphore_mem>>) src(%dma_wait3A_107 : memref<40x128xi32, #tpu.memory_space<hbm>>) dst(%arg6 : memref<40x128xi32, #tpu.memory_space<vmem>>)
      tpu.yield
    }) : () -> ()
    "tpu.region"() ({
      %run_scoped3A = tpu.sem_alloc : memref<!tpu.dma_semaphore, #tpu.memory_space<semaphore_mem>>
      %dma_start3A_92 = arith.constant 0 : i32
      %dma_start3A_93 = arith.constant 0 : i32
      %dma_start3A_94 = tpu.memref_slice %arg4[%add3A, %dma_start3A_92, %dma_start3A_93] : memref<32x40x128xi32, #tpu.memory_space<hbm>> -> memref<1x40x128xi32, #tpu.memory_space<hbm>>
      %dma_start3A_95 = tpu.memref_squeeze %dma_start3A_94 : memref<1x40x128xi32, #tpu.memory_space<hbm>> -> memref<40x128xi32, #tpu.memory_space<hbm>>
      %dma_start3A_96 = arith.constant 0 : i32
      %dma_start3A_97 = arith.constant 0 : i32
      %dma_start3A_98 = tpu.memref_slice %arg4[%add3A, %dma_start3A_96, %dma_start3A_97] : memref<32x40x128xi32, #tpu.memory_space<hbm>> -> memref<1x40x128xi32, #tpu.memory_space<hbm>>
      %dma_start3A_99 = tpu.memref_squeeze %dma_start3A_98 : memref<1x40x128xi32, #tpu.memory_space<hbm>> -> memref<40x128xi32, #tpu.memory_space<hbm>>
      tpu.enqueue_dma source(%dma_start3A_99 : memref<40x128xi32, #tpu.memory_space<hbm>>) target(%arg7 : memref<40x128xi32, #tpu.memory_space<vmem>>) target_semaphore(%run_scoped3A : memref<!tpu.dma_semaphore, #tpu.memory_space<semaphore_mem>>)
      %dma_wait3A_100 = arith.constant 0 : i32
      %dma_wait3A_101 = arith.constant 0 : i32
      %dma_wait3A_102 = tpu.memref_slice %arg4[%add3A, %dma_wait3A_100, %dma_wait3A_101] : memref<32x40x128xi32, #tpu.memory_space<hbm>> -> memref<1x40x128xi32, #tpu.memory_space<hbm>>
      %dma_wait3A_103 = tpu.memref_squeeze %dma_wait3A_102 : memref<1x40x128xi32, #tpu.memory_space<hbm>> -> memref<40x128xi32, #tpu.memory_space<hbm>>
      %dma_wait3A_104 = arith.constant 0 : i32
      %dma_wait3A_105 = arith.constant 0 : i32
      %dma_wait3A_106 = tpu.memref_slice %arg4[%add3A, %dma_wait3A_104, %dma_wait3A_105] : memref<32x40x128xi32, #tpu.memory_space<hbm>> -> memref<1x40x128xi32, #tpu.memory_space<hbm>>
      %dma_wait3A_107 = tpu.memref_squeeze %dma_wait3A_106 : memref<1x40x128xi32, #tpu.memory_space<hbm>> -> memref<40x128xi32, #tpu.memory_space<hbm>>
      tpu.wait_dma2 semaphore(%run_scoped3A : memref<!tpu.dma_semaphore, #tpu.memory_space<semaphore_mem>>) src(%dma_wait3A_107 : memref<40x128xi32, #tpu.memory_space<hbm>>) dst(%arg7 : memref<40x128xi32, #tpu.memory_space<vmem>>)
      tpu.yield
    }) : () -> ()
    %barrier3A = arith.constant 0 : index
    tpu.barrier barrier_id(%barrier3A)
    %dma_start3A = arith.constant 0 : i32
    %dma_start3A_20 = arith.constant 0 : i32
    %dma_start3A_21 = tpu.memref_slice %arg6[%dma_start3A, %dma_start3A_20] : memref<40x128xi32, #tpu.memory_space<vmem>> -> memref<1x128xi32, #tpu.memory_space<vmem>>
    %dma_start3A_22 = tpu.memref_squeeze %dma_start3A_21 : memref<1x128xi32, #tpu.memory_space<vmem>> -> memref<128xi32, #tpu.memory_space<vmem>>
    %dma_start3A_23 = arith.constant 0 : i32
    %dma_start3A_24 = arith.constant 0 : i32
    %dma_start3A_25 = tpu.memref_slice %arg2[%dma_start3A_23, %dma_start3A_24] : memref<10000x64xf32, #tpu.memory_space<hbm>> -> memref<10000x64xf32, #tpu.memory_space<hbm>>
    tpu.enqueue_indirect_dma source(%dma_start3A_25 : memref<10000x64xf32, #tpu.memory_space<hbm>>) target(%arg8 : memref<128x64xf32, #tpu.memory_space<vmem>>) offsets(%dma_start3A_22 : memref<128xi32, #tpu.memory_space<vmem>>) semaphore(%arg13 : memref<!tpu.dma_semaphore, #tpu.memory_space<semaphore_mem>>)
    %dma_start3A_26 = arith.constant 1 : i32
    %dma_start3A_27 = arith.constant 0 : i32
    %dma_start3A_28 = tpu.memref_slice %arg6[%dma_start3A_26, %dma_start3A_27] : memref<40x128xi32, #tpu.memory_space<vmem>> -> memref<1x128xi32, #tpu.memory_space<vmem>>
    %dma_start3A_29 = tpu.memref_squeeze %dma_start3A_28 : memref<1x128xi32, #tpu.memory_space<vmem>> -> memref<128xi32, #tpu.memory_space<vmem>>
    %dma_start3A_30 = arith.constant 0 : i32
    %dma_start3A_31 = arith.constant 0 : i32
    %dma_start3A_32 = tpu.memref_slice %arg2[%dma_start3A_30, %dma_start3A_31] : memref<10000x64xf32, #tpu.memory_space<hbm>> -> memref<10000x64xf32, #tpu.memory_space<hbm>>
    tpu.enqueue_indirect_dma source(%dma_start3A_32 : memref<10000x64xf32, #tpu.memory_space<hbm>>) target(%arg9 : memref<128x64xf32, #tpu.memory_space<vmem>>) offsets(%dma_start3A_29 : memref<128xi32, #tpu.memory_space<vmem>>) semaphore(%arg14 : memref<!tpu.dma_semaphore, #tpu.memory_space<semaphore_mem>>)
    %dma_start3A_33 = arith.constant 2 : i32
    %dma_start3A_34 = arith.constant 0 : i32
    %dma_start3A_35 = tpu.memref_slice %arg6[%dma_start3A_33, %dma_start3A_34] : memref<40x128xi32, #tpu.memory_space<vmem>> -> memref<1x128xi32, #tpu.memory_space<vmem>>
    %dma_start3A_36 = tpu.memref_squeeze %dma_start3A_35 : memref<1x128xi32, #tpu.memory_space<vmem>> -> memref<128xi32, #tpu.memory_space<vmem>>
    %dma_start3A_37 = arith.constant 0 : i32
    %dma_start3A_38 = arith.constant 0 : i32
    %dma_start3A_39 = tpu.memref_slice %arg2[%dma_start3A_37, %dma_start3A_38] : memref<10000x64xf32, #tpu.memory_space<hbm>> -> memref<10000x64xf32, #tpu.memory_space<hbm>>
    tpu.enqueue_indirect_dma source(%dma_start3A_39 : memref<10000x64xf32, #tpu.memory_space<hbm>>) target(%arg10 : memref<128x64xf32, #tpu.memory_space<vmem>>) offsets(%dma_start3A_36 : memref<128xi32, #tpu.memory_space<vmem>>) semaphore(%arg15 : memref<!tpu.dma_semaphore, #tpu.memory_space<semaphore_mem>>)
    %dma_start3A_40 = arith.constant 3 : i32
    %dma_start3A_41 = arith.constant 0 : i32
    %dma_start3A_42 = tpu.memref_slice %arg6[%dma_start3A_40, %dma_start3A_41] : memref<40x128xi32, #tpu.memory_space<vmem>> -> memref<1x128xi32, #tpu.memory_space<vmem>>
    %dma_start3A_43 = tpu.memref_squeeze %dma_start3A_42 : memref<1x128xi32, #tpu.memory_space<vmem>> -> memref<128xi32, #tpu.memory_space<vmem>>
    %dma_start3A_44 = arith.constant 0 : i32
    %dma_start3A_45 = arith.constant 0 : i32
    %dma_start3A_46 = tpu.memref_slice %arg2[%dma_start3A_44, %dma_start3A_45] : memref<10000x64xf32, #tpu.memory_space<hbm>> -> memref<10000x64xf32, #tpu.memory_space<hbm>>
    tpu.enqueue_indirect_dma source(%dma_start3A_46 : memref<10000x64xf32, #tpu.memory_space<hbm>>) target(%arg11 : memref<128x64xf32, #tpu.memory_space<vmem>>) offsets(%dma_start3A_43 : memref<128xi32, #tpu.memory_space<vmem>>) semaphore(%arg16 : memref<!tpu.dma_semaphore, #tpu.memory_space<semaphore_mem>>)
    %scan3A_47 = arith.constant 0 : i32
    %scan3A_48 = arith.constant 0 : i32
    %scan3A_49 = arith.constant 10 : i32
    %scan3A_50 = arith.addi %scan3A_48, %scan3A_49 : i32
    %scan3A_51 = arith.constant 1 : i32
    %scan3A_52 = scf.for %scan3A_92 = %scan3A_48 to %scan3A_50 step %scan3A_51 iter_args(%scan3A_93 = %scan3A_47) -> (i32)  : i32 {
      %mul3A_94 = arith.constant 4 : i32
      %mul3A_95 = arith.muli %mul3A_94, %scan3A_92 : i32
      %add3A_96 = arith.constant 0 : i32
      %add3A_97 = arith.addi %mul3A_95, %add3A_96 : i32
      %dma_wait3A_98 = arith.constant 0 : i32
      %dma_wait3A_99 = tpu.memref_slice %arg6[%add3A_97, %dma_wait3A_98] : memref<40x128xi32, #tpu.memory_space<vmem>> -> memref<1x128xi32, #tpu.memory_space<vmem>>
      %dma_wait3A_100 = tpu.memref_squeeze %dma_wait3A_99 : memref<1x128xi32, #tpu.memory_space<vmem>> -> memref<128xi32, #tpu.memory_space<vmem>>
      %dma_wait3A_101 = arith.constant 0 : i32
      %dma_wait3A_102 = arith.constant 0 : i32
      %dma_wait3A_103 = tpu.memref_slice %arg2[%dma_wait3A_101, %dma_wait3A_102] : memref<10000x64xf32, #tpu.memory_space<hbm>> -> memref<10000x64xf32, #tpu.memory_space<hbm>>
      tpu.wait_indirect_dma semaphore(%arg13 : memref<!tpu.dma_semaphore, #tpu.memory_space<semaphore_mem>>) src(%dma_wait3A_103 : memref<10000x64xf32, #tpu.memory_space<hbm>>) dst(%arg8 : memref<128x64xf32, #tpu.memory_space<vmem>>)
      "tpu.region"() ({
        %run_scoped3A = tpu.sem_alloc : memref<!tpu.dma_semaphore, #tpu.memory_space<semaphore_mem>>
        %dma_start3A_168 = arith.constant 0 : i32
        %dma_start3A_169 = tpu.memref_slice %arg7[%add3A_97, %dma_start3A_168] : memref<40x128xi32, #tpu.memory_space<vmem>> -> memref<1x128xi32, #tpu.memory_space<vmem>>
        %dma_start3A_170 = tpu.memref_squeeze %dma_start3A_169 : memref<1x128xi32, #tpu.memory_space<vmem>> -> memref<128xi32, #tpu.memory_space<vmem>>
        %dma_start3A_171 = arith.constant 0 : i32
        %dma_start3A_172 = arith.constant 0 : i32
        %dma_start3A_173 = tpu.memref_slice %arg12[%dma_start3A_171, %dma_start3A_172] : memref<10240x64xf32, #tpu.memory_space<vmem_shared>> -> memref<10240x64xf32, #tpu.memory_space<vmem_shared>>
        tpu.enqueue_indirect_dma source(%arg8 : memref<128x64xf32, #tpu.memory_space<vmem>>) target(%dma_start3A_173 : memref<10240x64xf32, #tpu.memory_space<vmem_shared>>) offsets(%dma_start3A_170 : memref<128xi32, #tpu.memory_space<vmem>>) semaphore(%run_scoped3A : memref<!tpu.dma_semaphore, #tpu.memory_space<semaphore_mem>>) {add = true}
        %dma_wait3A_174 = arith.constant 0 : i32
        %dma_wait3A_175 = tpu.memref_slice %arg7[%add3A_97, %dma_wait3A_174] : memref<40x128xi32, #tpu.memory_space<vmem>> -> memref<1x128xi32, #tpu.memory_space<vmem>>
        %dma_wait3A_176 = tpu.memref_squeeze %dma_wait3A_175 : memref<1x128xi32, #tpu.memory_space<vmem>> -> memref<128xi32, #tpu.memory_space<vmem>>
        %dma_wait3A_177 = arith.constant 0 : i32
        %dma_wait3A_178 = arith.constant 0 : i32
        %dma_wait3A_179 = tpu.memref_slice %arg12[%dma_wait3A_177, %dma_wait3A_178] : memref<10240x64xf32, #tpu.memory_space<vmem_shared>> -> memref<10240x64xf32, #tpu.memory_space<vmem_shared>>
        tpu.wait_indirect_dma semaphore(%run_scoped3A : memref<!tpu.dma_semaphore, #tpu.memory_space<semaphore_mem>>) src(%arg8 : memref<128x64xf32, #tpu.memory_space<vmem>>) dst(%dma_wait3A_179 : memref<10240x64xf32, #tpu.memory_space<vmem_shared>>)
        tpu.yield
      }) : () -> ()
      %add3A_104 = arith.constant 4 : i32
      %add3A_105 = arith.addi %add3A_97, %add3A_104 : i32
      %min3A = arith.constant 39 : i32
      %min3A_106 = arith.minsi %add3A_105, %min3A : i32
      %dma_start3A_107 = arith.constant 0 : i32
      %dma_start3A_108 = tpu.memref_slice %arg6[%min3A_106, %dma_start3A_107] : memref<40x128xi32, #tpu.memory_space<vmem>> -> memref<1x128xi32, #tpu.memory_space<vmem>>
      %dma_start3A_109 = tpu.memref_squeeze %dma_start3A_108 : memref<1x128xi32, #tpu.memory_space<vmem>> -> memref<128xi32, #tpu.memory_space<vmem>>
      %dma_start3A_110 = arith.constant 0 : i32
      %dma_start3A_111 = arith.constant 0 : i32
      %dma_start3A_112 = tpu.memref_slice %arg2[%dma_start3A_110, %dma_start3A_111] : memref<10000x64xf32, #tpu.memory_space<hbm>> -> memref<10000x64xf32, #tpu.memory_space<hbm>>
      tpu.enqueue_indirect_dma source(%dma_start3A_112 : memref<10000x64xf32, #tpu.memory_space<hbm>>) target(%arg8 : memref<128x64xf32, #tpu.memory_space<vmem>>) offsets(%dma_start3A_109 : memref<128xi32, #tpu.memory_space<vmem>>) semaphore(%arg13 : memref<!tpu.dma_semaphore, #tpu.memory_space<semaphore_mem>>)
      %add3A_113 = arith.constant 1 : i32
      %add3A_114 = arith.addi %mul3A_95, %add3A_113 : i32
      %dma_wait3A_115 = arith.constant 0 : i32
      %dma_wait3A_116 = tpu.memref_slice %arg6[%add3A_114, %dma_wait3A_115] : memref<40x128xi32, #tpu.memory_space<vmem>> -> memref<1x128xi32, #tpu.memory_space<vmem>>
      %dma_wait3A_117 = tpu.memref_squeeze %dma_wait3A_116 : memref<1x128xi32, #tpu.memory_space<vmem>> -> memref<128xi32, #tpu.memory_space<vmem>>
      %dma_wait3A_118 = arith.constant 0 : i32
      %dma_wait3A_119 = arith.constant 0 : i32
      %dma_wait3A_120 = tpu.memref_slice %arg2[%dma_wait3A_118, %dma_wait3A_119] : memref<10000x64xf32, #tpu.memory_space<hbm>> -> memref<10000x64xf32, #tpu.memory_space<hbm>>
      tpu.wait_indirect_dma semaphore(%arg14 : memref<!tpu.dma_semaphore, #tpu.memory_space<semaphore_mem>>) src(%dma_wait3A_120 : memref<10000x64xf32, #tpu.memory_space<hbm>>) dst(%arg9 : memref<128x64xf32, #tpu.memory_space<vmem>>)
      "tpu.region"() ({
        %run_scoped3A = tpu.sem_alloc : memref<!tpu.dma_semaphore, #tpu.memory_space<semaphore_mem>>
        %dma_start3A_168 = arith.constant 0 : i32
        %dma_start3A_169 = tpu.memref_slice %arg7[%add3A_114, %dma_start3A_168] : memref<40x128xi32, #tpu.memory_space<vmem>> -> memref<1x128xi32, #tpu.memory_space<vmem>>
        %dma_start3A_170 = tpu.memref_squeeze %dma_start3A_169 : memref<1x128xi32, #tpu.memory_space<vmem>> -> memref<128xi32, #tpu.memory_space<vmem>>
        %dma_start3A_171 = arith.constant 0 : i32
        %dma_start3A_172 = arith.constant 0 : i32
        %dma_start3A_173 = tpu.memref_slice %arg12[%dma_start3A_171, %dma_start3A_172] : memref<10240x64xf32, #tpu.memory_space<vmem_shared>> -> memref<10240x64xf32, #tpu.memory_space<vmem_shared>>
        tpu.enqueue_indirect_dma source(%arg9 : memref<128x64xf32, #tpu.memory_space<vmem>>) target(%dma_start3A_173 : memref<10240x64xf32, #tpu.memory_space<vmem_shared>>) offsets(%dma_start3A_170 : memref<128xi32, #tpu.memory_space<vmem>>) semaphore(%run_scoped3A : memref<!tpu.dma_semaphore, #tpu.memory_space<semaphore_mem>>) {add = true}
        %dma_wait3A_174 = arith.constant 0 : i32
        %dma_wait3A_175 = tpu.memref_slice %arg7[%add3A_114, %dma_wait3A_174] : memref<40x128xi32, #tpu.memory_space<vmem>> -> memref<1x128xi32, #tpu.memory_space<vmem>>
        %dma_wait3A_176 = tpu.memref_squeeze %dma_wait3A_175 : memref<1x128xi32, #tpu.memory_space<vmem>> -> memref<128xi32, #tpu.memory_space<vmem>>
        %dma_wait3A_177 = arith.constant 0 : i32
        %dma_wait3A_178 = arith.constant 0 : i32
        %dma_wait3A_179 = tpu.memref_slice %arg12[%dma_wait3A_177, %dma_wait3A_178] : memref<10240x64xf32, #tpu.memory_space<vmem_shared>> -> memref<10240x64xf32, #tpu.memory_space<vmem_shared>>
        tpu.wait_indirect_dma semaphore(%run_scoped3A : memref<!tpu.dma_semaphore, #tpu.memory_space<semaphore_mem>>) src(%arg9 : memref<128x64xf32, #tpu.memory_space<vmem>>) dst(%dma_wait3A_179 : memref<10240x64xf32, #tpu.memory_space<vmem_shared>>)
        tpu.yield
      }) : () -> ()
      %add3A_121 = arith.constant 4 : i32
      %add3A_122 = arith.addi %add3A_114, %add3A_121 : i32
      %min3A_123 = arith.constant 39 : i32
      %min3A_124 = arith.minsi %add3A_122, %min3A_123 : i32
      %dma_start3A_125 = arith.constant 0 : i32
      %dma_start3A_126 = tpu.memref_slice %arg6[%min3A_124, %dma_start3A_125] : memref<40x128xi32, #tpu.memory_space<vmem>> -> memref<1x128xi32, #tpu.memory_space<vmem>>
      %dma_start3A_127 = tpu.memref_squeeze %dma_start3A_126 : memref<1x128xi32, #tpu.memory_space<vmem>> -> memref<128xi32, #tpu.memory_space<vmem>>
      %dma_start3A_128 = arith.constant 0 : i32
      %dma_start3A_129 = arith.constant 0 : i32
      %dma_start3A_130 = tpu.memref_slice %arg2[%dma_start3A_128, %dma_start3A_129] : memref<10000x64xf32, #tpu.memory_space<hbm>> -> memref<10000x64xf32, #tpu.memory_space<hbm>>
      tpu.enqueue_indirect_dma source(%dma_start3A_130 : memref<10000x64xf32, #tpu.memory_space<hbm>>) target(%arg9 : memref<128x64xf32, #tpu.memory_space<vmem>>) offsets(%dma_start3A_127 : memref<128xi32, #tpu.memory_space<vmem>>) semaphore(%arg14 : memref<!tpu.dma_semaphore, #tpu.memory_space<semaphore_mem>>)
      %add3A_131 = arith.constant 2 : i32
      %add3A_132 = arith.addi %mul3A_95, %add3A_131 : i32
      %dma_wait3A_133 = arith.constant 0 : i32
      %dma_wait3A_134 = tpu.memref_slice %arg6[%add3A_132, %dma_wait3A_133] : memref<40x128xi32, #tpu.memory_space<vmem>> -> memref<1x128xi32, #tpu.memory_space<vmem>>
      %dma_wait3A_135 = tpu.memref_squeeze %dma_wait3A_134 : memref<1x128xi32, #tpu.memory_space<vmem>> -> memref<128xi32, #tpu.memory_space<vmem>>
      %dma_wait3A_136 = arith.constant 0 : i32
      %dma_wait3A_137 = arith.constant 0 : i32
      %dma_wait3A_138 = tpu.memref_slice %arg2[%dma_wait3A_136, %dma_wait3A_137] : memref<10000x64xf32, #tpu.memory_space<hbm>> -> memref<10000x64xf32, #tpu.memory_space<hbm>>
      tpu.wait_indirect_dma semaphore(%arg15 : memref<!tpu.dma_semaphore, #tpu.memory_space<semaphore_mem>>) src(%dma_wait3A_138 : memref<10000x64xf32, #tpu.memory_space<hbm>>) dst(%arg10 : memref<128x64xf32, #tpu.memory_space<vmem>>)
      "tpu.region"() ({
        %run_scoped3A = tpu.sem_alloc : memref<!tpu.dma_semaphore, #tpu.memory_space<semaphore_mem>>
        %dma_start3A_168 = arith.constant 0 : i32
        %dma_start3A_169 = tpu.memref_slice %arg7[%add3A_132, %dma_start3A_168] : memref<40x128xi32, #tpu.memory_space<vmem>> -> memref<1x128xi32, #tpu.memory_space<vmem>>
        %dma_start3A_170 = tpu.memref_squeeze %dma_start3A_169 : memref<1x128xi32, #tpu.memory_space<vmem>> -> memref<128xi32, #tpu.memory_space<vmem>>
        %dma_start3A_171 = arith.constant 0 : i32
        %dma_start3A_172 = arith.constant 0 : i32
        %dma_start3A_173 = tpu.memref_slice %arg12[%dma_start3A_171, %dma_start3A_172] : memref<10240x64xf32, #tpu.memory_space<vmem_shared>> -> memref<10240x64xf32, #tpu.memory_space<vmem_shared>>
        tpu.enqueue_indirect_dma source(%arg10 : memref<128x64xf32, #tpu.memory_space<vmem>>) target(%dma_start3A_173 : memref<10240x64xf32, #tpu.memory_space<vmem_shared>>) offsets(%dma_start3A_170 : memref<128xi32, #tpu.memory_space<vmem>>) semaphore(%run_scoped3A : memref<!tpu.dma_semaphore, #tpu.memory_space<semaphore_mem>>) {add = true}
        %dma_wait3A_174 = arith.constant 0 : i32
        %dma_wait3A_175 = tpu.memref_slice %arg7[%add3A_132, %dma_wait3A_174] : memref<40x128xi32, #tpu.memory_space<vmem>> -> memref<1x128xi32, #tpu.memory_space<vmem>>
        %dma_wait3A_176 = tpu.memref_squeeze %dma_wait3A_175 : memref<1x128xi32, #tpu.memory_space<vmem>> -> memref<128xi32, #tpu.memory_space<vmem>>
        %dma_wait3A_177 = arith.constant 0 : i32
        %dma_wait3A_178 = arith.constant 0 : i32
        %dma_wait3A_179 = tpu.memref_slice %arg12[%dma_wait3A_177, %dma_wait3A_178] : memref<10240x64xf32, #tpu.memory_space<vmem_shared>> -> memref<10240x64xf32, #tpu.memory_space<vmem_shared>>
        tpu.wait_indirect_dma semaphore(%run_scoped3A : memref<!tpu.dma_semaphore, #tpu.memory_space<semaphore_mem>>) src(%arg10 : memref<128x64xf32, #tpu.memory_space<vmem>>) dst(%dma_wait3A_179 : memref<10240x64xf32, #tpu.memory_space<vmem_shared>>)
        tpu.yield
      }) : () -> ()
      %add3A_139 = arith.constant 4 : i32
      %add3A_140 = arith.addi %add3A_132, %add3A_139 : i32
      %min3A_141 = arith.constant 39 : i32
      %min3A_142 = arith.minsi %add3A_140, %min3A_141 : i32
      %dma_start3A_143 = arith.constant 0 : i32
      %dma_start3A_144 = tpu.memref_slice %arg6[%min3A_142, %dma_start3A_143] : memref<40x128xi32, #tpu.memory_space<vmem>> -> memref<1x128xi32, #tpu.memory_space<vmem>>
      %dma_start3A_145 = tpu.memref_squeeze %dma_start3A_144 : memref<1x128xi32, #tpu.memory_space<vmem>> -> memref<128xi32, #tpu.memory_space<vmem>>
      %dma_start3A_146 = arith.constant 0 : i32
      %dma_start3A_147 = arith.constant 0 : i32
      %dma_start3A_148 = tpu.memref_slice %arg2[%dma_start3A_146, %dma_start3A_147] : memref<10000x64xf32, #tpu.memory_space<hbm>> -> memref<10000x64xf32, #tpu.memory_space<hbm>>
      tpu.enqueue_indirect_dma source(%dma_start3A_148 : memref<10000x64xf32, #tpu.memory_space<hbm>>) target(%arg10 : memref<128x64xf32, #tpu.memory_space<vmem>>) offsets(%dma_start3A_145 : memref<128xi32, #tpu.memory_space<vmem>>) semaphore(%arg15 : memref<!tpu.dma_semaphore, #tpu.memory_space<semaphore_mem>>)
      %add3A_149 = arith.constant 3 : i32
      %add3A_150 = arith.addi %mul3A_95, %add3A_149 : i32
      %dma_wait3A_151 = arith.constant 0 : i32
      %dma_wait3A_152 = tpu.memref_slice %arg6[%add3A_150, %dma_wait3A_151] : memref<40x128xi32, #tpu.memory_space<vmem>> -> memref<1x128xi32, #tpu.memory_space<vmem>>
      %dma_wait3A_153 = tpu.memref_squeeze %dma_wait3A_152 : memref<1x128xi32, #tpu.memory_space<vmem>> -> memref<128xi32, #tpu.memory_space<vmem>>
      %dma_wait3A_154 = arith.constant 0 : i32
      %dma_wait3A_155 = arith.constant 0 : i32
      %dma_wait3A_156 = tpu.memref_slice %arg2[%dma_wait3A_154, %dma_wait3A_155] : memref<10000x64xf32, #tpu.memory_space<hbm>> -> memref<10000x64xf32, #tpu.memory_space<hbm>>
      tpu.wait_indirect_dma semaphore(%arg16 : memref<!tpu.dma_semaphore, #tpu.memory_space<semaphore_mem>>) src(%dma_wait3A_156 : memref<10000x64xf32, #tpu.memory_space<hbm>>) dst(%arg11 : memref<128x64xf32, #tpu.memory_space<vmem>>)
      "tpu.region"() ({
        %run_scoped3A = tpu.sem_alloc : memref<!tpu.dma_semaphore, #tpu.memory_space<semaphore_mem>>
        %dma_start3A_168 = arith.constant 0 : i32
        %dma_start3A_169 = tpu.memref_slice %arg7[%add3A_150, %dma_start3A_168] : memref<40x128xi32, #tpu.memory_space<vmem>> -> memref<1x128xi32, #tpu.memory_space<vmem>>
        %dma_start3A_170 = tpu.memref_squeeze %dma_start3A_169 : memref<1x128xi32, #tpu.memory_space<vmem>> -> memref<128xi32, #tpu.memory_space<vmem>>
        %dma_start3A_171 = arith.constant 0 : i32
        %dma_start3A_172 = arith.constant 0 : i32
        %dma_start3A_173 = tpu.memref_slice %arg12[%dma_start3A_171, %dma_start3A_172] : memref<10240x64xf32, #tpu.memory_space<vmem_shared>> -> memref<10240x64xf32, #tpu.memory_space<vmem_shared>>
        tpu.enqueue_indirect_dma source(%arg11 : memref<128x64xf32, #tpu.memory_space<vmem>>) target(%dma_start3A_173 : memref<10240x64xf32, #tpu.memory_space<vmem_shared>>) offsets(%dma_start3A_170 : memref<128xi32, #tpu.memory_space<vmem>>) semaphore(%run_scoped3A : memref<!tpu.dma_semaphore, #tpu.memory_space<semaphore_mem>>) {add = true}
        %dma_wait3A_174 = arith.constant 0 : i32
        %dma_wait3A_175 = tpu.memref_slice %arg7[%add3A_150, %dma_wait3A_174] : memref<40x128xi32, #tpu.memory_space<vmem>> -> memref<1x128xi32, #tpu.memory_space<vmem>>
        %dma_wait3A_176 = tpu.memref_squeeze %dma_wait3A_175 : memref<1x128xi32, #tpu.memory_space<vmem>> -> memref<128xi32, #tpu.memory_space<vmem>>
        %dma_wait3A_177 = arith.constant 0 : i32
        %dma_wait3A_178 = arith.constant 0 : i32
        %dma_wait3A_179 = tpu.memref_slice %arg12[%dma_wait3A_177, %dma_wait3A_178] : memref<10240x64xf32, #tpu.memory_space<vmem_shared>> -> memref<10240x64xf32, #tpu.memory_space<vmem_shared>>
        tpu.wait_indirect_dma semaphore(%run_scoped3A : memref<!tpu.dma_semaphore, #tpu.memory_space<semaphore_mem>>) src(%arg11 : memref<128x64xf32, #tpu.memory_space<vmem>>) dst(%dma_wait3A_179 : memref<10240x64xf32, #tpu.memory_space<vmem_shared>>)
        tpu.yield
      }) : () -> ()
      %add3A_157 = arith.constant 4 : i32
      %add3A_158 = arith.addi %add3A_150, %add3A_157 : i32
      %min3A_159 = arith.constant 39 : i32
      %min3A_160 = arith.minsi %add3A_158, %min3A_159 : i32
      %dma_start3A_161 = arith.constant 0 : i32
      %dma_start3A_162 = tpu.memref_slice %arg6[%min3A_160, %dma_start3A_161] : memref<40x128xi32, #tpu.memory_space<vmem>> -> memref<1x128xi32, #tpu.memory_space<vmem>>
      %dma_start3A_163 = tpu.memref_squeeze %dma_start3A_162 : memref<1x128xi32, #tpu.memory_space<vmem>> -> memref<128xi32, #tpu.memory_space<vmem>>
      %dma_start3A_164 = arith.constant 0 : i32
      %dma_start3A_165 = arith.constant 0 : i32
      %dma_start3A_166 = tpu.memref_slice %arg2[%dma_start3A_164, %dma_start3A_165] : memref<10000x64xf32, #tpu.memory_space<hbm>> -> memref<10000x64xf32, #tpu.memory_space<hbm>>
      tpu.enqueue_indirect_dma source(%dma_start3A_166 : memref<10000x64xf32, #tpu.memory_space<hbm>>) target(%arg11 : memref<128x64xf32, #tpu.memory_space<vmem>>) offsets(%dma_start3A_163 : memref<128xi32, #tpu.memory_space<vmem>>) semaphore(%arg16 : memref<!tpu.dma_semaphore, #tpu.memory_space<semaphore_mem>>)
      %scan3A_167 = arith.constant 0 : i32
      scf.yield %scan3A_167 : i32
    }
    %scan3A_53 = arith.constant 10 : i32
    %dma_wait3A = arith.constant 0 : i32
    %dma_wait3A_54 = arith.constant 0 : i32
    %dma_wait3A_55 = tpu.memref_slice %arg6[%dma_wait3A, %dma_wait3A_54] : memref<40x128xi32, #tpu.memory_space<vmem>> -> memref<1x128xi32, #tpu.memory_space<vmem>>
    %dma_wait3A_56 = tpu.memref_squeeze %dma_wait3A_55 : memref<1x128xi32, #tpu.memory_space<vmem>> -> memref<128xi32, #tpu.memory_space<vmem>>
    %dma_wait3A_57 = arith.constant 0 : i32
    %dma_wait3A_58 = arith.constant 0 : i32
    %dma_wait3A_59 = tpu.memref_slice %arg2[%dma_wait3A_57, %dma_wait3A_58] : memref<10000x64xf32, #tpu.memory_space<hbm>> -> memref<10000x64xf32, #tpu.memory_space<hbm>>
    tpu.wait_indirect_dma semaphore(%arg13 : memref<!tpu.dma_semaphore, #tpu.memory_space<semaphore_mem>>) src(%dma_wait3A_59 : memref<10000x64xf32, #tpu.memory_space<hbm>>) dst(%arg8 : memref<128x64xf32, #tpu.memory_space<vmem>>)
    %dma_wait3A_60 = arith.constant 0 : i32
    %dma_wait3A_61 = arith.constant 0 : i32
    %dma_wait3A_62 = tpu.memref_slice %arg6[%dma_wait3A_60, %dma_wait3A_61] : memref<40x128xi32, #tpu.memory_space<vmem>> -> memref<1x128xi32, #tpu.memory_space<vmem>>
    %dma_wait3A_63 = tpu.memref_squeeze %dma_wait3A_62 : memref<1x128xi32, #tpu.memory_space<vmem>> -> memref<128xi32, #tpu.memory_space<vmem>>
    %dma_wait3A_64 = arith.constant 0 : i32
    %dma_wait3A_65 = arith.constant 0 : i32
    %dma_wait3A_66 = tpu.memref_slice %arg2[%dma_wait3A_64, %dma_wait3A_65] : memref<10000x64xf32, #tpu.memory_space<hbm>> -> memref<10000x64xf32, #tpu.memory_space<hbm>>
    tpu.wait_indirect_dma semaphore(%arg14 : memref<!tpu.dma_semaphore, #tpu.memory_space<semaphore_mem>>) src(%dma_wait3A_66 : memref<10000x64xf32, #tpu.memory_space<hbm>>) dst(%arg9 : memref<128x64xf32, #tpu.memory_space<vmem>>)
    %dma_wait3A_67 = arith.constant 0 : i32
    %dma_wait3A_68 = arith.constant 0 : i32
    %dma_wait3A_69 = tpu.memref_slice %arg6[%dma_wait3A_67, %dma_wait3A_68] : memref<40x128xi32, #tpu.memory_space<vmem>> -> memref<1x128xi32, #tpu.memory_space<vmem>>
    %dma_wait3A_70 = tpu.memref_squeeze %dma_wait3A_69 : memref<1x128xi32, #tpu.memory_space<vmem>> -> memref<128xi32, #tpu.memory_space<vmem>>
    %dma_wait3A_71 = arith.constant 0 : i32
    %dma_wait3A_72 = arith.constant 0 : i32
    %dma_wait3A_73 = tpu.memref_slice %arg2[%dma_wait3A_71, %dma_wait3A_72] : memref<10000x64xf32, #tpu.memory_space<hbm>> -> memref<10000x64xf32, #tpu.memory_space<hbm>>
    tpu.wait_indirect_dma semaphore(%arg15 : memref<!tpu.dma_semaphore, #tpu.memory_space<semaphore_mem>>) src(%dma_wait3A_73 : memref<10000x64xf32, #tpu.memory_space<hbm>>) dst(%arg10 : memref<128x64xf32, #tpu.memory_space<vmem>>)
    %dma_wait3A_74 = arith.constant 0 : i32
    %dma_wait3A_75 = arith.constant 0 : i32
    %dma_wait3A_76 = tpu.memref_slice %arg6[%dma_wait3A_74, %dma_wait3A_75] : memref<40x128xi32, #tpu.memory_space<vmem>> -> memref<1x128xi32, #tpu.memory_space<vmem>>
    %dma_wait3A_77 = tpu.memref_squeeze %dma_wait3A_76 : memref<1x128xi32, #tpu.memory_space<vmem>> -> memref<128xi32, #tpu.memory_space<vmem>>
    %dma_wait3A_78 = arith.constant 0 : i32
    %dma_wait3A_79 = arith.constant 0 : i32
    %dma_wait3A_80 = tpu.memref_slice %arg2[%dma_wait3A_78, %dma_wait3A_79] : memref<10000x64xf32, #tpu.memory_space<hbm>> -> memref<10000x64xf32, #tpu.memory_space<hbm>>
    tpu.wait_indirect_dma semaphore(%arg16 : memref<!tpu.dma_semaphore, #tpu.memory_space<semaphore_mem>>) src(%dma_wait3A_80 : memref<10000x64xf32, #tpu.memory_space<hbm>>) dst(%arg11 : memref<128x64xf32, #tpu.memory_space<vmem>>)
    %barrier3A_81 = arith.constant 0 : index
    tpu.barrier barrier_id(%barrier3A_81)
    %add3A_82 = arith.constant 0 : i32
    %add3A_83 = arith.addi %mul3A_9, %add3A_82 : i32
    "tpu.region"() ({
      %run_scoped3A = tpu.sem_alloc : memref<!tpu.dma_semaphore, #tpu.memory_space<semaphore_mem>>
      %dma_start3A_92 = arith.constant 0 : i32
      %dma_start3A_93 = tpu.memref_slice %arg12[%add3A_83, %dma_start3A_92] : memref<10240x64xf32, #tpu.memory_space<vmem_shared>> -> memref<128x64xf32, #tpu.memory_space<vmem_shared>>
      %dma_start3A_94 = arith.constant 0 : i32
      %dma_start3A_95 = tpu.memref_slice %arg12[%add3A_83, %dma_start3A_94] : memref<10240x64xf32, #tpu.memory_space<vmem_shared>> -> memref<128x64xf32, #tpu.memory_space<vmem_shared>>
      tpu.enqueue_dma source(%dma_start3A_95 : memref<128x64xf32, #tpu.memory_space<vmem_shared>>) target(%arg8 : memref<128x64xf32, #tpu.memory_space<vmem>>) target_semaphore(%run_scoped3A : memref<!tpu.dma_semaphore, #tpu.memory_space<semaphore_mem>>)
      %dma_wait3A_96 = arith.constant 0 : i32
      %dma_wait3A_97 = tpu.memref_slice %arg12[%add3A_83, %dma_wait3A_96] : memref<10240x64xf32, #tpu.memory_space<vmem_shared>> -> memref<128x64xf32, #tpu.memory_space<vmem_shared>>
      %dma_wait3A_98 = arith.constant 0 : i32
      %dma_wait3A_99 = tpu.memref_slice %arg12[%add3A_83, %dma_wait3A_98] : memref<10240x64xf32, #tpu.memory_space<vmem_shared>> -> memref<128x64xf32, #tpu.memory_space<vmem_shared>>
      tpu.wait_dma2 semaphore(%run_scoped3A : memref<!tpu.dma_semaphore, #tpu.memory_space<semaphore_mem>>) src(%dma_wait3A_99 : memref<128x64xf32, #tpu.memory_space<vmem_shared>>) dst(%arg8 : memref<128x64xf32, #tpu.memory_space<vmem>>)
      tpu.yield
    }) : () -> ()
    "tpu.region"() ({
      %run_scoped3A = tpu.sem_alloc : memref<!tpu.dma_semaphore, #tpu.memory_space<semaphore_mem>>
      %dma_start3A_92 = arith.constant 0 : i32
      %dma_start3A_93 = tpu.memref_slice %arg5[%arg0, %add3A_83, %dma_start3A_92] : memref<2x10240x64xf32, #tpu.memory_space<hbm>> -> memref<1x128x64xf32, #tpu.memory_space<hbm>>
      %dma_start3A_94 = tpu.memref_squeeze %dma_start3A_93 : memref<1x128x64xf32, #tpu.memory_space<hbm>> -> memref<128x64xf32, #tpu.memory_space<hbm>>
      %dma_start3A_95 = arith.constant 0 : i32
      %dma_start3A_96 = tpu.memref_slice %arg5[%arg0, %add3A_83, %dma_start3A_95] : memref<2x10240x64xf32, #tpu.memory_space<hbm>> -> memref<1x128x64xf32, #tpu.memory_space<hbm>>
      %dma_start3A_97 = tpu.memref_squeeze %dma_start3A_96 : memref<1x128x64xf32, #tpu.memory_space<hbm>> -> memref<128x64xf32, #tpu.memory_space<hbm>>
      tpu.enqueue_dma source(%arg8 : memref<128x64xf32, #tpu.memory_space<vmem>>) target(%dma_start3A_97 : memref<128x64xf32, #tpu.memory_space<hbm>>) target_semaphore(%run_scoped3A : memref<!tpu.dma_semaphore, #tpu.memory_space<semaphore_mem>>)
      %dma_wait3A_98 = arith.constant 0 : i32
      %dma_wait3A_99 = tpu.memref_slice %arg5[%arg0, %add3A_83, %dma_wait3A_98] : memref<2x10240x64xf32, #tpu.memory_space<hbm>> -> memref<1x128x64xf32, #tpu.memory_space<hbm>>
      %dma_wait3A_100 = tpu.memref_squeeze %dma_wait3A_99 : memref<1x128x64xf32, #tpu.memory_space<hbm>> -> memref<128x64xf32, #tpu.memory_space<hbm>>
      %dma_wait3A_101 = arith.constant 0 : i32
      %dma_wait3A_102 = tpu.memref_slice %arg5[%arg0, %add3A_83, %dma_wait3A_101] : memref<2x10240x64xf32, #tpu.memory_space<hbm>> -> memref<1x128x64xf32, #tpu.memory_space<hbm>>
      %dma_wait3A_103 = tpu.memref_squeeze %dma_wait3A_102 : memref<1x128x64xf32, #tpu.memory_space<hbm>> -> memref<128x64xf32, #tpu.memory_space<hbm>>
      tpu.wait_dma2 semaphore(%run_scoped3A : memref<!tpu.dma_semaphore, #tpu.memory_space<semaphore_mem>>) src(%arg8 : memref<128x64xf32, #tpu.memory_space<vmem>>) dst(%dma_wait3A_103 : memref<128x64xf32, #tpu.memory_space<hbm>>)
      tpu.yield
    }) : () -> ()
    %add3A_84 = arith.constant 128 : i32
    %add3A_85 = arith.addi %mul3A_9, %add3A_84 : i32
    "tpu.region"() ({
      %run_scoped3A = tpu.sem_alloc : memref<!tpu.dma_semaphore, #tpu.memory_space<semaphore_mem>>
      %dma_start3A_92 = arith.constant 0 : i32
      %dma_start3A_93 = tpu.memref_slice %arg12[%add3A_85, %dma_start3A_92] : memref<10240x64xf32, #tpu.memory_space<vmem_shared>> -> memref<128x64xf32, #tpu.memory_space<vmem_shared>>
      %dma_start3A_94 = arith.constant 0 : i32
      %dma_start3A_95 = tpu.memref_slice %arg12[%add3A_85, %dma_start3A_94] : memref<10240x64xf32, #tpu.memory_space<vmem_shared>> -> memref<128x64xf32, #tpu.memory_space<vmem_shared>>
      tpu.enqueue_dma source(%dma_start3A_95 : memref<128x64xf32, #tpu.memory_space<vmem_shared>>) target(%arg8 : memref<128x64xf32, #tpu.memory_space<vmem>>) target_semaphore(%run_scoped3A : memref<!tpu.dma_semaphore, #tpu.memory_space<semaphore_mem>>)
      %dma_wait3A_96 = arith.constant 0 : i32
      %dma_wait3A_97 = tpu.memref_slice %arg12[%add3A_85, %dma_wait3A_96] : memref<10240x64xf32, #tpu.memory_space<vmem_shared>> -> memref<128x64xf32, #tpu.memory_space<vmem_shared>>
      %dma_wait3A_98 = arith.constant 0 : i32
      %dma_wait3A_99 = tpu.memref_slice %arg12[%add3A_85, %dma_wait3A_98] : memref<10240x64xf32, #tpu.memory_space<vmem_shared>> -> memref<128x64xf32, #tpu.memory_space<vmem_shared>>
      tpu.wait_dma2 semaphore(%run_scoped3A : memref<!tpu.dma_semaphore, #tpu.memory_space<semaphore_mem>>) src(%dma_wait3A_99 : memref<128x64xf32, #tpu.memory_space<vmem_shared>>) dst(%arg8 : memref<128x64xf32, #tpu.memory_space<vmem>>)
      tpu.yield
    }) : () -> ()
    "tpu.region"() ({
      %run_scoped3A = tpu.sem_alloc : memref<!tpu.dma_semaphore, #tpu.memory_space<semaphore_mem>>
      %dma_start3A_92 = arith.constant 0 : i32
      %dma_start3A_93 = tpu.memref_slice %arg5[%arg0, %add3A_85, %dma_start3A_92] : memref<2x10240x64xf32, #tpu.memory_space<hbm>> -> memref<1x128x64xf32, #tpu.memory_space<hbm>>
      %dma_start3A_94 = tpu.memref_squeeze %dma_start3A_93 : memref<1x128x64xf32, #tpu.memory_space<hbm>> -> memref<128x64xf32, #tpu.memory_space<hbm>>
      %dma_start3A_95 = arith.constant 0 : i32
      %dma_start3A_96 = tpu.memref_slice %arg5[%arg0, %add3A_85, %dma_start3A_95] : memref<2x10240x64xf32, #tpu.memory_space<hbm>> -> memref<1x128x64xf32, #tpu.memory_space<hbm>>
      %dma_start3A_97 = tpu.memref_squeeze %dma_start3A_96 : memref<1x128x64xf32, #tpu.memory_space<hbm>> -> memref<128x64xf32, #tpu.memory_space<hbm>>
      tpu.enqueue_dma source(%arg8 : memref<128x64xf32, #tpu.memory_space<vmem>>) target(%dma_start3A_97 : memref<128x64xf32, #tpu.memory_space<hbm>>) target_semaphore(%run_scoped3A : memref<!tpu.dma_semaphore, #tpu.memory_space<semaphore_mem>>)
      %dma_wait3A_98 = arith.constant 0 : i32
      %dma_wait3A_99 = tpu.memref_slice %arg5[%arg0, %add3A_85, %dma_wait3A_98] : memref<2x10240x64xf32, #tpu.memory_space<hbm>> -> memref<1x128x64xf32, #tpu.memory_space<hbm>>
      %dma_wait3A_100 = tpu.memref_squeeze %dma_wait3A_99 : memref<1x128x64xf32, #tpu.memory_space<hbm>> -> memref<128x64xf32, #tpu.memory_space<hbm>>
      %dma_wait3A_101 = arith.constant 0 : i32
      %dma_wait3A_102 = tpu.memref_slice %arg5[%arg0, %add3A_85, %dma_wait3A_101] : memref<2x10240x64xf32, #tpu.memory_space<hbm>> -> memref<1x128x64xf32, #tpu.memory_space<hbm>>
      %dma_wait3A_103 = tpu.memref_squeeze %dma_wait3A_102 : memref<1x128x64xf32, #tpu.memory_space<hbm>> -> memref<128x64xf32, #tpu.memory_space<hbm>>
      tpu.wait_dma2 semaphore(%run_scoped3A : memref<!tpu.dma_semaphore, #tpu.memory_space<semaphore_mem>>) src(%arg8 : memref<128x64xf32, #tpu.memory_space<vmem>>) dst(%dma_wait3A_103 : memref<128x64xf32, #tpu.memory_space<hbm>>)
      tpu.yield
    }) : () -> ()
    %add3A_86 = arith.constant 256 : i32
    %add3A_87 = arith.addi %mul3A_9, %add3A_86 : i32
    "tpu.region"() ({
      %run_scoped3A = tpu.sem_alloc : memref<!tpu.dma_semaphore, #tpu.memory_space<semaphore_mem>>
      %dma_start3A_92 = arith.constant 0 : i32
      %dma_start3A_93 = tpu.memref_slice %arg12[%add3A_87, %dma_start3A_92] : memref<10240x64xf32, #tpu.memory_space<vmem_shared>> -> memref<128x64xf32, #tpu.memory_space<vmem_shared>>
      %dma_start3A_94 = arith.constant 0 : i32
      %dma_start3A_95 = tpu.memref_slice %arg12[%add3A_87, %dma_start3A_94] : memref<10240x64xf32, #tpu.memory_space<vmem_shared>> -> memref<128x64xf32, #tpu.memory_space<vmem_shared>>
      tpu.enqueue_dma source(%dma_start3A_95 : memref<128x64xf32, #tpu.memory_space<vmem_shared>>) target(%arg8 : memref<128x64xf32, #tpu.memory_space<vmem>>) target_semaphore(%run_scoped3A : memref<!tpu.dma_semaphore, #tpu.memory_space<semaphore_mem>>)
      %dma_wait3A_96 = arith.constant 0 : i32
      %dma_wait3A_97 = tpu.memref_slice %arg12[%add3A_87, %dma_wait3A_96] : memref<10240x64xf32, #tpu.memory_space<vmem_shared>> -> memref<128x64xf32, #tpu.memory_space<vmem_shared>>
      %dma_wait3A_98 = arith.constant 0 : i32
      %dma_wait3A_99 = tpu.memref_slice %arg12[%add3A_87, %dma_wait3A_98] : memref<10240x64xf32, #tpu.memory_space<vmem_shared>> -> memref<128x64xf32, #tpu.memory_space<vmem_shared>>
      tpu.wait_dma2 semaphore(%run_scoped3A : memref<!tpu.dma_semaphore, #tpu.memory_space<semaphore_mem>>) src(%dma_wait3A_99 : memref<128x64xf32, #tpu.memory_space<vmem_shared>>) dst(%arg8 : memref<128x64xf32, #tpu.memory_space<vmem>>)
      tpu.yield
    }) : () -> ()
    "tpu.region"() ({
      %run_scoped3A = tpu.sem_alloc : memref<!tpu.dma_semaphore, #tpu.memory_space<semaphore_mem>>
      %dma_start3A_92 = arith.constant 0 : i32
      %dma_start3A_93 = tpu.memref_slice %arg5[%arg0, %add3A_87, %dma_start3A_92] : memref<2x10240x64xf32, #tpu.memory_space<hbm>> -> memref<1x128x64xf32, #tpu.memory_space<hbm>>
      %dma_start3A_94 = tpu.memref_squeeze %dma_start3A_93 : memref<1x128x64xf32, #tpu.memory_space<hbm>> -> memref<128x64xf32, #tpu.memory_space<hbm>>
      %dma_start3A_95 = arith.constant 0 : i32
      %dma_start3A_96 = tpu.memref_slice %arg5[%arg0, %add3A_87, %dma_start3A_95] : memref<2x10240x64xf32, #tpu.memory_space<hbm>> -> memref<1x128x64xf32, #tpu.memory_space<hbm>>
      %dma_start3A_97 = tpu.memref_squeeze %dma_start3A_96 : memref<1x128x64xf32, #tpu.memory_space<hbm>> -> memref<128x64xf32, #tpu.memory_space<hbm>>
      tpu.enqueue_dma source(%arg8 : memref<128x64xf32, #tpu.memory_space<vmem>>) target(%dma_start3A_97 : memref<128x64xf32, #tpu.memory_space<hbm>>) target_semaphore(%run_scoped3A : memref<!tpu.dma_semaphore, #tpu.memory_space<semaphore_mem>>)
      %dma_wait3A_98 = arith.constant 0 : i32
      %dma_wait3A_99 = tpu.memref_slice %arg5[%arg0, %add3A_87, %dma_wait3A_98] : memref<2x10240x64xf32, #tpu.memory_space<hbm>> -> memref<1x128x64xf32, #tpu.memory_space<hbm>>
      %dma_wait3A_100 = tpu.memref_squeeze %dma_wait3A_99 : memref<1x128x64xf32, #tpu.memory_space<hbm>> -> memref<128x64xf32, #tpu.memory_space<hbm>>
      %dma_wait3A_101 = arith.constant 0 : i32
      %dma_wait3A_102 = tpu.memref_slice %arg5[%arg0, %add3A_87, %dma_wait3A_101] : memref<2x10240x64xf32, #tpu.memory_space<hbm>> -> memref<1x128x64xf32, #tpu.memory_space<hbm>>
      %dma_wait3A_103 = tpu.memref_squeeze %dma_wait3A_102 : memref<1x128x64xf32, #tpu.memory_space<hbm>> -> memref<128x64xf32, #tpu.memory_space<hbm>>
      tpu.wait_dma2 semaphore(%run_scoped3A : memref<!tpu.dma_semaphore, #tpu.memory_space<semaphore_mem>>) src(%arg8 : memref<128x64xf32, #tpu.memory_space<vmem>>) dst(%dma_wait3A_103 : memref<128x64xf32, #tpu.memory_space<hbm>>)
      tpu.yield
    }) : () -> ()
    %add3A_88 = arith.constant 384 : i32
    %add3A_89 = arith.addi %mul3A_9, %add3A_88 : i32
    "tpu.region"() ({
      %run_scoped3A = tpu.sem_alloc : memref<!tpu.dma_semaphore, #tpu.memory_space<semaphore_mem>>
      %dma_start3A_92 = arith.constant 0 : i32
      %dma_start3A_93 = tpu.memref_slice %arg12[%add3A_89, %dma_start3A_92] : memref<10240x64xf32, #tpu.memory_space<vmem_shared>> -> memref<128x64xf32, #tpu.memory_space<vmem_shared>>
      %dma_start3A_94 = arith.constant 0 : i32
      %dma_start3A_95 = tpu.memref_slice %arg12[%add3A_89, %dma_start3A_94] : memref<10240x64xf32, #tpu.memory_space<vmem_shared>> -> memref<128x64xf32, #tpu.memory_space<vmem_shared>>
      tpu.enqueue_dma source(%dma_start3A_95 : memref<128x64xf32, #tpu.memory_space<vmem_shared>>) target(%arg8 : memref<128x64xf32, #tpu.memory_space<vmem>>) target_semaphore(%run_scoped3A : memref<!tpu.dma_semaphore, #tpu.memory_space<semaphore_mem>>)
      %dma_wait3A_96 = arith.constant 0 : i32
      %dma_wait3A_97 = tpu.memref_slice %arg12[%add3A_89, %dma_wait3A_96] : memref<10240x64xf32, #tpu.memory_space<vmem_shared>> -> memref<128x64xf32, #tpu.memory_space<vmem_shared>>
      %dma_wait3A_98 = arith.constant 0 : i32
      %dma_wait3A_99 = tpu.memref_slice %arg12[%add3A_89, %dma_wait3A_98] : memref<10240x64xf32, #tpu.memory_space<vmem_shared>> -> memref<128x64xf32, #tpu.memory_space<vmem_shared>>
      tpu.wait_dma2 semaphore(%run_scoped3A : memref<!tpu.dma_semaphore, #tpu.memory_space<semaphore_mem>>) src(%dma_wait3A_99 : memref<128x64xf32, #tpu.memory_space<vmem_shared>>) dst(%arg8 : memref<128x64xf32, #tpu.memory_space<vmem>>)
      tpu.yield
    }) : () -> ()
    "tpu.region"() ({
      %run_scoped3A = tpu.sem_alloc : memref<!tpu.dma_semaphore, #tpu.memory_space<semaphore_mem>>
      %dma_start3A_92 = arith.constant 0 : i32
      %dma_start3A_93 = tpu.memref_slice %arg5[%arg0, %add3A_89, %dma_start3A_92] : memref<2x10240x64xf32, #tpu.memory_space<hbm>> -> memref<1x128x64xf32, #tpu.memory_space<hbm>>
      %dma_start3A_94 = tpu.memref_squeeze %dma_start3A_93 : memref<1x128x64xf32, #tpu.memory_space<hbm>> -> memref<128x64xf32, #tpu.memory_space<hbm>>
      %dma_start3A_95 = arith.constant 0 : i32
      %dma_start3A_96 = tpu.memref_slice %arg5[%arg0, %add3A_89, %dma_start3A_95] : memref<2x10240x64xf32, #tpu.memory_space<hbm>> -> memref<1x128x64xf32, #tpu.memory_space<hbm>>
      %dma_start3A_97 = tpu.memref_squeeze %dma_start3A_96 : memref<1x128x64xf32, #tpu.memory_space<hbm>> -> memref<128x64xf32, #tpu.memory_space<hbm>>
      tpu.enqueue_dma source(%arg8 : memref<128x64xf32, #tpu.memory_space<vmem>>) target(%dma_start3A_97 : memref<128x64xf32, #tpu.memory_space<hbm>>) target_semaphore(%run_scoped3A : memref<!tpu.dma_semaphore, #tpu.memory_space<semaphore_mem>>)
      %dma_wait3A_98 = arith.constant 0 : i32
      %dma_wait3A_99 = tpu.memref_slice %arg5[%arg0, %add3A_89, %dma_wait3A_98] : memref<2x10240x64xf32, #tpu.memory_space<hbm>> -> memref<1x128x64xf32, #tpu.memory_space<hbm>>
      %dma_wait3A_100 = tpu.memref_squeeze %dma_wait3A_99 : memref<1x128x64xf32, #tpu.memory_space<hbm>> -> memref<128x64xf32, #tpu.memory_space<hbm>>
      %dma_wait3A_101 = arith.constant 0 : i32
      %dma_wait3A_102 = tpu.memref_slice %arg5[%arg0, %add3A_89, %dma_wait3A_101] : memref<2x10240x64xf32, #tpu.memory_space<hbm>> -> memref<1x128x64xf32, #tpu.memory_space<hbm>>
      %dma_wait3A_103 = tpu.memref_squeeze %dma_wait3A_102 : memref<1x128x64xf32, #tpu.memory_space<hbm>> -> memref<128x64xf32, #tpu.memory_space<hbm>>
      tpu.wait_dma2 semaphore(%run_scoped3A : memref<!tpu.dma_semaphore, #tpu.memory_space<semaphore_mem>>) src(%arg8 : memref<128x64xf32, #tpu.memory_space<vmem>>) dst(%dma_wait3A_103 : memref<128x64xf32, #tpu.memory_space<hbm>>)
      tpu.yield
    }) : () -> ()
    %add3A_90 = arith.constant 512 : i32
    %add3A_91 = arith.addi %mul3A_9, %add3A_90 : i32
    "tpu.region"() ({
      %run_scoped3A = tpu.sem_alloc : memref<!tpu.dma_semaphore, #tpu.memory_space<semaphore_mem>>
      %dma_start3A_92 = arith.constant 0 : i32
      %dma_start3A_93 = tpu.memref_slice %arg12[%add3A_91, %dma_start3A_92] : memref<10240x64xf32, #tpu.memory_space<vmem_shared>> -> memref<128x64xf32, #tpu.memory_space<vmem_shared>>
      %dma_start3A_94 = arith.constant 0 : i32
      %dma_start3A_95 = tpu.memref_slice %arg12[%add3A_91, %dma_start3A_94] : memref<10240x64xf32, #tpu.memory_space<vmem_shared>> -> memref<128x64xf32, #tpu.memory_space<vmem_shared>>
      tpu.enqueue_dma source(%dma_start3A_95 : memref<128x64xf32, #tpu.memory_space<vmem_shared>>) target(%arg8 : memref<128x64xf32, #tpu.memory_space<vmem>>) target_semaphore(%run_scoped3A : memref<!tpu.dma_semaphore, #tpu.memory_space<semaphore_mem>>)
      %dma_wait3A_96 = arith.constant 0 : i32
      %dma_wait3A_97 = tpu.memref_slice %arg12[%add3A_91, %dma_wait3A_96] : memref<10240x64xf32, #tpu.memory_space<vmem_shared>> -> memref<128x64xf32, #tpu.memory_space<vmem_shared>>
      %dma_wait3A_98 = arith.constant 0 : i32
      %dma_wait3A_99 = tpu.memref_slice %arg12[%add3A_91, %dma_wait3A_98] : memref<10240x64xf32, #tpu.memory_space<vmem_shared>> -> memref<128x64xf32, #tpu.memory_space<vmem_shared>>
      tpu.wait_dma2 semaphore(%run_scoped3A : memref<!tpu.dma_semaphore, #tpu.memory_space<semaphore_mem>>) src(%dma_wait3A_99 : memref<128x64xf32, #tpu.memory_space<vmem_shared>>) dst(%arg8 : memref<128x64xf32, #tpu.memory_space<vmem>>)
      tpu.yield
    }) : () -> ()
    "tpu.region"() ({
      %run_scoped3A = tpu.sem_alloc : memref<!tpu.dma_semaphore, #tpu.memory_space<semaphore_mem>>
      %dma_start3A_92 = arith.constant 0 : i32
      %dma_start3A_93 = tpu.memref_slice %arg5[%arg0, %add3A_91, %dma_start3A_92] : memref<2x10240x64xf32, #tpu.memory_space<hbm>> -> memref<1x128x64xf32, #tpu.memory_space<hbm>>
      %dma_start3A_94 = tpu.memref_squeeze %dma_start3A_93 : memref<1x128x64xf32, #tpu.memory_space<hbm>> -> memref<128x64xf32, #tpu.memory_space<hbm>>
      %dma_start3A_95 = arith.constant 0 : i32
      %dma_start3A_96 = tpu.memref_slice %arg5[%arg0, %add3A_91, %dma_start3A_95] : memref<2x10240x64xf32, #tpu.memory_space<hbm>> -> memref<1x128x64xf32, #tpu.memory_space<hbm>>
      %dma_start3A_97 = tpu.memref_squeeze %dma_start3A_96 : memref<1x128x64xf32, #tpu.memory_space<hbm>> -> memref<128x64xf32, #tpu.memory_space<hbm>>
      tpu.enqueue_dma source(%arg8 : memref<128x64xf32, #tpu.memory_space<vmem>>) target(%dma_start3A_97 : memref<128x64xf32, #tpu.memory_space<hbm>>) target_semaphore(%run_scoped3A : memref<!tpu.dma_semaphore, #tpu.memory_space<semaphore_mem>>)
      %dma_wait3A_98 = arith.constant 0 : i32
      %dma_wait3A_99 = tpu.memref_slice %arg5[%arg0, %add3A_91, %dma_wait3A_98] : memref<2x10240x64xf32, #tpu.memory_space<hbm>> -> memref<1x128x64xf32, #tpu.memory_space<hbm>>
      %dma_wait3A_100 = tpu.memref_squeeze %dma_wait3A_99 : memref<1x128x64xf32, #tpu.memory_space<hbm>> -> memref<128x64xf32, #tpu.memory_space<hbm>>
      %dma_wait3A_101 = arith.constant 0 : i32
      %dma_wait3A_102 = tpu.memref_slice %arg5[%arg0, %add3A_91, %dma_wait3A_101] : memref<2x10240x64xf32, #tpu.memory_space<hbm>> -> memref<1x128x64xf32, #tpu.memory_space<hbm>>
      %dma_wait3A_103 = tpu.memref_squeeze %dma_wait3A_102 : memref<1x128x64xf32, #tpu.memory_space<hbm>> -> memref<128x64xf32, #tpu.memory_space<hbm>>
      tpu.wait_dma2 semaphore(%run_scoped3A : memref<!tpu.dma_semaphore, #tpu.memory_space<semaphore_mem>>) src(%arg8 : memref<128x64xf32, #tpu.memory_space<vmem>>) dst(%dma_wait3A_103 : memref<128x64xf32, #tpu.memory_space<hbm>>)
      tpu.yield
    }) : () -> ()
    return
  }
}

#map = affine_map<(d0, d1) -> (0, 0)>
module attributes {stable_mosaic.version = 14 : i64} {
  func.func @_deg_kernel(%arg0: i32, %arg1: i32, %arg2: memref<32x5120xi32, #tpu.memory_space<hbm>>, %arg3: memref<32x10240xf32, #tpu.memory_space<hbm>>, %arg4: memref<5120xi32, #tpu.memory_space<vmem>>, %arg5: memref<10240xf32, #tpu.memory_space<vmem>>) attributes {dimension_semantics = [#tpu.dimension_semantics<core_parallel>, #tpu.dimension_semantics<subcore_parallel>], iteration_bounds = array<i64: 2, 16>, scalar_prefetch = 0 : i64, scratch_operands = 2 : i64, tpu.core_type = #tpu.core_type<sc_vector_subcore>, window_params = [{transform_indices = #map}, {transform_indices = #map}]} {
    %mul3A = arith.constant 2 : i32
    %mul3A_0 = arith.muli %arg1, %mul3A : i32
    %add3A = arith.addi %mul3A_0, %arg0 : i32
    %broadcast_in_dim3A = arith.constant 0.000000e+00 : f32
    %broadcast_in_dim3A_1 = vector.broadcast %broadcast_in_dim3A : f32 to vector<16xf32>
    %scan3A = arith.constant 0 : i32
    %scan3A_2 = arith.constant 0 : i32
    %scan3A_3 = arith.constant 640 : i32
    %scan3A_4 = arith.addi %scan3A_2, %scan3A_3 : i32
    %scan3A_5 = arith.constant 1 : i32
    %scan3A_6 = scf.for %scan3A_17 = %scan3A_2 to %scan3A_4 step %scan3A_5 iter_args(%scan3A_18 = %scan3A) -> (i32)  : i32 {
      %mul3A_19 = arith.constant 16 : i32
      %mul3A_20 = arith.muli %scan3A_17, %mul3A_19 : i32
      %swap3A = arith.index_cast %mul3A_20 : i32 to index
      %swap3A_21 = tpu.vector_load %arg5[%swap3A] {strides = array<i32>} : memref<10240xf32, #tpu.memory_space<vmem>>, vector<16xf32>,
      tpu.vector_store %arg5[%swap3A], %broadcast_in_dim3A_1 {strides = array<i32>} : memref<10240xf32, #tpu.memory_space<vmem>>, vector<16xf32>,
      %scan3A_22 = arith.constant 0 : i32
      scf.yield %scan3A_22 : i32
    }
    %scan3A_7 = arith.constant 640 : i32
    "tpu.region"() ({
      %run_scoped3A = tpu.sem_alloc : memref<!tpu.dma_semaphore, #tpu.memory_space<semaphore_mem>>
      %dma_start3A = arith.constant 0 : i32
      %dma_start3A_17 = tpu.memref_slice %arg2[%add3A, %dma_start3A] : memref<32x5120xi32, #tpu.memory_space<hbm>> -> memref<1x5120xi32, #tpu.memory_space<hbm>>
      %dma_start3A_18 = tpu.memref_squeeze %dma_start3A_17 : memref<1x5120xi32, #tpu.memory_space<hbm>> -> memref<5120xi32, #tpu.memory_space<hbm>>
      %dma_start3A_19 = arith.constant 0 : i32
      %dma_start3A_20 = tpu.memref_slice %arg2[%add3A, %dma_start3A_19] : memref<32x5120xi32, #tpu.memory_space<hbm>> -> memref<1x5120xi32, #tpu.memory_space<hbm>>
      %dma_start3A_21 = tpu.memref_squeeze %dma_start3A_20 : memref<1x5120xi32, #tpu.memory_space<hbm>> -> memref<5120xi32, #tpu.memory_space<hbm>>
      tpu.enqueue_dma source(%dma_start3A_21 : memref<5120xi32, #tpu.memory_space<hbm>>) target(%arg4 : memref<5120xi32, #tpu.memory_space<vmem>>) target_semaphore(%run_scoped3A : memref<!tpu.dma_semaphore, #tpu.memory_space<semaphore_mem>>)
      %dma_wait3A = arith.constant 0 : i32
      %dma_wait3A_22 = tpu.memref_slice %arg2[%add3A, %dma_wait3A] : memref<32x5120xi32, #tpu.memory_space<hbm>> -> memref<1x5120xi32, #tpu.memory_space<hbm>>
      %dma_wait3A_23 = tpu.memref_squeeze %dma_wait3A_22 : memref<1x5120xi32, #tpu.memory_space<hbm>> -> memref<5120xi32, #tpu.memory_space<hbm>>
      %dma_wait3A_24 = arith.constant 0 : i32
      %dma_wait3A_25 = tpu.memref_slice %arg2[%add3A, %dma_wait3A_24] : memref<32x5120xi32, #tpu.memory_space<hbm>> -> memref<1x5120xi32, #tpu.memory_space<hbm>>
      %dma_wait3A_26 = tpu.memref_squeeze %dma_wait3A_25 : memref<1x5120xi32, #tpu.memory_space<hbm>> -> memref<5120xi32, #tpu.memory_space<hbm>>
      tpu.wait_dma2 semaphore(%run_scoped3A : memref<!tpu.dma_semaphore, #tpu.memory_space<semaphore_mem>>) src(%dma_wait3A_26 : memref<5120xi32, #tpu.memory_space<hbm>>) dst(%arg4 : memref<5120xi32, #tpu.memory_space<vmem>>)
      tpu.yield
    }) : () -> ()
    %broadcast_in_dim3A_8 = arith.constant 1.000000e+00 : f32
    %broadcast_in_dim3A_9 = vector.broadcast %broadcast_in_dim3A_8 : f32 to vector<16xf32>
    %scan3A_10 = arith.constant 0 : i32
    %scan3A_11 = arith.constant 0 : i32
    %scan3A_12 = arith.constant 320 : i32
    %scan3A_13 = arith.addi %scan3A_11, %scan3A_12 : i32
    %scan3A_14 = arith.constant 1 : i32
    %scan3A_15 = scf.for %scan3A_17 = %scan3A_11 to %scan3A_13 step %scan3A_14 iter_args(%scan3A_18 = %scan3A_10) -> (i32)  : i32 {
      %mul3A_19 = arith.constant 16 : i32
      %mul3A_20 = arith.muli %scan3A_17, %mul3A_19 : i32
      %get3A = arith.index_cast %mul3A_20 : i32 to index
      %get3A_21 = tpu.vector_load %arg4[%get3A] {strides = array<i32>} : memref<5120xi32, #tpu.memory_space<vmem>>, vector<16xi32>,
      tpu.vector_store_idx %arg5[%get3A_21], %broadcast_in_dim3A_9 {add = true} : memref<10240xf32, #tpu.memory_space<vmem>>[vector<16xi32>], vector<16xf32>,
      %scan3A_22 = arith.constant 0 : i32
      scf.yield %scan3A_22 : i32
    }
    %scan3A_16 = arith.constant 320 : i32
    "tpu.region"() ({
      %run_scoped3A = tpu.sem_alloc : memref<!tpu.dma_semaphore, #tpu.memory_space<semaphore_mem>>
      %dma_start3A = arith.constant 0 : i32
      %dma_start3A_17 = tpu.memref_slice %arg3[%add3A, %dma_start3A] : memref<32x10240xf32, #tpu.memory_space<hbm>> -> memref<1x10240xf32, #tpu.memory_space<hbm>>
      %dma_start3A_18 = tpu.memref_squeeze %dma_start3A_17 : memref<1x10240xf32, #tpu.memory_space<hbm>> -> memref<10240xf32, #tpu.memory_space<hbm>>
      %dma_start3A_19 = arith.constant 0 : i32
      %dma_start3A_20 = tpu.memref_slice %arg3[%add3A, %dma_start3A_19] : memref<32x10240xf32, #tpu.memory_space<hbm>> -> memref<1x10240xf32, #tpu.memory_space<hbm>>
      %dma_start3A_21 = tpu.memref_squeeze %dma_start3A_20 : memref<1x10240xf32, #tpu.memory_space<hbm>> -> memref<10240xf32, #tpu.memory_space<hbm>>
      tpu.enqueue_dma source(%arg5 : memref<10240xf32, #tpu.memory_space<vmem>>) target(%dma_start3A_21 : memref<10240xf32, #tpu.memory_space<hbm>>) target_semaphore(%run_scoped3A : memref<!tpu.dma_semaphore, #tpu.memory_space<semaphore_mem>>)
      %dma_wait3A = arith.constant 0 : i32
      %dma_wait3A_22 = tpu.memref_slice %arg3[%add3A, %dma_wait3A] : memref<32x10240xf32, #tpu.memory_space<hbm>> -> memref<1x10240xf32, #tpu.memory_space<hbm>>
      %dma_wait3A_23 = tpu.memref_squeeze %dma_wait3A_22 : memref<1x10240xf32, #tpu.memory_space<hbm>> -> memref<10240xf32, #tpu.memory_space<hbm>>
      %dma_wait3A_24 = arith.constant 0 : i32
      %dma_wait3A_25 = tpu.memref_slice %arg3[%add3A, %dma_wait3A_24] : memref<32x10240xf32, #tpu.memory_space<hbm>> -> memref<1x10240xf32, #tpu.memory_space<hbm>>
      %dma_wait3A_26 = tpu.memref_squeeze %dma_wait3A_25 : memref<1x10240xf32, #tpu.memory_space<hbm>> -> memref<10240xf32, #tpu.memory_space<hbm>>
      tpu.wait_dma2 semaphore(%run_scoped3A : memref<!tpu.dma_semaphore, #tpu.memory_space<semaphore_mem>>) src(%arg5 : memref<10240xf32, #tpu.memory_space<vmem>>) dst(%dma_wait3A_26 : memref<10240xf32, #tpu.memory_space<hbm>>)
      tpu.yield
    }) : () -> ()
    return
  }
}

module attributes {stable_mosaic.version = 14 : i64} {
  func.func @_deg_reduce_body(%arg0: i32, %arg1: memref<32x10240xf32, #tpu.memory_space<vmem>>, %arg2: memref<1x10240xf32, #tpu.memory_space<vmem>>, %arg3: memref<1x10240xf32, #tpu.memory_space<vmem>>) attributes {dimension_semantics = [#tpu.dimension_semantics<arbitrary>], iteration_bounds = array<i64: 1>, scalar_prefetch = 0 : i64, scratch_operands = 0 : i64, tpu.core_type = #tpu.core_type<tc>, window_params = [{pipeline_mode = #tpu.pipeline_mode<synchronous>, transform_indices = @transform_0, window_bounds = array<i64: 32, 10240>}, {pipeline_mode = #tpu.pipeline_mode<synchronous>, transform_indices = @transform_1, window_bounds = array<i64: 1, 10240>}, {pipeline_mode = #tpu.pipeline_mode<synchronous>, transform_indices = @transform_2, window_bounds = array<i64: 1, 10240>}]} {
    %get3A = arith.constant 0 : index
    %get3A_0 = arith.constant 0 : index
    %get3A_1 = vector.load %arg1[%get3A, %get3A_0] : memref<32x10240xf32, #tpu.memory_space<vmem>>, vector<32x10240xf32>
    %reduce_sum3A = arith.constant dense<0.000000e+00> : vector<10240xf32>
    %reduce_sum3A_2 = vector.multi_reduction <add>, %get3A_1, %reduce_sum3A [0] : vector<32x10240xf32> to vector<10240xf32>
    %broadcast_in_dim3A = vector.shape_cast %reduce_sum3A_2 : vector<10240xf32> to vector<1x10240xf32>
    %add3A = arith.constant 1.000000e+00 : f32
    %add3A_3 = vector.broadcast %add3A : f32 to vector<1x10240xf32>
    %add3A_4 = arith.addf %broadcast_in_dim3A, %add3A_3 : vector<1x10240xf32>
    %rsqrt3A = math.rsqrt %add3A_4 : vector<1x10240xf32>
    %swap3A = arith.constant 0 : index
    %swap3A_5 = arith.constant 0 : index
    %swap3A_6 = vector.load %arg2[%swap3A, %swap3A_5] : memref<1x10240xf32, #tpu.memory_space<vmem>>, vector<1x10240xf32>
    tpu.vector_store %arg2[%swap3A, %swap3A_5], %rsqrt3A {strides = array<i32>} : memref<1x10240xf32, #tpu.memory_space<vmem>>, vector<1x10240xf32>,
    %div3A = arith.constant 1.000000e+00 : f32
    %div3A_7 = vector.broadcast %div3A : f32 to vector<1x10240xf32>
    %div3A_8 = arith.divf %div3A_7, %add3A_4 : vector<1x10240xf32>
    %swap3A_9 = arith.constant 0 : index
    %swap3A_10 = arith.constant 0 : index
    %swap3A_11 = vector.load %arg3[%swap3A_9, %swap3A_10] : memref<1x10240xf32, #tpu.memory_space<vmem>>, vector<1x10240xf32>
    tpu.vector_store %arg3[%swap3A_9, %swap3A_10], %div3A_8 {strides = array<i32>} : memref<1x10240xf32, #tpu.memory_space<vmem>>, vector<1x10240xf32>,
    return
  }
  func.func @transform_0(%arg0: i32) -> (i32, i32) {
    %c0_i32 = arith.constant 0 : i32
    %c0_i32_0 = arith.constant 0 : i32
    %c0_i32_1 = arith.constant 0 : i32
    return %c0_i32, %c0_i32_0 : i32, i32
  }
  func.func @transform_1(%arg0: i32) -> (i32, i32) {
    %c0_i32 = arith.constant 0 : i32
    %c0_i32_0 = arith.constant 0 : i32
    %c0_i32_1 = arith.constant 0 : i32
    return %c0_i32, %c0_i32_0 : i32, i32
  }
  func.func @transform_2(%arg0: i32) -> (i32, i32) {
    %c0_i32 = arith.constant 0 : i32
    %c0_i32_0 = arith.constant 0 : i32
    %c0_i32_1 = arith.constant 0 : i32
    return %c0_i32, %c0_i32_0 : i32, i32
  }
}

module attributes {stable_mosaic.version = 14 : i64} {
  func.func @_layer1_body(%arg0: i32, %arg1: memref<2000x256xf32, #tpu.memory_space<vmem>>, %arg2: memref<256x64xf32, #tpu.memory_space<vmem>>, %arg3: memref<2000x1xf32, #tpu.memory_space<vmem>>, %arg4: memref<2000x64xf32, #tpu.memory_space<vmem>>, %arg5: memref<2000x64xf32, #tpu.memory_space<vmem>>) attributes {dimension_semantics = [#tpu.dimension_semantics<arbitrary>], iteration_bounds = array<i64: 5>, scalar_prefetch = 0 : i64, scratch_operands = 0 : i64, tpu.core_type = #tpu.core_type<tc>, window_params = [{transform_indices = @transform_0, window_bounds = array<i64: 2000, 256>}, {pipeline_mode = #tpu.pipeline_mode<synchronous>, transform_indices = @transform_1, window_bounds = array<i64: 256, 64>}, {transform_indices = @transform_2, window_bounds = array<i64: 2000, 1>}, {transform_indices = @transform_3, window_bounds = array<i64: 2000, 64>}, {transform_indices = @transform_4, window_bounds = array<i64: 2000, 64>}]} {
    %get3A = arith.constant 0 : index
    %get3A_0 = arith.constant 0 : index
    %get3A_1 = vector.load %arg1[%get3A, %get3A_0] : memref<2000x256xf32, #tpu.memory_space<vmem>>, vector<2000x256xf32>
    %get3A_2 = arith.constant 0 : index
    %get3A_3 = arith.constant 0 : index
    %get3A_4 = vector.load %arg2[%get3A_2, %get3A_3] : memref<256x64xf32, #tpu.memory_space<vmem>>, vector<256x64xf32>
    %dot_general3A = arith.constant dense<0.000000e+00> : vector<2000x64xf32>
    %dot_general3A_5 = tpu.matmul %get3A_1, %get3A_4, %dot_general3A {dimension_numbers = #tpu.dot_dimension_numbers<[1], [0], [0], [1], [0, 0, 1, 1], [], []>, transpose_lhs_hint = false} : vector<2000x256xf32>, vector<256x64xf32>, vector<2000x64xf32> -> vector<2000x64xf32>
    %swap3A = arith.constant 0 : index
    %swap3A_6 = arith.constant 0 : index
    %swap3A_7 = vector.load %arg4[%swap3A, %swap3A_6] : memref<2000x64xf32, #tpu.memory_space<vmem>>, vector<2000x64xf32>
    tpu.vector_store %arg4[%swap3A, %swap3A_6], %dot_general3A_5 {strides = array<i32>} : memref<2000x64xf32, #tpu.memory_space<vmem>>, vector<2000x64xf32>,
    %get3A_8 = arith.constant 0 : index
    %get3A_9 = arith.constant 0 : index
    %get3A_10 = vector.load %arg3[%get3A_8, %get3A_9] : memref<2000x1xf32, #tpu.memory_space<vmem>>, vector<2000x1xf32>
    %mul3A = vector.broadcast %get3A_10 : vector<2000x1xf32> to vector<2000x64xf32>
    %mul3A_11 = arith.mulf %dot_general3A_5, %mul3A : vector<2000x64xf32>
    %swap3A_12 = arith.constant 0 : index
    %swap3A_13 = arith.constant 0 : index
    %swap3A_14 = vector.load %arg5[%swap3A_12, %swap3A_13] : memref<2000x64xf32, #tpu.memory_space<vmem>>, vector<2000x64xf32>
    tpu.vector_store %arg5[%swap3A_12, %swap3A_13], %mul3A_11 {strides = array<i32>} : memref<2000x64xf32, #tpu.memory_space<vmem>>, vector<2000x64xf32>,
    return
  }
  func.func @transform_0(%arg0: i32) -> (i32, i32) {
    %c0_i32 = arith.constant 0 : i32
    %c0_i32_0 = arith.constant 0 : i32
    return %arg0, %c0_i32 : i32, i32
  }
  func.func @transform_1(%arg0: i32) -> (i32, i32) {
    %c0_i32 = arith.constant 0 : i32
    %c0_i32_0 = arith.constant 0 : i32
    %c0_i32_1 = arith.constant 0 : i32
    return %c0_i32, %c0_i32_0 : i32, i32
  }
  func.func @transform_2(%arg0: i32) -> (i32, i32) {
    %c0_i32 = arith.constant 0 : i32
    %c0_i32_0 = arith.constant 0 : i32
    return %arg0, %c0_i32 : i32, i32
  }
  func.func @transform_3(%arg0: i32) -> (i32, i32) {
    %c0_i32 = arith.constant 0 : i32
    %c0_i32_0 = arith.constant 0 : i32
    return %arg0, %c0_i32 : i32, i32
  }
  func.func @transform_4(%arg0: i32) -> (i32, i32) {
    %c0_i32 = arith.constant 0 : i32
    %c0_i32_0 = arith.constant 0 : i32
    return %arg0, %c0_i32 : i32, i32
  }
}

module attributes {stable_mosaic.version = 14 : i64} {
  func.func @_layer2_body(%arg0: i32, %arg1: memref<2000x64xf32, #tpu.memory_space<vmem>>, %arg2: memref<2x2000x64xf32, #tpu.memory_space<vmem>>, %arg3: memref<2000x1xf32, #tpu.memory_space<vmem>>, %arg4: memref<2000x1xf32, #tpu.memory_space<vmem>>, %arg5: memref<1x64xf32, #tpu.memory_space<vmem>>, %arg6: memref<64x32xf32, #tpu.memory_space<vmem>>, %arg7: memref<2000x32xf32, #tpu.memory_space<vmem>>, %arg8: memref<2000x32xf32, #tpu.memory_space<vmem>>) attributes {dimension_semantics = [#tpu.dimension_semantics<arbitrary>], iteration_bounds = array<i64: 5>, scalar_prefetch = 0 : i64, scratch_operands = 0 : i64, tpu.core_type = #tpu.core_type<tc>, window_params = [{transform_indices = @transform_0, window_bounds = array<i64: 2000, 64>}, {transform_indices = @transform_1, window_bounds = array<i64: 2, 2000, 64>}, {transform_indices = @transform_2, window_bounds = array<i64: 2000, 1>}, {transform_indices = @transform_3, window_bounds = array<i64: 2000, 1>}, {pipeline_mode = #tpu.pipeline_mode<synchronous>, transform_indices = @transform_4, window_bounds = array<i64: 1, 64>}, {pipeline_mode = #tpu.pipeline_mode<synchronous>, transform_indices = @transform_5, window_bounds = array<i64: 64, 32>}, {transform_indices = @transform_6, window_bounds = array<i64: 2000, 32>}, {transform_indices = @transform_7, window_bounds = array<i64: 2000, 32>}]} {
    %get3A = arith.constant 0 : index
    %get3A_0 = arith.constant 0 : index
    %get3A_1 = vector.load %arg3[%get3A, %get3A_0] : memref<2000x1xf32, #tpu.memory_space<vmem>>, vector<2000x1xf32>
    %get3A_2 = arith.constant 0 : index
    %get3A_3 = arith.constant 0 : index
    %get3A_4 = arith.constant 0 : index
    %get3A_5 = vector.load %arg2[%get3A_2, %get3A_3, %get3A_4] : memref<2x2000x64xf32, #tpu.memory_space<vmem>>, vector<1x2000x64xf32>
    %get3A_6 = vector.shape_cast %get3A_5 : vector<1x2000x64xf32> to vector<2000x64xf32>
    %get3A_7 = arith.constant 1 : index
    %get3A_8 = arith.constant 0 : index
    %get3A_9 = arith.constant 0 : index
    %get3A_10 = vector.load %arg2[%get3A_7, %get3A_8, %get3A_9] : memref<2x2000x64xf32, #tpu.memory_space<vmem>>, vector<1x2000x64xf32>
    %get3A_11 = vector.shape_cast %get3A_10 : vector<1x2000x64xf32> to vector<2000x64xf32>
    %add3A = arith.addf %get3A_6, %get3A_11 : vector<2000x64xf32>
    %mul3A = vector.broadcast %get3A_1 : vector<2000x1xf32> to vector<2000x64xf32>
    %mul3A_12 = arith.mulf %mul3A, %add3A : vector<2000x64xf32>
    %get3A_13 = arith.constant 0 : index
    %get3A_14 = arith.constant 0 : index
    %get3A_15 = vector.load %arg1[%get3A_13, %get3A_14] : memref<2000x64xf32, #tpu.memory_space<vmem>>, vector<2000x64xf32>
    %get3A_16 = arith.constant 0 : index
    %get3A_17 = arith.constant 0 : index
    %get3A_18 = vector.load %arg4[%get3A_16, %get3A_17] : memref<2000x1xf32, #tpu.memory_space<vmem>>, vector<2000x1xf32>
    %mul3A_19 = vector.broadcast %get3A_18 : vector<2000x1xf32> to vector<2000x64xf32>
    %mul3A_20 = arith.mulf %get3A_15, %mul3A_19 : vector<2000x64xf32>
    %add3A_21 = arith.addf %mul3A_12, %mul3A_20 : vector<2000x64xf32>
    %get3A_22 = arith.constant 0 : index
    %get3A_23 = arith.constant 0 : index
    %get3A_24 = vector.load %arg5[%get3A_22, %get3A_23] : memref<1x64xf32, #tpu.memory_space<vmem>>, vector<1x64xf32>
    %add3A_25 = vector.broadcast %get3A_24 : vector<1x64xf32> to vector<2000x64xf32>
    %add3A_26 = arith.addf %add3A_21, %add3A_25 : vector<2000x64xf32>
    %max3A = arith.constant 0.000000e+00 : f32
    %max3A_27 = vector.broadcast %max3A : f32 to vector<2000x64xf32>
    %max3A_28 = arith.maximumf %add3A_26, %max3A_27 : vector<2000x64xf32>
    %get3A_29 = arith.constant 0 : index
    %get3A_30 = arith.constant 0 : index
    %get3A_31 = vector.load %arg6[%get3A_29, %get3A_30] : memref<64x32xf32, #tpu.memory_space<vmem>>, vector<64x32xf32>
    %dot_general3A = arith.constant dense<0.000000e+00> : vector<2000x32xf32>
    %dot_general3A_32 = tpu.matmul %max3A_28, %get3A_31, %dot_general3A {dimension_numbers = #tpu.dot_dimension_numbers<[1], [0], [0], [1], [0, 0, 1, 1], [], []>, transpose_lhs_hint = false} : vector<2000x64xf32>, vector<64x32xf32>, vector<2000x32xf32> -> vector<2000x32xf32>
    %swap3A = arith.constant 0 : index
    %swap3A_33 = arith.constant 0 : index
    %swap3A_34 = vector.load %arg7[%swap3A, %swap3A_33] : memref<2000x32xf32, #tpu.memory_space<vmem>>, vector<2000x32xf32>
    tpu.vector_store %arg7[%swap3A, %swap3A_33], %dot_general3A_32 {strides = array<i32>} : memref<2000x32xf32, #tpu.memory_space<vmem>>, vector<2000x32xf32>,
    %get3A_35 = arith.constant 0 : index
    %get3A_36 = arith.constant 0 : index
    %get3A_37 = vector.load %arg3[%get3A_35, %get3A_36] : memref<2000x1xf32, #tpu.memory_space<vmem>>, vector<2000x1xf32>
    %mul3A_38 = vector.broadcast %get3A_37 : vector<2000x1xf32> to vector<2000x32xf32>
    %mul3A_39 = arith.mulf %dot_general3A_32, %mul3A_38 : vector<2000x32xf32>
    %swap3A_40 = arith.constant 0 : index
    %swap3A_41 = arith.constant 0 : index
    %swap3A_42 = vector.load %arg8[%swap3A_40, %swap3A_41] : memref<2000x32xf32, #tpu.memory_space<vmem>>, vector<2000x32xf32>
    tpu.vector_store %arg8[%swap3A_40, %swap3A_41], %mul3A_39 {strides = array<i32>} : memref<2000x32xf32, #tpu.memory_space<vmem>>, vector<2000x32xf32>,
    return
  }
  func.func @transform_0(%arg0: i32) -> (i32, i32) {
    %c0_i32 = arith.constant 0 : i32
    %c0_i32_0 = arith.constant 0 : i32
    return %arg0, %c0_i32 : i32, i32
  }
  func.func @transform_1(%arg0: i32) -> (i32, i32, i32) {
    %c0_i32 = arith.constant 0 : i32
    %c0_i32_0 = arith.constant 0 : i32
    %c0_i32_1 = arith.constant 0 : i32
    return %c0_i32, %arg0, %c0_i32_0 : i32, i32, i32
  }
  func.func @transform_2(%arg0: i32) -> (i32, i32) {
    %c0_i32 = arith.constant 0 : i32
    %c0_i32_0 = arith.constant 0 : i32
    return %arg0, %c0_i32 : i32, i32
  }
  func.func @transform_3(%arg0: i32) -> (i32, i32) {
    %c0_i32 = arith.constant 0 : i32
    %c0_i32_0 = arith.constant 0 : i32
    return %arg0, %c0_i32 : i32, i32
  }
  func.func @transform_4(%arg0: i32) -> (i32, i32) {
    %c0_i32 = arith.constant 0 : i32
    %c0_i32_0 = arith.constant 0 : i32
    %c0_i32_1 = arith.constant 0 : i32
    return %c0_i32, %c0_i32_0 : i32, i32
  }
  func.func @transform_5(%arg0: i32) -> (i32, i32) {
    %c0_i32 = arith.constant 0 : i32
    %c0_i32_0 = arith.constant 0 : i32
    %c0_i32_1 = arith.constant 0 : i32
    return %c0_i32, %c0_i32_0 : i32, i32
  }
  func.func @transform_6(%arg0: i32) -> (i32, i32) {
    %c0_i32 = arith.constant 0 : i32
    %c0_i32_0 = arith.constant 0 : i32
    return %arg0, %c0_i32 : i32, i32
  }
  func.func @transform_7(%arg0: i32) -> (i32, i32) {
    %c0_i32 = arith.constant 0 : i32
    %c0_i32_0 = arith.constant 0 : i32
    return %arg0, %c0_i32 : i32, i32
  }
}

module attributes {stable_mosaic.version = 14 : i64} {
  func.func @_head_body(%arg0: i32, %arg1: memref<2000x32xf32, #tpu.memory_space<vmem>>, %arg2: memref<2x2000x32xf32, #tpu.memory_space<vmem>>, %arg3: memref<2000x1xf32, #tpu.memory_space<vmem>>, %arg4: memref<2000x1xf32, #tpu.memory_space<vmem>>, %arg5: memref<1x32xf32, #tpu.memory_space<vmem>>, %arg6: memref<32x1xf32, #tpu.memory_space<vmem>>, %arg7: memref<1x1xf32, #tpu.memory_space<vmem>>, %arg8: memref<2000x1xf32, #tpu.memory_space<vmem>>) attributes {dimension_semantics = [#tpu.dimension_semantics<arbitrary>], iteration_bounds = array<i64: 5>, scalar_prefetch = 0 : i64, scratch_operands = 0 : i64, tpu.core_type = #tpu.core_type<tc>, window_params = [{transform_indices = @transform_0, window_bounds = array<i64: 2000, 32>}, {transform_indices = @transform_1, window_bounds = array<i64: 2, 2000, 32>}, {transform_indices = @transform_2, window_bounds = array<i64: 2000, 1>}, {transform_indices = @transform_3, window_bounds = array<i64: 2000, 1>}, {pipeline_mode = #tpu.pipeline_mode<synchronous>, transform_indices = @transform_4, window_bounds = array<i64: 1, 32>}, {pipeline_mode = #tpu.pipeline_mode<synchronous>, transform_indices = @transform_5, window_bounds = array<i64: 32, 1>}, {pipeline_mode = #tpu.pipeline_mode<synchronous>, transform_indices = @transform_6, window_bounds = array<i64: 1, 1>}, {transform_indices = @transform_7, window_bounds = array<i64: 2000, 1>}]} {
    %get3A = arith.constant 0 : index
    %get3A_0 = arith.constant 0 : index
    %get3A_1 = vector.load %arg3[%get3A, %get3A_0] : memref<2000x1xf32, #tpu.memory_space<vmem>>, vector<2000x1xf32>
    %get3A_2 = arith.constant 0 : index
    %get3A_3 = arith.constant 0 : index
    %get3A_4 = arith.constant 0 : index
    %get3A_5 = vector.load %arg2[%get3A_2, %get3A_3, %get3A_4] : memref<2x2000x32xf32, #tpu.memory_space<vmem>>, vector<1x2000x32xf32>
    %get3A_6 = vector.shape_cast %get3A_5 : vector<1x2000x32xf32> to vector<2000x32xf32>
    %get3A_7 = arith.constant 1 : index
    %get3A_8 = arith.constant 0 : index
    %get3A_9 = arith.constant 0 : index
    %get3A_10 = vector.load %arg2[%get3A_7, %get3A_8, %get3A_9] : memref<2x2000x32xf32, #tpu.memory_space<vmem>>, vector<1x2000x32xf32>
    %get3A_11 = vector.shape_cast %get3A_10 : vector<1x2000x32xf32> to vector<2000x32xf32>
    %add3A = arith.addf %get3A_6, %get3A_11 : vector<2000x32xf32>
    %mul3A = vector.broadcast %get3A_1 : vector<2000x1xf32> to vector<2000x32xf32>
    %mul3A_12 = arith.mulf %mul3A, %add3A : vector<2000x32xf32>
    %get3A_13 = arith.constant 0 : index
    %get3A_14 = arith.constant 0 : index
    %get3A_15 = vector.load %arg1[%get3A_13, %get3A_14] : memref<2000x32xf32, #tpu.memory_space<vmem>>, vector<2000x32xf32>
    %get3A_16 = arith.constant 0 : index
    %get3A_17 = arith.constant 0 : index
    %get3A_18 = vector.load %arg4[%get3A_16, %get3A_17] : memref<2000x1xf32, #tpu.memory_space<vmem>>, vector<2000x1xf32>
    %mul3A_19 = vector.broadcast %get3A_18 : vector<2000x1xf32> to vector<2000x32xf32>
    %mul3A_20 = arith.mulf %get3A_15, %mul3A_19 : vector<2000x32xf32>
    %add3A_21 = arith.addf %mul3A_12, %mul3A_20 : vector<2000x32xf32>
    %get3A_22 = arith.constant 0 : index
    %get3A_23 = arith.constant 0 : index
    %get3A_24 = vector.load %arg5[%get3A_22, %get3A_23] : memref<1x32xf32, #tpu.memory_space<vmem>>, vector<1x32xf32>
    %add3A_25 = vector.broadcast %get3A_24 : vector<1x32xf32> to vector<2000x32xf32>
    %add3A_26 = arith.addf %add3A_21, %add3A_25 : vector<2000x32xf32>
    %max3A = arith.constant 0.000000e+00 : f32
    %max3A_27 = vector.broadcast %max3A : f32 to vector<2000x32xf32>
    %max3A_28 = arith.maximumf %add3A_26, %max3A_27 : vector<2000x32xf32>
    %get3A_29 = arith.constant 0 : index
    %get3A_30 = arith.constant 0 : index
    %get3A_31 = vector.load %arg6[%get3A_29, %get3A_30] : memref<32x1xf32, #tpu.memory_space<vmem>>, vector<32x1xf32>
    %dot_general3A = arith.constant dense<0.000000e+00> : vector<2000x1xf32>
    %dot_general3A_32 = tpu.matmul %max3A_28, %get3A_31, %dot_general3A {dimension_numbers = #tpu.dot_dimension_numbers<[1], [0], [0], [1], [0, 0, 1, 1], [], []>, transpose_lhs_hint = false} : vector<2000x32xf32>, vector<32x1xf32>, vector<2000x1xf32> -> vector<2000x1xf32>
    %get3A_33 = arith.constant 0 : index
    %get3A_34 = arith.constant 0 : index
    %get3A_35 = vector.load %arg7[%get3A_33, %get3A_34] : memref<1x1xf32, #tpu.memory_space<vmem>>, vector<1x1xf32>
    %add3A_36 = vector.broadcast %get3A_35 : vector<1x1xf32> to vector<2000x1xf32>
    %add3A_37 = arith.addf %dot_general3A_32, %add3A_36 : vector<2000x1xf32>
    %swap3A = arith.constant 0 : index
    %swap3A_38 = arith.constant 0 : index
    %swap3A_39 = vector.load %arg8[%swap3A, %swap3A_38] : memref<2000x1xf32, #tpu.memory_space<vmem>>, vector<2000x1xf32>
    tpu.vector_store %arg8[%swap3A, %swap3A_38], %add3A_37 {strides = array<i32>} : memref<2000x1xf32, #tpu.memory_space<vmem>>, vector<2000x1xf32>,
    return
  }
  func.func @transform_0(%arg0: i32) -> (i32, i32) {
    %c0_i32 = arith.constant 0 : i32
    %c0_i32_0 = arith.constant 0 : i32
    return %arg0, %c0_i32 : i32, i32
  }
  func.func @transform_1(%arg0: i32) -> (i32, i32, i32) {
    %c0_i32 = arith.constant 0 : i32
    %c0_i32_0 = arith.constant 0 : i32
    %c0_i32_1 = arith.constant 0 : i32
    return %c0_i32, %arg0, %c0_i32_0 : i32, i32, i32
  }
  func.func @transform_2(%arg0: i32) -> (i32, i32) {
    %c0_i32 = arith.constant 0 : i32
    %c0_i32_0 = arith.constant 0 : i32
    return %arg0, %c0_i32 : i32, i32
  }
  func.func @transform_3(%arg0: i32) -> (i32, i32) {
    %c0_i32 = arith.constant 0 : i32
    %c0_i32_0 = arith.constant 0 : i32
    return %arg0, %c0_i32 : i32, i32
  }
  func.func @transform_4(%arg0: i32) -> (i32, i32) {
    %c0_i32 = arith.constant 0 : i32
    %c0_i32_0 = arith.constant 0 : i32
    %c0_i32_1 = arith.constant 0 : i32
    return %c0_i32, %c0_i32_0 : i32, i32
  }
  func.func @transform_5(%arg0: i32) -> (i32, i32) {
    %c0_i32 = arith.constant 0 : i32
    %c0_i32_0 = arith.constant 0 : i32
    %c0_i32_1 = arith.constant 0 : i32
    return %c0_i32, %c0_i32_0 : i32, i32
  }
  func.func @transform_6(%arg0: i32) -> (i32, i32) {
    %c0_i32 = arith.constant 0 : i32
    %c0_i32_0 = arith.constant 0 : i32
    %c0_i32_1 = arith.constant 0 : i32
    return %c0_i32, %c0_i32_0 : i32, i32
  }
  func.func @transform_7(%arg0: i32) -> (i32, i32) {
    %c0_i32 = arith.constant 0 : i32
    %c0_i32_0 = arith.constant 0 : i32
    return %arg0, %c0_i32 : i32, i32
  }
}

</mosaic_0001>

<sc_bundles>
// kernel: kernel.12.cloned.1.call-start
scs
__scs_entry_jumppad:
0x0: {  	(pc) =	sbr.rel $0x88, $3  }
0x1: {  	(tag) =	ssettag $0x0;
	lr =	simm.s32 $0x1  }
0x2: {  	[smem:$0x3F99] =	sst lr;
	_ =	strace $0xD0000000  }
0x3: {  	_ = 	snop  }
0x4: {  	_ = 	snop  }
0x5: {  	_ = 	snop  }
0x6: {  	_ = 	snop  }
0x7: {  	_ = 	snop  }
__scs_overlays_trampoline_lowered:
0x8: {  	[smem:$0x3FA8] =	sst s0  }
0x9: {  	[smem:$0x3FA9] =	sst s1  }
0xa: {  	[smem:$0x3FAA] =	sst s2  }
0xb: {  	[smem:$0x3FAB] =	sst s3  }
0xc: {  	[smem:$0x3FAC] =	sst s4  }
0xd: {  	[smem:$0x3FAD] =	sst s5  }
0xe: {  	[smem:$0x3FAE] =	sst s6  }
0xf: {  	[smem:$0x3FAF] =	sst s7  }
0x10: {  	[smem:$0x3FB0] =	sst s8  }
0x11: {  	[smem:$0x3FB1] =	sst s9;
	s0 =	simm.s32 @!p0 $0x0  }
0x12: {  	s1 =	sld [smem:$0x3F97];
	s0 =	simm.s32 @p0 $0x1  }
0x13: {  	[smem:$0x3FB2] =	sst s0;
	s0 =	simm.s32 @!p1 $0x0  }
0x14: {  	s2 =	sld [smem:$0x3F96];
	s0 =	simm.s32 @p1 $0x1  }
0x15: {  	[smem:$0x3FB3] =	sst s0;
	s0 =	simm.s32 @!p2 $0x0  }
0x16: {  	s3 =	sld [smem:$0x3FDB];
	s0 =	simm.s32 @p2 $0x1  }
0x17: {  	s4 =	simm.s32 $0x1BF5;
	[smem:$0x3FB5] =	sst s0  }
0x18: {  	s0 =	sld [smem:$0x3F98];
	_ =	swait.ge [sflag:s4], $0x0  }
0x19: {  	s7 =	sld [smem:$0x3F99]  }
0x1a: {  	s8 =	sadd.s32 $0xFFFFE003, lr  }
0x1b: {  	s9 =	sadd.s32 $0xFFFFFEF7, lr;
	s5 =	simm.s32 $0xFFFFFFFF;
	p2 =	slt.u32 s8, $0xFFFFF086  }
0x1c: {  	p1 =	slt.u32 s9, $0xF7A;
	s5 =	simm.s32 @!p2 $0x0  }
0x1d: {  	s5 =	simm.s32 @p1 $0x1;
	p0 =	seq.s32 s7, s2  }
0x1e: {  	s7 =	smul.u32 @!p0 $0xF7A, s2;
	p2 =	seq.s32 @!p0 s5, $0x0  }
0x1f: {  	s9 =	smul.u32 $0xF7A, s1;
	s8 =	simm.s32 @!p0 $0x1BF5;
	p2 =	por !p2, p0  }
0x20: {  	[sflag:s8] =	ssyncset.s32 @!p0 $0xFFFFF086;
	s6 =	sadd.s32 @!p0 s3, s7;
	s7 =	simm.s32 @!p0 $0x108  }
0x21: {  	s3 =	sadd.s32 s3, s9;
	s6 =	sadd.s32 @!p0 $0x88, s6;
	s7 =	simm.s32 @p2 $0x1082  }
0x22: {  	[simem:s7], [sflag:s8] =	dma.local @!p0 [hbm:s6], $0xF7A  }
0x23: {  	s9 =	sor.u32 $0xD0000000, s2;
	s6 =	simm.s32 $0x108;
	_ =	swait.ge @!p0 [sflag:s8], $0x0  }
0x24: {  	s3 =	sadd.s32 $0x88, s3;
	s6 =	simm.s32 @!p1 $0x1082;
	[sflag:s4] =	ssyncset.s32 $0xFFFFF086  }
0x25: {  	[simem:s6], [sflag:s4] =	dma.local [hbm:s3], $0xF7A  }
0x26: {  	[smem:$0x3F99] =	sst s1;
	(tag) =	ssettag s2;
	_ =	strace s9  }
0x27: {  	s1 =	sld [smem:$0x3FA9]  }
0x28: {  	s2 =	sld [smem:$0x3FAA]  }
0x29: {  	s4 =	sld [smem:$0x3FAC]  }
0x2a: {  	p0 =	seq.s32 s5, $0x0;
	s5 =	sld [smem:$0x3FAD]  }
0x2b: {  	s6 =	sld [smem:$0x3FAE]  }
0x2c: {  	s7 =	sld [smem:$0x3FAF]  }
0x2d: {  	s3 =	simm.s32 $0x108;
	s8 =	sld [smem:$0x3FB0]  }
0x2e: {  	s3 =	simm.s32 @!p0 $0x1082;
	s9 =	sld [smem:$0x3FB1]  }
0x2f: {  	lr =	sadd.s32 s0, s3;
	s0 =	sld [smem:$0x3FA8]  }
0x30: {  	s3 =	sld [smem:$0x3FAB]  }
0x31: {  	[smem:$0x3FB4] =	sst s10  }
0x32: {  	s10 =	sld [smem:$0x3FB2];
	_ =	sdelay $0x3  }
0x33: {  	p0 =	seq.s32 s10, $0x1;
	s10 =	sld [smem:$0x3FB4];
	_ =	sdelay $0x3  }
0x34: {  	[smem:$0x3FB4] =	sst s10  }
0x35: {  	s10 =	sld [smem:$0x3FB3];
	_ =	sdelay $0x3  }
0x36: {  	p1 =	seq.s32 s10, $0x1;
	s10 =	sld [smem:$0x3FB4];
	_ =	sdelay $0x3  }
0x37: {  	[smem:$0x3FB4] =	sst s10  }
0x38: {  	s10 =	sld [smem:$0x3FB5]  }
0x39: {  	_ = 	snop;
	(pc) =	sbr.ind lr, $3  }
0x3a: {  	_ = 	snop  }
0x3b: {  	_ = 	snop  }
0x3c: {  	p2 =	seq.s32 s10, $0x1;
	s10 =	sld [smem:$0x3FB4]  }
0x3d: {  	_ =	shalt  }
0x3e: {  	_ =	shalt  }
0x3f: {  	_ =	shalt  }
0x40: {  	_ =	shalt  }
0x41: {  	_ =	shalt  }
0x42: {  	_ =	shalt  }
0x43: {  	_ =	shalt  }
0x44: {  	_ =	shalt  }
0x45: {  	_ =	shalt  }
0x46: {  	_ =	shalt  }
0x47: {  	_ =	shalt  }
0x48: {  	_ =	shalt  }
0x49: {  	_ =	shalt  }
0x4a: {  	_ =	shalt  }
0x4b: {  	_ =	shalt  }
0x4c: {  	_ =	shalt  }
0x4d: {  	_ =	shalt  }
0x4e: {  	_ =	shalt  }
0x4f: {  	_ =	shalt  }
0x50: {  	_ =	shalt  }
0x51: {  	_ =	shalt  }
0x52: {  	_ =	shalt  }
0x53: {  	_ =	shalt  }
0x54: {  	_ =	shalt  }
0x55: {  	_ =	shalt  }
0x56: {  	_ =	shalt  }
0x57: {  	_ =	shalt  }
0x58: {  	_ =	shalt  }
0x59: {  	_ =	shalt  }
0x5a: {  	_ =	shalt  }
0x5b: {  	_ =	shalt  }
0x5c: {  	_ =	shalt  }
0x5d: {  	_ =	shalt  }
0x5e: {  	_ =	shalt  }
0x5f: {  	_ =	shalt  }
0x60: {  	_ =	shalt  }
0x61: {  	_ =	shalt  }
0x62: {  	_ =	shalt  }
0x63: {  	_ =	shalt  }
0x64: {  	_ =	shalt  }
0x65: {  	_ =	shalt  }
0x66: {  	_ =	shalt  }
0x67: {  	_ =	shalt  }
0x68: {  	_ =	shalt  }
0x69: {  	_ =	shalt  }
0x6a: {  	_ =	shalt  }
0x6b: {  	_ =	shalt  }
0x6c: {  	_ =	shalt  }
0x6d: {  	_ =	shalt  }
0x6e: {  	_ =	shalt  }
0x6f: {  	_ =	shalt  }
0x70: {  	_ =	shalt  }
0x71: {  	_ =	shalt  }
0x72: {  	_ =	shalt  }
0x73: {  	_ =	shalt  }
0x74: {  	_ =	shalt  }
0x75: {  	_ =	shalt  }
0x76: {  	_ =	shalt  }
0x77: {  	_ =	shalt  }
0x78: {  	_ =	shalt  }
0x79: {  	_ =	shalt  }
0x7a: {  	_ =	shalt  }
0x7b: {  	_ =	shalt  }
0x7c: {  	_ =	shalt  }
0x7d: {  	_ =	shalt  }
0x7e: {  	_ =	shalt  }
0x7f: {  	_ =	shalt  }
0x80: {  	_ =	shalt  }
0x81: {  	_ =	shalt  }
0x82: {  	_ =	shalt  }
0x83: {  	_ =	shalt  }
0x84: {  	_ =	shalt  }
0x85: {  	_ =	shalt  }
0x86: {  	_ =	shalt  }
0x87: {  	_ =	shalt  }
.Lfunc_end0:
.L_simem_size_0:
called_computation.1_lowered:
.L_overlay_start_0:
0x88: {  	s2 =	sld [smem:$0x3FD9]  }
0x89: {  	s3 =	sld [smem:$0x3FFE];
	_ =	sdelay $0x1  }
0x8a: {  	s1 =	srdreg.scid  }
0x8b: {  	s0 =	sand.u32 $0x1, s1  }
0x8c: {  	s16 =	sshll.u32 s0, $0xA;
	s2 =	sadd.s32 s3, s2  }
0x8d: {  	s2 =	sadd.s32 s2, s16  }
0x8e: {  	[smem:$0x3FC0] =	sst s2  }
0x8f: {  	_ = 	snop  }
0x90: {  	(tm) =	ssettm $0x1  }
0x91: {  	s17 =	sld [smem:$0x3FFB];
	_ =	sdelay $0x3  }
0x92: {  	_ =	strace s17  }
0x93: {  	s2 =	sld [smem:$0x3FFC];
	_ =	sdelay $0x3  }
0x94: {  	_ =	strace s2  }
0x95: {  	s2 =	sld [smem:$0x3FFD];
	_ =	sdelay $0x3  }
0x96: {  	_ =	strace s2  }
0x97: {  	_ =	strace $0x8FFFFFFF  }
0x98: {  	s18 =	sld [smem:$0x3FDB];
	_ =	sdelay $0x1  }
0x99: {  	s19 =	simm.s32 $_scs_section_size  }
0x9a: {  	s4 =	simm.s32 $_size__tile_overlayer_lowered;
	s5 =	simm.s32 $_tile_overlayer_lowered  }
0x9b: {  	s22 =	simm.s32 $0x1BFF;
	s21 =	sshll.u32 s5, $0x1;
	s2 =	sadd.s32 s19, s18  }
0x9c: {  	s6 =	simm.s32 $0x0;
	s20 =	sshll.u32 s4, $0x1;
	s4 =	sadd.s32 s21, s2  }
0x9d: {  	[timem:s6], [sflag:s22] =	dma.local [hbm:s4], s20  }
0x9e: {  	_ =	swait.ge [sflag:s22], s20  }
0x9f: {  	s3 =	ssub.s32 $0x0, s20;
	[sflag:s22] =	ssyncset.done $0x0  }
0xa0: {  	[sflag:s22] =	ssyncadd.s32 s3;
	_ =	sdelay $0x1  }
0xa1: {  	s23 =	simm.s32 $0x1B8B  }
0xa2: {  	_ =	swait.ge [sflag:s23], $0x1  }
0xa3: {  	[sflag:s23] =	ssyncset.done $0x0  }
0xa4: {  	s25 =	simm.s32 $0x1B8E;
	s24 =	sld [smem:$0x3FFE];
	[sflag:s23] =	ssyncadd.s32 $0xFFFFFFFF  }
0xa5: {  	s26 =	simm.s32 $execute0_lowered;
	[smem:$0x3FD2] =	sst s25  }
0xa6: {  	s4 =	sshll.u32 s26, $0x1;
	_ =	strace $0x80000049;
	[dreg:$0x1] =	wrdreg $0xFFFFFFFF  }
0xa7: {  	s28 =	simm.s32 $_size_execute0_lowered;
	s2 =	sadd.s32 s2, s4;
	[dreg:$0x0] =	wrdreg $0x0  }
0xa8: {  	s4 =	sshll.u32 s28, $0x1;
	[dreg:$0x2] =	wrdreg s2  }
0xa9: {  	[dreg:$0x3] =	wrdreg s4  }
0xaa: {  	[dreg:$0x4] =	wrdreg $0xC0  }
0xab: {  	_ =	task [dreg:s6], $0x5FFFF  }
0xac: {  	[dreg:$0x1] =	wrdreg $0xFFFFFFFF  }
0xad: {  	[dreg:$0x0] =	wrdreg $0x60  }
0xae: {  	[dreg:$0x2] =	wrdreg s24  }
0xaf: {  	[dreg:$0x3] =	wrdreg $0xA8000  }
0xb0: {  	[dreg:$0x4] =	wrdreg $0x9  }
0xb1: {  	_ =	task.clear_ibuf [dreg:s6], $0x5FFFF;
	_ =	strace $0x90000049  }
0xb2: {  	s29 =	simm.s32 $0x9;
	_ =	strace $0x8000004B  }
0xb3: {  	_ =	swait.ge [sflag:s29], $0x1  }
0xb4: {  	[sflag:s29] =	ssyncadd.s32 $0xFFFFFFFF  }
0xb5: {  	_ =	strace $0x9000004B  }
0xb6: {  	_ =	sfence  }
0xb7: {  	s30 =	sld [smem:$0x0];
	_ =	sdelay $0x2  }
0xb8: {  	s31 =	sshll.u32 s1, $0xD;
	s1 =	sshrl.u32 s1, $0x2  }
0xb9: {  	s3 =	sand.u32 $0x4000, s31;
	s1 =	sadd.s32 s1, s30  }
0xba: {  	s0 =	sor.u32 s3, s0;
	s1 =	sshll.u32 s1, $0x11  }
0xbb: {  	s0 =	sor.u32 s1, s0  }
0xbc: {  	s0 =	sadd.s32 $0x8F2B, s0  }
0xbd: {  	[sflag:s0] =	ssyncadd.remote.s32 $0x1  }
0xbe: {  	_ =	sfence.sel $0xFFFF  }
0xbf: {  	[dreg:$0x0] =	wrdreg $0xFFFFFFFF;
	(pc) =	sbr.abs _section_cstart, $3  }
0xc0: {  	[dreg:$0x1] =	wrdreg $0xFFFFFFFF  }
0xc1: {  	_ =	task.clear_ibuf [dreg:s6], $0x2FFFF;
	_ =	strace $0x9FFFFFFF  }
0xc2: {  	(tm) =	ssettm $0x7FFFFFFF  }
0xc3: {  	_ =	shalt  }
tec
execute0_lowered:
.L_overlay_start_1:
0x0: {  	(tag) =	ssettag $0x1  }
0x1: {  	s0 =	rddreg [dreg:$0x0];
	s1 =	srdreg.scid  }
0x2: {  	s6 =	stileid.u32;
	s2 =	rddreg [dreg:$0x1];
	s3 =	simm.s32 $0x0  }
0x3: {  	s19 =	simm.s32 $0x5;
	s21 =	simm.s32 $0x80;
	s22 =	simm.s32 $0x4800  }
0x4: {  	s28 =	simm.s32 $0x1;
	s29 =	simm.s32 $0x2;
	s30 =	simm.s32 $0x3  }
0x5: {  	s31 =	simm.s32 $0x4;
	s20 =	simm.s32 $0x1380;
	s1 =	sand.u32 $0x1, s1  }
0x6: {  	s4 =	sshll.u32 s6, $0x1;
	[smem:$0x7FF] =	sst s3;
	s10 =	smul.u32 $0xA000, s6  }
0x7: {  	s4 =	sor.u32 s1, s4;
	s24 =	ssub.s32 $0x2, s1;
	s1 =	smul.u32 $0xA0000, s1  }
0x8: {  	s23 =	simm.s32 $0x0;
	_ =	strace $0x8000004A;
	s5 =	smul.u32 $0x280, s4  }
0x9: {  	s4 =	sadd.s32 $0x15800, s0;
	s25 =	sshrl.u32 s24, $0x1;
	s12 =	sadd.s32 $0x2000, s10  }
0xa: {  	s14 =	sadd.s32 $0x4000, s10;
	s15 =	sadd.s32 $0x6000, s10;
	s16 =	sadd.s32 $0x8000, s10  }
0xb: {  	s17 =	ssub.s32 s24, s25;
	s6 =	sadd.s32 s12, s2;
	s7 =	sadd.s32 s14, s2  }
0xc: {  	s8 =	sadd.s32 s15, s2;
	s9 =	sadd.s32 s16, s2;
	s13 =	sadd.s32 s10, s1  }
0xd: {  	s12 =	sadd.s32 s1, s12;
	s14 =	sadd.s32 s1, s14;
	s15 =	sadd.s32 s1, s15  }
0xe: {  	s1 =	sadd.s32 s1, s16;
	s24 =	simm.s32 $0x6800;
	s11 =	sadd.s32 s5, s0  }
0xf: {  	s0 =	sadd.s32 $0x29200, s0;
	s5 =	sadd.s32 s10, s2;
	s13 =	sshrl.u32 s13, $0x3  }
0x10: {  	s18 =	sshrl.u32 s12, $0x3;
	s14 =	sshrl.u32 s14, $0x3;
	s15 =	sshrl.u32 s15, $0x3  }
0x11: {  	s1 =	sshrl.u32 s1, $0x3;
	s17 =	smax.u32 s17, $0x1;
	s26 =	sadd.s32 $0x10800, s11  }
0x12: {  	s11 =	sadd.s32 $0x1800, s11;
	s12 =	sadd.s32 s0, s13;
	s13 =	sadd.s32 s0, s18  }
0x13: {  	s14 =	sadd.s32 s0, s14;
	s15 =	sadd.s32 s0, s15;
	s16 =	sadd.s32 s0, s1  }
0x14: {  	v0 =	vimm.f32 $0.0e+00;
	s18 =	simm.s32 $0x2800;
	[dreg:$0x3] =	wrdreg s26;
	s26 =	simm.s32 $0x8800  }
.LBB2_1:
0x15: {  	s0 =	sand.u32 $0x7F00, s3  }
0x16: {  	s25 =	sand.u32 $0x30, s3;
	s0 =	sshrl.u32 s0, $0x2  }
0x17: {  	s1 =	simm.s32 $0x40;
	s0 =	sor.u32 s25, s0;
	s25 =	simm.s32 $0x0  }
.LBB2_2:
0x18: {  	p0 =	sne.s32 s1, $0x7FC0  }
0x19: {  	[tilespmem:s0+$0x2800] =	vst v0;
	s25 =	sadd.s32 $0x10, s25;
	s0 =	smov.u32 s1;
	s1 =	sadd.s32 $0x40, s1  }
.Ltmp0:
0x1a: {  	(pc) =	sbr.rel @p0 .LBB2_2-.Ltmp0, $4  }
0x1b: {  	_ = 	snop  }
0x1c: {  	s0 =	sand.u32 $0x7F00, s0  }
0x1d: {  	s10 =	sand.u32 $0x30, s25;
	s0 =	sshrl.u32 s0, $0x2  }
0x1e: {  	s0 =	sor.u32 s10, s0  }
0x1f: {  	[tilespmem:s0+$0x2800] =	vst v0  }
0x20: {  	[spmem:s5] =	stream.linear.scatter [tilespmem:s18], [sflag:$0x5], $0x2000, $0x38;
	[tilespmem:$0x14800] =	vst v63  }
0x21: {  	_ =	swait.ge [sflag:s19], $0x2000  }
0x22: {  	[sflag:s19] =	ssyncset.done $0x0  }
0x23: {  	[sflag:s19] =	ssyncadd.s32 $0xFFFFE000  }
0x24: {  	[spmem:s6] =	stream.linear.scatter [tilespmem:s18], [sflag:$0x5], $0x2000, $0x38;
	[tilespmem:$0x14800] =	vst v63  }
0x25: {  	_ =	swait.ge [sflag:s19], $0x2000  }
0x26: {  	[sflag:s19] =	ssyncset.done $0x0  }
0x27: {  	[sflag:s19] =	ssyncadd.s32 $0xFFFFE000  }
0x28: {  	[spmem:s7] =	stream.linear.scatter [tilespmem:s18], [sflag:$0x5], $0x2000, $0x38;
	[tilespmem:$0x14800] =	vst v63  }
0x29: {  	_ =	swait.ge [sflag:s19], $0x2000  }
0x2a: {  	[sflag:s19] =	ssyncset.done $0x0  }
0x2b: {  	[sflag:s19] =	ssyncadd.s32 $0xFFFFE000  }
0x2c: {  	[spmem:s8] =	stream.linear.scatter [tilespmem:s18], [sflag:$0x5], $0x2000, $0x38;
	[tilespmem:$0x14800] =	vst v63  }
0x2d: {  	_ =	swait.ge [sflag:s19], $0x2000  }
0x2e: {  	[sflag:s19] =	ssyncset.done $0x0  }
0x2f: {  	[sflag:s19] =	ssyncadd.s32 $0xFFFFE000  }
0x30: {  	[spmem:s9] =	stream.linear.scatter [tilespmem:s18], [sflag:$0x5], $0x2000, $0x38;
	[tilespmem:$0x14800] =	vst v63  }
0x31: {  	_ =	swait.ge [sflag:s19], $0x2000  }
0x32: {  	[sflag:s19] =	ssyncset.done $0x0  }
0x33: {  	s10 =	simm.s32 $0x0;
	s1 =	rddreg [dreg:$0x3];
	[sflag:s19] =	ssyncadd.s32 $0xFFFFE000  }
0x34: {  	[tilespmem:s10], [sflag:$0x5] =	stream.linear.gather [hbm4b:s1+s10], $0x1400, $0x38;
	[tilespmem:$0x14800] =	vst v63  }
0x35: {  	_ =	swait.ge [sflag:s19], $0x1400  }
0x36: {  	[sflag:s19] =	ssyncset.done $0x0  }
0x37: {  	s25 =	simm.s32 $0x1400;
	[sflag:s19] =	ssyncadd.s32 $0xFFFFEC00  }
0x38: {  	[tilespmem:s25], [sflag:$0x5] =	stream.linear.gather [hbm4b:s11+s10], $0x1400, $0x38;
	[tilespmem:$0x14800] =	vst v63  }
0x39: {  	_ =	swait.ge [sflag:s19], $0x1400  }
0x3a: {  	[sflag:s19] =	ssyncset.done $0x0  }
0x3b: {  	[sflag:s19] =	ssyncadd.s32 $0xFFFFEC00  }
0x3c: {  	[bflag:$0x0] =	sbarrier.arrive $0xFFFF  }
0x3d: {  	[tilespmem:s18], [sflag:$0x1] =	stream.indirect.gather [hbm4b:s4+s21], $0x40, s10, s21, $0xb8;
	[tilespmem:$0x14800] =	vst v63  }
0x3e: {  	_ = 	snop  }
0x3f: {  	[tilespmem:s22], [sflag:$0x2] =	stream.indirect.gather [hbm4b:s4+s21], $0x40, s21, s21, $0xb8;
	[tilespmem:$0x14800] =	vst v63  }
0x40: {  	s1 =	simm.s32 $0x100  }
0x41: {  	[tilespmem:s24], [sflag:$0x3] =	stream.indirect.gather [hbm4b:s4+s21], $0x40, s1, s21, $0xb8;
	[tilespmem:$0x14800] =	vst v63  }
0x42: {  	s10 =	simm.s32 $0x180  }
0x43: {  	[tilespmem:s26], [sflag:$0x4] =	stream.indirect.gather [hbm4b:s4+s21], $0x40, s10, s21, $0xb8;
	[tilespmem:$0x14800] =	vst v63  }
0x44: {  	_ =	swait.ge [sflag:s28], $0x2000  }
0x45: {  	[sflag:s28] =	ssyncset.done $0x0  }
0x46: {  	s25 =	simm.s32 $0x1400;
	[sflag:s28] =	ssyncadd.s32 $0xFFFFE000  }
0x47: {  	[spmem:s2] =	stream.indirect.scatter.add.f32 [tilespmem:s18], [sflag:$0x5], $0x40, s25, s21, $0xb8;
	[tilespmem:$0x14800] =	vst v63  }
0x48: {  	_ =	swait.ge [sflag:s19], $0x2000  }
0x49: {  	[sflag:s19] =	ssyncset.done $0x0  }
0x4a: {  	s1 =	simm.s32 $0x200;
	[sflag:s19] =	ssyncadd.s32 $0xFFFFE000  }
0x4b: {  	[tilespmem:s18], [sflag:$0x1] =	stream.indirect.gather [hbm4b:s4+s21], $0x40, s1, s21, $0xb8;
	[tilespmem:$0x14800] =	vst v63  }
0x4c: {  	_ =	swait.ge [sflag:s29], $0x2000  }
0x4d: {  	[sflag:s29] =	ssyncset.done $0x0  }
0x4e: {  	s10 =	simm.s32 $0x1480;
	[sflag:s29] =	ssyncadd.s32 $0xFFFFE000  }
0x4f: {  	[spmem:s2] =	stream.indirect.scatter.add.f32 [tilespmem:s22], [sflag:$0x5], $0x40, s10, s21, $0xb8;
	[tilespmem:$0x14800] =	vst v63  }
0x50: {  	_ =	swait.ge [sflag:s19], $0x2000  }
0x51: {  	[sflag:s19] =	ssyncset.done $0x0  }
0x52: {  	s25 =	simm.s32 $0x280;
	[sflag:s19] =	ssyncadd.s32 $0xFFFFE000  }
0x53: {  	[tilespmem:s22], [sflag:$0x2] =	stream.indirect.gather [hbm4b:s4+s21], $0x40, s25, s21, $0xb8;
	[tilespmem:$0x14800] =	vst v63  }
0x54: {  	_ =	swait.ge [sflag:s30], $0x2000  }
0x55: {  	[sflag:s30] =	ssyncset.done $0x0  }
0x56: {  	s1 =	simm.s32 $0x1500;
	[sflag:s30] =	ssyncadd.s32 $0xFFFFE000  }
0x57: {  	[spmem:s2] =	stream.indirect.scatter.add.f32 [tilespmem:s24], [sflag:$0x5], $0x40, s1, s21, $0xb8;
	[tilespmem:$0x14800] =	vst v63  }
0x58: {  	_ =	swait.ge [sflag:s19], $0x2000  }
0x59: {  	[sflag:s19] =	ssyncset.done $0x0  }
0x5a: {  	s10 =	simm.s32 $0x300;
	[sflag:s19] =	ssyncadd.s32 $0xFFFFE000  }
0x5b: {  	[tilespmem:s24], [sflag:$0x3] =	stream.indirect.gather [hbm4b:s4+s21], $0x40, s10, s21, $0xb8;
	[tilespmem:$0x14800] =	vst v63  }
0x5c: {  	_ =	swait.ge [sflag:s31], $0x2000  }
0x5d: {  	[sflag:s31] =	ssyncset.done $0x0  }
0x5e: {  	s25 =	simm.s32 $0x1580;
	[sflag:s31] =	ssyncadd.s32 $0xFFFFE000  }
0x5f: {  	[spmem:s2] =	stream.indirect.scatter.add.f32 [tilespmem:s26], [sflag:$0x5], $0x40, s25, s21, $0xb8;
	[tilespmem:$0x14800] =	vst v63  }
0x60: {  	_ =	swait.ge [sflag:s19], $0x2000  }
0x61: {  	[sflag:s19] =	ssyncset.done $0x0  }
0x62: {  	s0 =	simm.s32 $0x380;
	s25 =	simm.s32 $0x800;
	[sflag:s19] =	ssyncadd.s32 $0xFFFFE000  }
.LBB2_4:
0x63: {  	[tilespmem:s26], [sflag:$0x4] =	stream.indirect.gather [hbm4b:s4+s21], $0x40, s0, s21, $0xb8;
	[tilespmem:$0x14800] =	vst v63  }
0x64: {  	s0 =	smov.u32 s25  }
0x65: {  	p0 =	sne.s32 s25, $0x3800;
	s25 =	sadd.s32 $0x800, s25;
	_ =	swait.ge [sflag:s28], $0x2000  }
0x66: {  	s1 =	sshra.s32 s0, $0x2;
	[sflag:s28] =	ssyncset.done $0x0  }
0x67: {  	s0 =	sadd.s32 $0x1400, s1;
	[sflag:s28] =	ssyncadd.s32 $0xFFFFE000  }
0x68: {  	[spmem:s2] =	stream.indirect.scatter.add.f32 [tilespmem:s18], [sflag:$0x5], $0x40, s0, s21, $0xb8;
	[tilespmem:$0x14800] =	vst v63  }
0x69: {  	_ =	swait.ge [sflag:s19], $0x2000  }
0x6a: {  	[sflag:s19] =	ssyncset.done $0x0  }
0x6b: {  	s0 =	sadd.s32 $0x200, s1;
	[sflag:s19] =	ssyncadd.s32 $0xFFFFE000  }
0x6c: {  	[tilespmem:s18], [sflag:$0x1] =	stream.indirect.gather [hbm4b:s4+s21], $0x40, s0, s21, $0xb8;
	[tilespmem:$0x14800] =	vst v63  }
0x6d: {  	_ =	swait.ge [sflag:s29], $0x2000  }
0x6e: {  	[sflag:s29] =	ssyncset.done $0x0  }
0x6f: {  	s0 =	sadd.s32 $0x1480, s1;
	[sflag:s29] =	ssyncadd.s32 $0xFFFFE000  }
0x70: {  	[spmem:s2] =	stream.indirect.scatter.add.f32 [tilespmem:s22], [sflag:$0x5], $0x40, s0, s21, $0xb8;
	[tilespmem:$0x14800] =	vst v63  }
0x71: {  	_ =	swait.ge [sflag:s19], $0x2000  }
0x72: {  	[sflag:s19] =	ssyncset.done $0x0  }
0x73: {  	s0 =	sadd.s32 $0x280, s1;
	[sflag:s19] =	ssyncadd.s32 $0xFFFFE000  }
0x74: {  	[tilespmem:s22], [sflag:$0x2] =	stream.indirect.gather [hbm4b:s4+s21], $0x40, s0, s21, $0xb8;
	[tilespmem:$0x14800] =	vst v63  }
0x75: {  	_ =	swait.ge [sflag:s30], $0x2000  }
0x76: {  	[sflag:s30] =	ssyncset.done $0x0  }
0x77: {  	s0 =	sadd.s32 $0x1500, s1;
	[sflag:s30] =	ssyncadd.s32 $0xFFFFE000  }
0x78: {  	[spmem:s2] =	stream.indirect.scatter.add.f32 [tilespmem:s24], [sflag:$0x5], $0x40, s0, s21, $0xb8;
	[tilespmem:$0x14800] =	vst v63  }
0x79: {  	_ =	swait.ge [sflag:s19], $0x2000  }
0x7a: {  	[sflag:s19] =	ssyncset.done $0x0  }
0x7b: {  	s0 =	sadd.s32 $0x300, s1;
	[sflag:s19] =	ssyncadd.s32 $0xFFFFE000  }
0x7c: {  	[tilespmem:s24], [sflag:$0x3] =	stream.indirect.gather [hbm4b:s4+s21], $0x40, s0, s21, $0xb8;
	[tilespmem:$0x14800] =	vst v63  }
0x7d: {  	_ =	swait.ge [sflag:s31], $0x2000  }
0x7e: {  	[sflag:s31] =	ssyncset.done $0x0  }
.Ltmp1:
0x7f: {  	s0 =	sadd.s32 $0x1580, s1;
	[sflag:s31] =	ssyncadd.s32 $0xFFFFE000;
	(pc) =	sbr.rel @p0 .LBB2_4-.Ltmp1, $4  }
0x80: {  	[spmem:s2] =	stream.indirect.scatter.add.f32 [tilespmem:s26], [sflag:$0x5], $0x40, s0, s21, $0xb8;
	[tilespmem:$0x14800] =	vst v63  }
0x81: {  	_ =	swait.ge [sflag:s19], $0x2000  }
0x82: {  	[sflag:s19] =	ssyncset.done $0x0  }
0x83: {  	s0 =	sadd.s32 $0x380, s1;
	[sflag:s19] =	ssyncadd.s32 $0xFFFFE000  }
0x84: {  	[tilespmem:s26], [sflag:$0x4] =	stream.indirect.gather [hbm4b:s4+s21], $0x40, s0, s21, $0xb8;
	[tilespmem:$0x14800] =	vst v63  }
0x85: {  	_ =	swait.ge [sflag:s28], $0x2000  }
0x86: {  	[sflag:s28] =	ssyncset.done $0x0  }
0x87: {  	s10 =	simm.s32 $0x2400;
	[sflag:s28] =	ssyncadd.s32 $0xFFFFE000  }
0x88: {  	[spmem:s2] =	stream.indirect.scatter.add.f32 [tilespmem:s18], [sflag:$0x5], $0x40, s10, s21, $0xb8;
	[tilespmem:$0x14800] =	vst v63  }
0x89: {  	_ =	swait.ge [sflag:s19], $0x2000  }
0x8a: {  	[sflag:s19] =	ssyncset.done $0x0  }
0x8b: {  	s25 =	simm.s32 $0x1200;
	[sflag:s19] =	ssyncadd.s32 $0xFFFFE000  }
0x8c: {  	[tilespmem:s18], [sflag:$0x1] =	stream.indirect.gather [hbm4b:s4+s21], $0x40, s25, s21, $0xb8;
	[tilespmem:$0x14800] =	vst v63  }
0x8d: {  	_ =	swait.ge [sflag:s29], $0x2000  }
0x8e: {  	[sflag:s29] =	ssyncset.done $0x0  }
0x8f: {  	s1 =	simm.s32 $0x2480;
	[sflag:s29] =	ssyncadd.s32 $0xFFFFE000  }
0x90: {  	[spmem:s2] =	stream.indirect.scatter.add.f32 [tilespmem:s22], [sflag:$0x5], $0x40, s1, s21, $0xb8;
	[tilespmem:$0x14800] =	vst v63  }
0x91: {  	_ =	swait.ge [sflag:s19], $0x2000  }
0x92: {  	[sflag:s19] =	ssyncset.done $0x0  }
0x93: {  	s10 =	simm.s32 $0x1280;
	[sflag:s19] =	ssyncadd.s32 $0xFFFFE000  }
0x94: {  	[tilespmem:s22], [sflag:$0x2] =	stream.indirect.gather [hbm4b:s4+s21], $0x40, s10, s21, $0xb8;
	[tilespmem:$0x14800] =	vst v63  }
0x95: {  	_ =	swait.ge [sflag:s30], $0x2000  }
0x96: {  	[sflag:s30] =	ssyncset.done $0x0  }
0x97: {  	s25 =	simm.s32 $0x2500;
	[sflag:s30] =	ssyncadd.s32 $0xFFFFE000  }
0x98: {  	[spmem:s2] =	stream.indirect.scatter.add.f32 [tilespmem:s24], [sflag:$0x5], $0x40, s25, s21, $0xb8;
	[tilespmem:$0x14800] =	vst v63  }
0x99: {  	_ =	swait.ge [sflag:s19], $0x2000  }
0x9a: {  	[sflag:s19] =	ssyncset.done $0x0  }
0x9b: {  	s1 =	simm.s32 $0x1300;
	[sflag:s19] =	ssyncadd.s32 $0xFFFFE000  }
0x9c: {  	[tilespmem:s24], [sflag:$0x3] =	stream.indirect.gather [hbm4b:s4+s21], $0x40, s1, s21, $0xb8;
	[tilespmem:$0x14800] =	vst v63  }
0x9d: {  	_ =	swait.ge [sflag:s31], $0x2000  }
0x9e: {  	[sflag:s31] =	ssyncset.done $0x0  }
0x9f: {  	s10 =	simm.s32 $0x2580;
	[sflag:s31] =	ssyncadd.s32 $0xFFFFE000  }
0xa0: {  	[spmem:s2] =	stream.indirect.scatter.add.f32 [tilespmem:s26], [sflag:$0x5], $0x40, s10, s21, $0xb8;
	[tilespmem:$0x14800] =	vst v63  }
0xa1: {  	_ =	swait.ge [sflag:s19], $0x2000  }
0xa2: {  	[sflag:s19] =	ssyncset.done $0x0  }
0xa3: {  	[sflag:s19] =	ssyncadd.s32 $0xFFFFE000  }
0xa4: {  	[tilespmem:s26], [sflag:$0x4] =	stream.indirect.gather [hbm4b:s4+s21], $0x40, s20, s21, $0xb8;
	[tilespmem:$0x14800] =	vst v63  }
0xa5: {  	_ =	swait.ge [sflag:s28], $0x2000  }
0xa6: {  	[sflag:s28] =	ssyncset.done $0x0  }
0xa7: {  	s25 =	simm.s32 $0x2600;
	[sflag:s28] =	ssyncadd.s32 $0xFFFFE000  }
0xa8: {  	[spmem:s2] =	stream.indirect.scatter.add.f32 [tilespmem:s18], [sflag:$0x5], $0x40, s25, s21, $0xb8;
	[tilespmem:$0x14800] =	vst v63  }
0xa9: {  	_ =	swait.ge [sflag:s19], $0x2000  }
0xaa: {  	[sflag:s19] =	ssyncset.done $0x0  }
0xab: {  	[sflag:s19] =	ssyncadd.s32 $0xFFFFE000  }
0xac: {  	[tilespmem:s18], [sflag:$0x1] =	stream.indirect.gather [hbm4b:s4+s21], $0x40, s20, s21, $0xb8;
	[tilespmem:$0x14800] =	vst v63  }
0xad: {  	_ =	swait.ge [sflag:s29], $0x2000  }
0xae: {  	[sflag:s29] =	ssyncset.done $0x0  }
0xaf: {  	s1 =	simm.s32 $0x2680;
	[sflag:s29] =	ssyncadd.s32 $0xFFFFE000  }
0xb0: {  	[spmem:s2] =	stream.indirect.scatter.add.f32 [tilespmem:s22], [sflag:$0x5], $0x40, s1, s21, $0xb8;
	[tilespmem:$0x14800] =	vst v63  }
0xb1: {  	_ =	swait.ge [sflag:s19], $0x2000  }
0xb2: {  	[sflag:s19] =	ssyncset.done $0x0  }
0xb3: {  	[sflag:s19] =	ssyncadd.s32 $0xFFFFE000  }
0xb4: {  	[tilespmem:s22], [sflag:$0x2] =	stream.indirect.gather [hbm4b:s4+s21], $0x40, s20, s21, $0xb8;
	[tilespmem:$0x14800] =	vst v63  }
0xb5: {  	_ =	swait.ge [sflag:s30], $0x2000  }
0xb6: {  	[sflag:s30] =	ssyncset.done $0x0  }
0xb7: {  	s10 =	simm.s32 $0x2700;
	[sflag:s30] =	ssyncadd.s32 $0xFFFFE000  }
0xb8: {  	[spmem:s2] =	stream.indirect.scatter.add.f32 [tilespmem:s24], [sflag:$0x5], $0x40, s10, s21, $0xb8;
	[tilespmem:$0x14800] =	vst v63  }
0xb9: {  	_ =	swait.ge [sflag:s19], $0x2000  }
0xba: {  	[sflag:s19] =	ssyncset.done $0x0  }
0xbb: {  	[sflag:s19] =	ssyncadd.s32 $0xFFFFE000  }
0xbc: {  	[tilespmem:s24], [sflag:$0x3] =	stream.indirect.gather [hbm4b:s4+s21], $0x40, s20, s21, $0xb8;
	[tilespmem:$0x14800] =	vst v63  }
0xbd: {  	_ =	swait.ge [sflag:s31], $0x2000  }
0xbe: {  	[sflag:s31] =	ssyncset.done $0x0  }
0xbf: {  	s25 =	simm.s32 $0x2780;
	[sflag:s31] =	ssyncadd.s32 $0xFFFFE000  }
0xc0: {  	[spmem:s2] =	stream.indirect.scatter.add.f32 [tilespmem:s26], [sflag:$0x5], $0x40, s25, s21, $0xb8;
	[tilespmem:$0x14800] =	vst v63  }
0xc1: {  	_ =	swait.ge [sflag:s19], $0x2000  }
0xc2: {  	[sflag:s19] =	ssyncset.done $0x0  }
0xc3: {  	[sflag:s19] =	ssyncadd.s32 $0xFFFFE000  }
0xc4: {  	[tilespmem:s26], [sflag:$0x4] =	stream.indirect.gather [hbm4b:s4+s21], $0x40, s20, s21, $0xb8;
	[tilespmem:$0x14800] =	vst v63  }
0xc5: {  	_ =	swait.ge [sflag:s28], $0x2000  }
0xc6: {  	[sflag:s28] =	ssyncset.done $0x0  }
0xc7: {  	[sflag:s28] =	ssyncadd.s32 $0xFFFFE000  }
0xc8: {  	_ =	swait.ge [sflag:s29], $0x2000  }
0xc9: {  	[sflag:s29] =	ssyncset.done $0x0  }
0xca: {  	[sflag:s29] =	ssyncadd.s32 $0xFFFFE000  }
0xcb: {  	_ =	swait.ge [sflag:s30], $0x2000  }
0xcc: {  	[sflag:s30] =	ssyncset.done $0x0  }
0xcd: {  	[sflag:s30] =	ssyncadd.s32 $0xFFFFE000  }
0xce: {  	_ =	swait.ge [sflag:s31], $0x2000  }
0xcf: {  	[sflag:s31] =	ssyncset.done $0x0  }
0xd0: {  	[sflag:s31] =	ssyncadd.s32 $0xFFFFE000  }
0xd1: {  	[bflag:$0x0] =	sbarrier.arrive $0xFFFF  }
0xd2: {  	[tilespmem:s18], [sflag:$0x5] =	stream.linear.gather [spmem:s5], $0x2000, $0x38;
	[tilespmem:$0x14800] =	vst v63  }
0xd3: {  	_ =	swait.ge [sflag:s19], $0x2000  }
0xd4: {  	[sflag:s19] =	ssyncset.done $0x0  }
0xd5: {  	[sflag:s19] =	ssyncadd.s32 $0xFFFFE000  }
0xd6: {  	[hbm4b:s12+s3] =	stream.linear.scatter [tilespmem:s18], [sflag:$0x5], $0x2000, $0x38;
	[tilespmem:$0x14800] =	vst v63  }
0xd7: {  	_ =	swait.ge [sflag:s19], $0x2000  }
0xd8: {  	[sflag:s19] =	ssyncset.done $0x0  }
0xd9: {  	[sflag:s19] =	ssyncadd.s32 $0xFFFFE000  }
0xda: {  	[tilespmem:s18], [sflag:$0x5] =	stream.linear.gather [spmem:s6], $0x2000, $0x38;
	[tilespmem:$0x14800] =	vst v63  }
0xdb: {  	_ =	swait.ge [sflag:s19], $0x2000  }
0xdc: {  	[sflag:s19] =	ssyncset.done $0x0  }
0xdd: {  	[sflag:s19] =	ssyncadd.s32 $0xFFFFE000  }
0xde: {  	[hbm4b:s13+s3] =	stream.linear.scatter [tilespmem:s18], [sflag:$0x5], $0x2000, $0x38;
	[tilespmem:$0x14800] =	vst v63  }
0xdf: {  	_ =	swait.ge [sflag:s19], $0x2000  }
0xe0: {  	[sflag:s19] =	ssyncset.done $0x0  }
0xe1: {  	[sflag:s19] =	ssyncadd.s32 $0xFFFFE000  }
0xe2: {  	[tilespmem:s18], [sflag:$0x5] =	stream.linear.gather [spmem:s7], $0x2000, $0x38;
	[tilespmem:$0x14800] =	vst v63  }
0xe3: {  	_ =	swait.ge [sflag:s19], $0x2000  }
0xe4: {  	[sflag:s19] =	ssyncset.done $0x0  }
0xe5: {  	[sflag:s19] =	ssyncadd.s32 $0xFFFFE000  }
0xe6: {  	[hbm4b:s14+s3] =	stream.linear.scatter [tilespmem:s18], [sflag:$0x5], $0x2000, $0x38;
	[tilespmem:$0x14800] =	vst v63  }
0xe7: {  	_ =	swait.ge [sflag:s19], $0x2000  }
0xe8: {  	[sflag:s19] =	ssyncset.done $0x0  }
0xe9: {  	[sflag:s19] =	ssyncadd.s32 $0xFFFFE000  }
0xea: {  	[tilespmem:s18], [sflag:$0x5] =	stream.linear.gather [spmem:s8], $0x2000, $0x38;
	[tilespmem:$0x14800] =	vst v63  }
0xeb: {  	_ =	swait.ge [sflag:s19], $0x2000  }
0xec: {  	[sflag:s19] =	ssyncset.done $0x0  }
0xed: {  	[sflag:s19] =	ssyncadd.s32 $0xFFFFE000  }
0xee: {  	[hbm4b:s15+s3] =	stream.linear.scatter [tilespmem:s18], [sflag:$0x5], $0x2000, $0x38;
	[tilespmem:$0x14800] =	vst v63  }
0xef: {  	_ =	swait.ge [sflag:s19], $0x2000  }
0xf0: {  	[sflag:s19] =	ssyncset.done $0x0  }
0xf1: {  	[sflag:s19] =	ssyncadd.s32 $0xFFFFE000  }
0xf2: {  	[tilespmem:s18], [sflag:$0x5] =	stream.linear.gather [spmem:s9], $0x2000, $0x38;
	[tilespmem:$0x14800] =	vst v63  }
0xf3: {  	s23 =	sadd.s32 $0x1, s23;
	_ =	swait.ge [sflag:s19], $0x2000  }
0xf4: {  	p0 =	sne.s32 s23, s17;
	[sflag:s19] =	ssyncset.done $0x0  }
.Ltmp2:
0xf5: {  	[sflag:s19] =	ssyncadd.s32 $0xFFFFE000;
	(pc) =	sbr.rel @p0 .LBB2_1-.Ltmp2, $4  }
0xf6: {  	[hbm4b:s16+s3] =	stream.linear.scatter [tilespmem:s18], [sflag:$0x5], $0x2000, $0x38;
	[tilespmem:$0x14800] =	vst v63  }
0xf7: {  	_ =	swait.ge [sflag:s19], $0x2000  }
0xf8: {  	[sflag:s19] =	ssyncset.done $0x0  }
0xf9: {  	[sflag:s19] =	ssyncadd.s32 $0xFFFFE000  }
0xfa: {  	_ =	sfence.sel $0x180000  }
0xfb: {  	[bflag:$0x0] =	sbarrier.arrive $0xFFFF  }
0xfc: {  	_ =	strace $0x9000004A  }
0xfd: {  	s0 =	stileid.u32;
	[bflag:$0x2] =	sbarrier.arrive $0xFFFF  }
0xfe: {  	p0 =	sne.s32 s0, $0x0;
	s0 =	rddreg [dreg:$0x2]  }
0xff: {  	s0 =	sadd.s32 @!p0 $0x100000, s0  }
0x100: {  	[sflag:s0] =	ssyncadd.tile.s32 @!p0 $0x1;
	_ =	shalt  }
.Lfunc_end2:
_tile_overlayer_lowered:
.L_overlay_start_2:
0x101: {  	(tag) =	ssettag $0x2  }
0x102: {  	s0 =	rddreg [dreg:$0x0];
	s2 =	stileid.u32  }
0x103: {  	s1 =	rddreg [dreg:$0x1];
	p0 =	sne.s32 s2, $0x0  }
0x104: {  	s3 =	rddreg [dreg:$0x2];
	[bflag:$0x3] =	sbarrier.arrive $0xFFFF;
	s2 =	simm.s32 @!p0 $0x1C05  }
0x105: {  	[timem:s3], [sflag:s2] =	dma.local @!p0 [hbm:s0], s1  }
0x106: {  	s0 =	simm.s32 @!p0 $0x5  }
0x107: {  	_ =	swait.ge @!p0 [sflag:s0], s1  }
0x108: {  	s1 =	ssub.s32 @!p0 $0x0, s1;
	[sflag:s0] =	ssyncset.done @!p0 $0x0  }
0x109: {  	[sflag:s0] =	ssyncadd.s32 @!p0 s1  }
0x10a: {  	[bflag:$0x3] =	sbarrier.arrive $0xFFFF  }
0x10b: {  	_ =	shalt  }

// kernel: kernel.15.cloned.1.call-start
scs
__scs_entry_jumppad:
0x0: {  	(pc) =	sbr.rel $0x88, $3  }
0x1: {  	(tag) =	ssettag $0x0;
	lr =	simm.s32 $0x1  }
0x2: {  	[smem:$0x3F99] =	sst lr;
	_ =	strace $0xD0000000  }
0x3: {  	_ = 	snop  }
0x4: {  	_ = 	snop  }
0x5: {  	_ = 	snop  }
0x6: {  	_ = 	snop  }
0x7: {  	_ = 	snop  }
__scs_overlays_trampoline_lowered:
0x8: {  	[smem:$0x3FA8] =	sst s0  }
0x9: {  	[smem:$0x3FA9] =	sst s1  }
0xa: {  	[smem:$0x3FAA] =	sst s2  }
0xb: {  	[smem:$0x3FAB] =	sst s3  }
0xc: {  	[smem:$0x3FAC] =	sst s4  }
0xd: {  	[smem:$0x3FAD] =	sst s5  }
0xe: {  	[smem:$0x3FAE] =	sst s6  }
0xf: {  	[smem:$0x3FAF] =	sst s7  }
0x10: {  	[smem:$0x3FB0] =	sst s8  }
0x11: {  	[smem:$0x3FB1] =	sst s9;
	s0 =	simm.s32 @!p0 $0x0  }
0x12: {  	s1 =	sld [smem:$0x3F97];
	s0 =	simm.s32 @p0 $0x1  }
0x13: {  	[smem:$0x3FB2] =	sst s0;
	s0 =	simm.s32 @!p1 $0x0  }
0x14: {  	s2 =	sld [smem:$0x3F96];
	s0 =	simm.s32 @p1 $0x1  }
0x15: {  	[smem:$0x3FB3] =	sst s0;
	s0 =	simm.s32 @!p2 $0x0  }
0x16: {  	s3 =	sld [smem:$0x3FDB];
	s0 =	simm.s32 @p2 $0x1  }
0x17: {  	s4 =	simm.s32 $0x1BF5;
	[smem:$0x3FB5] =	sst s0  }
0x18: {  	s0 =	sld [smem:$0x3F98];
	_ =	swait.ge [sflag:s4], $0x0  }
0x19: {  	s7 =	sld [smem:$0x3F99]  }
0x1a: {  	s8 =	sadd.s32 $0xFFFFE003, lr  }
0x1b: {  	s9 =	sadd.s32 $0xFFFFFEF7, lr;
	s5 =	simm.s32 $0xFFFFFFFF;
	p2 =	slt.u32 s8, $0xFFFFF086  }
0x1c: {  	p1 =	slt.u32 s9, $0xF7A;
	s5 =	simm.s32 @!p2 $0x0  }
0x1d: {  	s5 =	simm.s32 @p1 $0x1;
	p0 =	seq.s32 s7, s2  }
0x1e: {  	s7 =	smul.u32 @!p0 $0xF7A, s2;
	p2 =	seq.s32 @!p0 s5, $0x0  }
0x1f: {  	s9 =	smul.u32 $0xF7A, s1;
	s8 =	simm.s32 @!p0 $0x1BF5;
	p2 =	por !p2, p0  }
0x20: {  	[sflag:s8] =	ssyncset.s32 @!p0 $0xFFFFF086;
	s6 =	sadd.s32 @!p0 s3, s7;
	s7 =	simm.s32 @!p0 $0x108  }
0x21: {  	s3 =	sadd.s32 s3, s9;
	s6 =	sadd.s32 @!p0 $0x88, s6;
	s7 =	simm.s32 @p2 $0x1082  }
0x22: {  	[simem:s7], [sflag:s8] =	dma.local @!p0 [hbm:s6], $0xF7A  }
0x23: {  	s9 =	sor.u32 $0xD0000000, s2;
	s6 =	simm.s32 $0x108;
	_ =	swait.ge @!p0 [sflag:s8], $0x0  }
0x24: {  	s3 =	sadd.s32 $0x88, s3;
	s6 =	simm.s32 @!p1 $0x1082;
	[sflag:s4] =	ssyncset.s32 $0xFFFFF086  }
0x25: {  	[simem:s6], [sflag:s4] =	dma.local [hbm:s3], $0xF7A  }
0x26: {  	[smem:$0x3F99] =	sst s1;
	(tag) =	ssettag s2;
	_ =	strace s9  }
0x27: {  	s1 =	sld [smem:$0x3FA9]  }
0x28: {  	s2 =	sld [smem:$0x3FAA]  }
0x29: {  	s4 =	sld [smem:$0x3FAC]  }
0x2a: {  	p0 =	seq.s32 s5, $0x0;
	s5 =	sld [smem:$0x3FAD]  }
0x2b: {  	s6 =	sld [smem:$0x3FAE]  }
0x2c: {  	s7 =	sld [smem:$0x3FAF]  }
0x2d: {  	s3 =	simm.s32 $0x108;
	s8 =	sld [smem:$0x3FB0]  }
0x2e: {  	s3 =	simm.s32 @!p0 $0x1082;
	s9 =	sld [smem:$0x3FB1]  }
0x2f: {  	lr =	sadd.s32 s0, s3;
	s0 =	sld [smem:$0x3FA8]  }
0x30: {  	s3 =	sld [smem:$0x3FAB]  }
0x31: {  	[smem:$0x3FB4] =	sst s10  }
0x32: {  	s10 =	sld [smem:$0x3FB2];
	_ =	sdelay $0x3  }
0x33: {  	p0 =	seq.s32 s10, $0x1;
	s10 =	sld [smem:$0x3FB4];
	_ =	sdelay $0x3  }
0x34: {  	[smem:$0x3FB4] =	sst s10  }
0x35: {  	s10 =	sld [smem:$0x3FB3];
	_ =	sdelay $0x3  }
0x36: {  	p1 =	seq.s32 s10, $0x1;
	s10 =	sld [smem:$0x3FB4];
	_ =	sdelay $0x3  }
0x37: {  	[smem:$0x3FB4] =	sst s10  }
0x38: {  	s10 =	sld [smem:$0x3FB5]  }
0x39: {  	_ = 	snop;
	(pc) =	sbr.ind lr, $3  }
0x3a: {  	_ = 	snop  }
0x3b: {  	_ = 	snop  }
0x3c: {  	p2 =	seq.s32 s10, $0x1;
	s10 =	sld [smem:$0x3FB4]  }
0x3d: {  	_ =	shalt  }
0x3e: {  	_ =	shalt  }
0x3f: {  	_ =	shalt  }
0x40: {  	_ =	shalt  }
0x41: {  	_ =	shalt  }
0x42: {  	_ =	shalt  }
0x43: {  	_ =	shalt  }
0x44: {  	_ =	shalt  }
0x45: {  	_ =	shalt  }
0x46: {  	_ =	shalt  }
0x47: {  	_ =	shalt  }
0x48: {  	_ =	shalt  }
0x49: {  	_ =	shalt  }
0x4a: {  	_ =	shalt  }
0x4b: {  	_ =	shalt  }
0x4c: {  	_ =	shalt  }
0x4d: {  	_ =	shalt  }
0x4e: {  	_ =	shalt  }
0x4f: {  	_ =	shalt  }
0x50: {  	_ =	shalt  }
0x51: {  	_ =	shalt  }
0x52: {  	_ =	shalt  }
0x53: {  	_ =	shalt  }
0x54: {  	_ =	shalt  }
0x55: {  	_ =	shalt  }
0x56: {  	_ =	shalt  }
0x57: {  	_ =	shalt  }
0x58: {  	_ =	shalt  }
0x59: {  	_ =	shalt  }
0x5a: {  	_ =	shalt  }
0x5b: {  	_ =	shalt  }
0x5c: {  	_ =	shalt  }
0x5d: {  	_ =	shalt  }
0x5e: {  	_ =	shalt  }
0x5f: {  	_ =	shalt  }
0x60: {  	_ =	shalt  }
0x61: {  	_ =	shalt  }
0x62: {  	_ =	shalt  }
0x63: {  	_ =	shalt  }
0x64: {  	_ =	shalt  }
0x65: {  	_ =	shalt  }
0x66: {  	_ =	shalt  }
0x67: {  	_ =	shalt  }
0x68: {  	_ =	shalt  }
0x69: {  	_ =	shalt  }
0x6a: {  	_ =	shalt  }
0x6b: {  	_ =	shalt  }
0x6c: {  	_ =	shalt  }
0x6d: {  	_ =	shalt  }
0x6e: {  	_ =	shalt  }
0x6f: {  	_ =	shalt  }
0x70: {  	_ =	shalt  }
0x71: {  	_ =	shalt  }
0x72: {  	_ =	shalt  }
0x73: {  	_ =	shalt  }
0x74: {  	_ =	shalt  }
0x75: {  	_ =	shalt  }
0x76: {  	_ =	shalt  }
0x77: {  	_ =	shalt  }
0x78: {  	_ =	shalt  }
0x79: {  	_ =	shalt  }
0x7a: {  	_ =	shalt  }
0x7b: {  	_ =	shalt  }
0x7c: {  	_ =	shalt  }
0x7d: {  	_ =	shalt  }
0x7e: {  	_ =	shalt  }
0x7f: {  	_ =	shalt  }
0x80: {  	_ =	shalt  }
0x81: {  	_ =	shalt  }
0x82: {  	_ =	shalt  }
0x83: {  	_ =	shalt  }
0x84: {  	_ =	shalt  }
0x85: {  	_ =	shalt  }
0x86: {  	_ =	shalt  }
0x87: {  	_ =	shalt  }
.Lfunc_end0:
.L_simem_size_0:
called_computation.2_lowered:
.L_overlay_start_0:
0x88: {  	s2 =	sld [smem:$0x3FD9]  }
0x89: {  	s3 =	sld [smem:$0x3FFE];
	_ =	sdelay $0x1  }
0x8a: {  	s1 =	srdreg.scid  }
0x8b: {  	s0 =	sand.u32 $0x1, s1  }
0x8c: {  	s16 =	sshll.u32 s0, $0xA;
	s2 =	sadd.s32 s3, s2  }
0x8d: {  	s2 =	sadd.s32 s2, s16  }
0x8e: {  	[smem:$0x3FC0] =	sst s2  }
0x8f: {  	_ = 	snop  }
0x90: {  	(tm) =	ssettm $0x1  }
0x91: {  	s17 =	sld [smem:$0x3FFB];
	_ =	sdelay $0x3  }
0x92: {  	_ =	strace s17  }
0x93: {  	s2 =	sld [smem:$0x3FFC];
	_ =	sdelay $0x3  }
0x94: {  	_ =	strace s2  }
0x95: {  	s2 =	sld [smem:$0x3FFD];
	_ =	sdelay $0x3  }
0x96: {  	_ =	strace s2  }
0x97: {  	_ =	strace $0x8FFFFFFF  }
0x98: {  	s18 =	sld [smem:$0x3FDB];
	_ =	sdelay $0x1  }
0x99: {  	s19 =	simm.s32 $_scs_section_size  }
0x9a: {  	s4 =	simm.s32 $_size__tile_overlayer_lowered;
	s5 =	simm.s32 $_tile_overlayer_lowered  }
0x9b: {  	s22 =	simm.s32 $0x1BFF;
	s21 =	sshll.u32 s5, $0x1;
	s2 =	sadd.s32 s19, s18  }
0x9c: {  	s6 =	simm.s32 $0x0;
	s20 =	sshll.u32 s4, $0x1;
	s4 =	sadd.s32 s21, s2  }
0x9d: {  	[timem:s6], [sflag:s22] =	dma.local [hbm:s4], s20  }
0x9e: {  	_ =	swait.ge [sflag:s22], s20  }
0x9f: {  	s3 =	ssub.s32 $0x0, s20;
	[sflag:s22] =	ssyncset.done $0x0  }
0xa0: {  	[sflag:s22] =	ssyncadd.s32 s3;
	_ =	sdelay $0x1  }
0xa1: {  	s23 =	simm.s32 $0x1B8B  }
0xa2: {  	_ =	swait.ge [sflag:s23], $0x1  }
0xa3: {  	[sflag:s23] =	ssyncset.done $0x0  }
0xa4: {  	s25 =	simm.s32 $0x1B8E;
	s24 =	sld [smem:$0x3FFE];
	[sflag:s23] =	ssyncadd.s32 $0xFFFFFFFF  }
0xa5: {  	s26 =	simm.s32 $execute0_lowered;
	[smem:$0x3FD2] =	sst s25  }
0xa6: {  	s4 =	sshll.u32 s26, $0x1;
	_ =	strace $0x8000004C;
	[dreg:$0x1] =	wrdreg $0xFFFFFFFF  }
0xa7: {  	s28 =	simm.s32 $_size_execute0_lowered;
	s2 =	sadd.s32 s2, s4;
	[dreg:$0x0] =	wrdreg $0x0  }
0xa8: {  	s4 =	sshll.u32 s28, $0x1;
	[dreg:$0x2] =	wrdreg s2  }
0xa9: {  	[dreg:$0x3] =	wrdreg s4  }
0xaa: {  	[dreg:$0x4] =	wrdreg $0xC0  }
0xab: {  	_ =	task [dreg:s6], $0x5FFFF  }
0xac: {  	[dreg:$0x1] =	wrdreg $0xFFFFFFFF  }
0xad: {  	[dreg:$0x0] =	wrdreg $0x60  }
0xae: {  	[dreg:$0x2] =	wrdreg s24  }
0xaf: {  	[dreg:$0x3] =	wrdreg $0x68000  }
0xb0: {  	[dreg:$0x4] =	wrdreg $0x9  }
0xb1: {  	_ =	task.clear_ibuf [dreg:s6], $0x5FFFF;
	_ =	strace $0x9000004C  }
0xb2: {  	s29 =	simm.s32 $0x9;
	_ =	strace $0x8000004E  }
0xb3: {  	_ =	swait.ge [sflag:s29], $0x1  }
0xb4: {  	[sflag:s29] =	ssyncadd.s32 $0xFFFFFFFF  }
0xb5: {  	_ =	strace $0x9000004E  }
0xb6: {  	_ =	sfence  }
0xb7: {  	s30 =	sld [smem:$0x0];
	_ =	sdelay $0x2  }
0xb8: {  	s31 =	sshll.u32 s1, $0xD;
	s1 =	sshrl.u32 s1, $0x2  }
0xb9: {  	s3 =	sand.u32 $0x4000, s31;
	s1 =	sadd.s32 s1, s30  }
0xba: {  	s0 =	sor.u32 s3, s0;
	s1 =	sshll.u32 s1, $0x11  }
0xbb: {  	s0 =	sor.u32 s1, s0  }
0xbc: {  	s0 =	sadd.s32 $0x8F2B, s0  }
0xbd: {  	[sflag:s0] =	ssyncadd.remote.s32 $0x1  }
0xbe: {  	_ =	sfence.sel $0xFFFF  }
0xbf: {  	[dreg:$0x0] =	wrdreg $0xFFFFFFFF;
	(pc) =	sbr.abs _section_cstart, $3  }
0xc0: {  	[dreg:$0x1] =	wrdreg $0xFFFFFFFF  }
0xc1: {  	_ =	task.clear_ibuf [dreg:s6], $0x2FFFF;
	_ =	strace $0x9FFFFFFF  }
0xc2: {  	(tm) =	ssettm $0x7FFFFFFF  }
0xc3: {  	_ =	shalt  }
tec
execute0_lowered:
.L_overlay_start_1:
0x0: {  	(tag) =	ssettag $0x1  }
0x1: {  	s0 =	rddreg [dreg:$0x0];
	s1 =	srdreg.scid  }
0x2: {  	s6 =	stileid.u32;
	s2 =	rddreg [dreg:$0x1];
	s3 =	simm.s32 $0x0  }
0x3: {  	s19 =	simm.s32 $0x5;
	s21 =	simm.s32 $0x80;
	s22 =	simm.s32 $0x3800  }
0x4: {  	s28 =	simm.s32 $0x1;
	s29 =	simm.s32 $0x2;
	s30 =	simm.s32 $0x3  }
0x5: {  	s31 =	simm.s32 $0x4;
	s20 =	simm.s32 $0x1380;
	s1 =	sand.u32 $0x1, s1  }
0x6: {  	s4 =	sshll.u32 s6, $0x1;
	[smem:$0x7FF] =	sst s3;
	s10 =	smul.u32 $0x5000, s6  }
0x7: {  	s4 =	sor.u32 s1, s4;
	s24 =	ssub.s32 $0x2, s1;
	s1 =	smul.u32 $0x50000, s1  }
0x8: {  	s23 =	simm.s32 $0x0;
	_ =	strace $0x8000004D;
	s5 =	smul.u32 $0x280, s4  }
0x9: {  	s4 =	sadd.s32 $0x6800, s0;
	s25 =	sshrl.u32 s24, $0x1;
	s12 =	sadd.s32 $0x1000, s10  }
0xa: {  	s14 =	sadd.s32 $0x2000, s10;
	s15 =	sadd.s32 $0x3000, s10;
	s16 =	sadd.s32 $0x4000, s10  }
0xb: {  	s17 =	ssub.s32 s24, s25;
	s6 =	sadd.s32 s12, s2;
	s7 =	sadd.s32 s14, s2  }
0xc: {  	s8 =	sadd.s32 s15, s2;
	s9 =	sadd.s32 s16, s2;
	s13 =	sadd.s32 s10, s1  }
0xd: {  	s12 =	sadd.s32 s1, s12;
	s14 =	sadd.s32 s1, s14;
	s15 =	sadd.s32 s1, s15  }
0xe: {  	s1 =	sadd.s32 s1, s16;
	s24 =	simm.s32 $0x4800;
	s11 =	sadd.s32 s5, s0  }
0xf: {  	s0 =	sadd.s32 $0x15800, s0;
	s5 =	sadd.s32 s10, s2;
	s13 =	sshrl.u32 s13, $0x3  }
0x10: {  	s18 =	sshrl.u32 s12, $0x3;
	s14 =	sshrl.u32 s14, $0x3;
	s15 =	sshrl.u32 s15, $0x3  }
0x11: {  	s1 =	sshrl.u32 s1, $0x3;
	s17 =	smax.u32 s17, $0x1;
	s26 =	sadd.s32 $0x10800, s11  }
0x12: {  	s11 =	sadd.s32 $0x1800, s11;
	s12 =	sadd.s32 s0, s13;
	s13 =	sadd.s32 s0, s18  }
0x13: {  	s14 =	sadd.s32 s0, s14;
	s15 =	sadd.s32 s0, s15;
	s16 =	sadd.s32 s0, s1  }
0x14: {  	v0 =	vimm.f32 $0.0e+00;
	s18 =	simm.s32 $0x2800;
	[dreg:$0x3] =	wrdreg s26;
	s26 =	simm.s32 $0x5800  }
.LBB2_1:
0x15: {  	s0 =	sand.u32 $0x3F80, s3  }
0x16: {  	s25 =	sand.u32 $0x10, s3;
	s0 =	sshrl.u32 s0, $0x2  }
0x17: {  	s1 =	simm.s32 $0x40;
	s0 =	sor.u32 s25, s0;
	s25 =	simm.s32 $0x0  }
.LBB2_2:
0x18: {  	p0 =	sne.s32 s1, $0x3FC0  }
0x19: {  	[tilespmem:s0+$0x2800] =	vst v0;
	s25 =	sadd.s32 $0x10, s25;
	s0 =	smov.u32 s1;
	s1 =	sadd.s32 $0x40, s1  }
.Ltmp0:
0x1a: {  	(pc) =	sbr.rel @p0 .LBB2_2-.Ltmp0, $4  }
0x1b: {  	_ = 	snop  }
0x1c: {  	s0 =	sand.u32 $0x3F80, s0  }
0x1d: {  	s10 =	sand.u32 $0x10, s25;
	s0 =	sshrl.u32 s0, $0x2  }
0x1e: {  	s0 =	sor.u32 s10, s0  }
0x1f: {  	[tilespmem:s0+$0x2800] =	vst v0  }
0x20: {  	[spmem:s5] =	stream.linear.scatter [tilespmem:s18], [sflag:$0x5], $0x1000, $0x38;
	[tilespmem:$0xB800] =	vst v63  }
0x21: {  	_ =	swait.ge [sflag:s19], $0x1000  }
0x22: {  	[sflag:s19] =	ssyncset.done $0x0  }
0x23: {  	[sflag:s19] =	ssyncadd.s32 $0xFFFFF000  }
0x24: {  	[spmem:s6] =	stream.linear.scatter [tilespmem:s18], [sflag:$0x5], $0x1000, $0x38;
	[tilespmem:$0xB800] =	vst v63  }
0x25: {  	_ =	swait.ge [sflag:s19], $0x1000  }
0x26: {  	[sflag:s19] =	ssyncset.done $0x0  }
0x27: {  	[sflag:s19] =	ssyncadd.s32 $0xFFFFF000  }
0x28: {  	[spmem:s7] =	stream.linear.scatter [tilespmem:s18], [sflag:$0x5], $0x1000, $0x38;
	[tilespmem:$0xB800] =	vst v63  }
0x29: {  	_ =	swait.ge [sflag:s19], $0x1000  }
0x2a: {  	[sflag:s19] =	ssyncset.done $0x0  }
0x2b: {  	[sflag:s19] =	ssyncadd.s32 $0xFFFFF000  }
0x2c: {  	[spmem:s8] =	stream.linear.scatter [tilespmem:s18], [sflag:$0x5], $0x1000, $0x38;
	[tilespmem:$0xB800] =	vst v63  }
0x2d: {  	_ =	swait.ge [sflag:s19], $0x1000  }
0x2e: {  	[sflag:s19] =	ssyncset.done $0x0  }
0x2f: {  	[sflag:s19] =	ssyncadd.s32 $0xFFFFF000  }
0x30: {  	[spmem:s9] =	stream.linear.scatter [tilespmem:s18], [sflag:$0x5], $0x1000, $0x38;
	[tilespmem:$0xB800] =	vst v63  }
0x31: {  	_ =	swait.ge [sflag:s19], $0x1000  }
0x32: {  	[sflag:s19] =	ssyncset.done $0x0  }
0x33: {  	s10 =	simm.s32 $0x0;
	s1 =	rddreg [dreg:$0x3];
	[sflag:s19] =	ssyncadd.s32 $0xFFFFF000  }
0x34: {  	[tilespmem:s10], [sflag:$0x5] =	stream.linear.gather [hbm4b:s1+s10], $0x1400, $0x38;
	[tilespmem:$0xB800] =	vst v63  }
0x35: {  	_ =	swait.ge [sflag:s19], $0x1400  }
0x36: {  	[sflag:s19] =	ssyncset.done $0x0  }
0x37: {  	s25 =	simm.s32 $0x1400;
	[sflag:s19] =	ssyncadd.s32 $0xFFFFEC00  }
0x38: {  	[tilespmem:s25], [sflag:$0x5] =	stream.linear.gather [hbm4b:s11+s10], $0x1400, $0x38;
	[tilespmem:$0xB800] =	vst v63  }
0x39: {  	_ =	swait.ge [sflag:s19], $0x1400  }
0x3a: {  	[sflag:s19] =	ssyncset.done $0x0  }
0x3b: {  	[sflag:s19] =	ssyncadd.s32 $0xFFFFEC00  }
0x3c: {  	[bflag:$0x0] =	sbarrier.arrive $0xFFFF  }
0x3d: {  	[tilespmem:s18], [sflag:$0x1] =	stream.indirect.gather [hbm4b:s4+s21], $0x20, s10, s21, $0xb8;
	[tilespmem:$0xB800] =	vst v63  }
0x3e: {  	_ = 	snop  }
0x3f: {  	[tilespmem:s22], [sflag:$0x2] =	stream.indirect.gather [hbm4b:s4+s21], $0x20, s21, s21, $0xb8;
	[tilespmem:$0xB800] =	vst v63  }
0x40: {  	s1 =	simm.s32 $0x100  }
0x41: {  	[tilespmem:s24], [sflag:$0x3] =	stream.indirect.gather [hbm4b:s4+s21], $0x20, s1, s21, $0xb8;
	[tilespmem:$0xB800] =	vst v63  }
0x42: {  	s10 =	simm.s32 $0x180  }
0x43: {  	[tilespmem:s26], [sflag:$0x4] =	stream.indirect.gather [hbm4b:s4+s21], $0x20, s10, s21, $0xb8;
	[tilespmem:$0xB800] =	vst v63  }
0x44: {  	_ =	swait.ge [sflag:s28], $0x1000  }
0x45: {  	[sflag:s28] =	ssyncset.done $0x0  }
0x46: {  	s25 =	simm.s32 $0x1400;
	[sflag:s28] =	ssyncadd.s32 $0xFFFFF000  }
0x47: {  	[spmem:s2] =	stream.indirect.scatter.add.f32 [tilespmem:s18], [sflag:$0x5], $0x20, s25, s21, $0xb8;
	[tilespmem:$0xB800] =	vst v63  }
0x48: {  	_ =	swait.ge [sflag:s19], $0x1000  }
0x49: {  	[sflag:s19] =	ssyncset.done $0x0  }
0x4a: {  	s1 =	simm.s32 $0x200;
	[sflag:s19] =	ssyncadd.s32 $0xFFFFF000  }
0x4b: {  	[tilespmem:s18], [sflag:$0x1] =	stream.indirect.gather [hbm4b:s4+s21], $0x20, s1, s21, $0xb8;
	[tilespmem:$0xB800] =	vst v63  }
0x4c: {  	_ =	swait.ge [sflag:s29], $0x1000  }
0x4d: {  	[sflag:s29] =	ssyncset.done $0x0  }
0x4e: {  	s10 =	simm.s32 $0x1480;
	[sflag:s29] =	ssyncadd.s32 $0xFFFFF000  }
0x4f: {  	[spmem:s2] =	stream.indirect.scatter.add.f32 [tilespmem:s22], [sflag:$0x5], $0x20, s10, s21, $0xb8;
	[tilespmem:$0xB800] =	vst v63  }
0x50: {  	_ =	swait.ge [sflag:s19], $0x1000  }
0x51: {  	[sflag:s19] =	ssyncset.done $0x0  }
0x52: {  	s25 =	simm.s32 $0x280;
	[sflag:s19] =	ssyncadd.s32 $0xFFFFF000  }
0x53: {  	[tilespmem:s22], [sflag:$0x2] =	stream.indirect.gather [hbm4b:s4+s21], $0x20, s25, s21, $0xb8;
	[tilespmem:$0xB800] =	vst v63  }
0x54: {  	_ =	swait.ge [sflag:s30], $0x1000  }
0x55: {  	[sflag:s30] =	ssyncset.done $0x0  }
0x56: {  	s1 =	simm.s32 $0x1500;
	[sflag:s30] =	ssyncadd.s32 $0xFFFFF000  }
0x57: {  	[spmem:s2] =	stream.indirect.scatter.add.f32 [tilespmem:s24], [sflag:$0x5], $0x20, s1, s21, $0xb8;
	[tilespmem:$0xB800] =	vst v63  }
0x58: {  	_ =	swait.ge [sflag:s19], $0x1000  }
0x59: {  	[sflag:s19] =	ssyncset.done $0x0  }
0x5a: {  	s10 =	simm.s32 $0x300;
	[sflag:s19] =	ssyncadd.s32 $0xFFFFF000  }
0x5b: {  	[tilespmem:s24], [sflag:$0x3] =	stream.indirect.gather [hbm4b:s4+s21], $0x20, s10, s21, $0xb8;
	[tilespmem:$0xB800] =	vst v63  }
0x5c: {  	_ =	swait.ge [sflag:s31], $0x1000  }
0x5d: {  	[sflag:s31] =	ssyncset.done $0x0  }
0x5e: {  	s25 =	simm.s32 $0x1580;
	[sflag:s31] =	ssyncadd.s32 $0xFFFFF000  }
0x5f: {  	[spmem:s2] =	stream.indirect.scatter.add.f32 [tilespmem:s26], [sflag:$0x5], $0x20, s25, s21, $0xb8;
	[tilespmem:$0xB800] =	vst v63  }
0x60: {  	_ =	swait.ge [sflag:s19], $0x1000  }
0x61: {  	[sflag:s19] =	ssyncset.done $0x0  }
0x62: {  	s0 =	simm.s32 $0x380;
	s25 =	simm.s32 $0x800;
	[sflag:s19] =	ssyncadd.s32 $0xFFFFF000  }
.LBB2_4:
0x63: {  	[tilespmem:s26], [sflag:$0x4] =	stream.indirect.gather [hbm4b:s4+s21], $0x20, s0, s21, $0xb8;
	[tilespmem:$0xB800] =	vst v63  }
0x64: {  	s0 =	smov.u32 s25  }
0x65: {  	p0 =	sne.s32 s25, $0x3800;
	s25 =	sadd.s32 $0x800, s25;
	_ =	swait.ge [sflag:s28], $0x1000  }
0x66: {  	s1 =	sshra.s32 s0, $0x2;
	[sflag:s28] =	ssyncset.done $0x0  }
0x67: {  	s0 =	sadd.s32 $0x1400, s1;
	[sflag:s28] =	ssyncadd.s32 $0xFFFFF000  }
0x68: {  	[spmem:s2] =	stream.indirect.scatter.add.f32 [tilespmem:s18], [sflag:$0x5], $0x20, s0, s21, $0xb8;
	[tilespmem:$0xB800] =	vst v63  }
0x69: {  	_ =	swait.ge [sflag:s19], $0x1000  }
0x6a: {  	[sflag:s19] =	ssyncset.done $0x0  }
0x6b: {  	s0 =	sadd.s32 $0x200, s1;
	[sflag:s19] =	ssyncadd.s32 $0xFFFFF000  }
0x6c: {  	[tilespmem:s18], [sflag:$0x1] =	stream.indirect.gather [hbm4b:s4+s21], $0x20, s0, s21, $0xb8;
	[tilespmem:$0xB800] =	vst v63  }
0x6d: {  	_ =	swait.ge [sflag:s29], $0x1000  }
0x6e: {  	[sflag:s29] =	ssyncset.done $0x0  }
0x6f: {  	s0 =	sadd.s32 $0x1480, s1;
	[sflag:s29] =	ssyncadd.s32 $0xFFFFF000  }
0x70: {  	[spmem:s2] =	stream.indirect.scatter.add.f32 [tilespmem:s22], [sflag:$0x5], $0x20, s0, s21, $0xb8;
	[tilespmem:$0xB800] =	vst v63  }
0x71: {  	_ =	swait.ge [sflag:s19], $0x1000  }
0x72: {  	[sflag:s19] =	ssyncset.done $0x0  }
0x73: {  	s0 =	sadd.s32 $0x280, s1;
	[sflag:s19] =	ssyncadd.s32 $0xFFFFF000  }
0x74: {  	[tilespmem:s22], [sflag:$0x2] =	stream.indirect.gather [hbm4b:s4+s21], $0x20, s0, s21, $0xb8;
	[tilespmem:$0xB800] =	vst v63  }
0x75: {  	_ =	swait.ge [sflag:s30], $0x1000  }
0x76: {  	[sflag:s30] =	ssyncset.done $0x0  }
0x77: {  	s0 =	sadd.s32 $0x1500, s1;
	[sflag:s30] =	ssyncadd.s32 $0xFFFFF000  }
0x78: {  	[spmem:s2] =	stream.indirect.scatter.add.f32 [tilespmem:s24], [sflag:$0x5], $0x20, s0, s21, $0xb8;
	[tilespmem:$0xB800] =	vst v63  }
0x79: {  	_ =	swait.ge [sflag:s19], $0x1000  }
0x7a: {  	[sflag:s19] =	ssyncset.done $0x0  }
0x7b: {  	s0 =	sadd.s32 $0x300, s1;
	[sflag:s19] =	ssyncadd.s32 $0xFFFFF000  }
0x7c: {  	[tilespmem:s24], [sflag:$0x3] =	stream.indirect.gather [hbm4b:s4+s21], $0x20, s0, s21, $0xb8;
	[tilespmem:$0xB800] =	vst v63  }
0x7d: {  	_ =	swait.ge [sflag:s31], $0x1000  }
0x7e: {  	[sflag:s31] =	ssyncset.done $0x0  }
.Ltmp1:
0x7f: {  	s0 =	sadd.s32 $0x1580, s1;
	[sflag:s31] =	ssyncadd.s32 $0xFFFFF000;
	(pc) =	sbr.rel @p0 .LBB2_4-.Ltmp1, $4  }
0x80: {  	[spmem:s2] =	stream.indirect.scatter.add.f32 [tilespmem:s26], [sflag:$0x5], $0x20, s0, s21, $0xb8;
	[tilespmem:$0xB800] =	vst v63  }
0x81: {  	_ =	swait.ge [sflag:s19], $0x1000  }
0x82: {  	[sflag:s19] =	ssyncset.done $0x0  }
0x83: {  	s0 =	sadd.s32 $0x380, s1;
	[sflag:s19] =	ssyncadd.s32 $0xFFFFF000  }
0x84: {  	[tilespmem:s26], [sflag:$0x4] =	stream.indirect.gather [hbm4b:s4+s21], $0x20, s0, s21, $0xb8;
	[tilespmem:$0xB800] =	vst v63  }
0x85: {  	_ =	swait.ge [sflag:s28], $0x1000  }
0x86: {  	[sflag:s28] =	ssyncset.done $0x0  }
0x87: {  	s10 =	simm.s32 $0x2400;
	[sflag:s28] =	ssyncadd.s32 $0xFFFFF000  }
0x88: {  	[spmem:s2] =	stream.indirect.scatter.add.f32 [tilespmem:s18], [sflag:$0x5], $0x20, s10, s21, $0xb8;
	[tilespmem:$0xB800] =	vst v63  }
0x89: {  	_ =	swait.ge [sflag:s19], $0x1000  }
0x8a: {  	[sflag:s19] =	ssyncset.done $0x0  }
0x8b: {  	s25 =	simm.s32 $0x1200;
	[sflag:s19] =	ssyncadd.s32 $0xFFFFF000  }
0x8c: {  	[tilespmem:s18], [sflag:$0x1] =	stream.indirect.gather [hbm4b:s4+s21], $0x20, s25, s21, $0xb8;
	[tilespmem:$0xB800] =	vst v63  }
0x8d: {  	_ =	swait.ge [sflag:s29], $0x1000  }
0x8e: {  	[sflag:s29] =	ssyncset.done $0x0  }
0x8f: {  	s1 =	simm.s32 $0x2480;
	[sflag:s29] =	ssyncadd.s32 $0xFFFFF000  }
0x90: {  	[spmem:s2] =	stream.indirect.scatter.add.f32 [tilespmem:s22], [sflag:$0x5], $0x20, s1, s21, $0xb8;
	[tilespmem:$0xB800] =	vst v63  }
0x91: {  	_ =	swait.ge [sflag:s19], $0x1000  }
0x92: {  	[sflag:s19] =	ssyncset.done $0x0  }
0x93: {  	s10 =	simm.s32 $0x1280;
	[sflag:s19] =	ssyncadd.s32 $0xFFFFF000  }
0x94: {  	[tilespmem:s22], [sflag:$0x2] =	stream.indirect.gather [hbm4b:s4+s21], $0x20, s10, s21, $0xb8;
	[tilespmem:$0xB800] =	vst v63  }
0x95: {  	_ =	swait.ge [sflag:s30], $0x1000  }
0x96: {  	[sflag:s30] =	ssyncset.done $0x0  }
0x97: {  	s25 =	simm.s32 $0x2500;
	[sflag:s30] =	ssyncadd.s32 $0xFFFFF000  }
0x98: {  	[spmem:s2] =	stream.indirect.scatter.add.f32 [tilespmem:s24], [sflag:$0x5], $0x20, s25, s21, $0xb8;
	[tilespmem:$0xB800] =	vst v63  }
0x99: {  	_ =	swait.ge [sflag:s19], $0x1000  }
0x9a: {  	[sflag:s19] =	ssyncset.done $0x0  }
0x9b: {  	s1 =	simm.s32 $0x1300;
	[sflag:s19] =	ssyncadd.s32 $0xFFFFF000  }
0x9c: {  	[tilespmem:s24], [sflag:$0x3] =	stream.indirect.gather [hbm4b:s4+s21], $0x20, s1, s21, $0xb8;
	[tilespmem:$0xB800] =	vst v63  }
0x9d: {  	_ =	swait.ge [sflag:s31], $0x1000  }
0x9e: {  	[sflag:s31] =	ssyncset.done $0x0  }
0x9f: {  	s10 =	simm.s32 $0x2580;
	[sflag:s31] =	ssyncadd.s32 $0xFFFFF000  }
0xa0: {  	[spmem:s2] =	stream.indirect.scatter.add.f32 [tilespmem:s26], [sflag:$0x5], $0x20, s10, s21, $0xb8;
	[tilespmem:$0xB800] =	vst v63  }
0xa1: {  	_ =	swait.ge [sflag:s19], $0x1000  }
0xa2: {  	[sflag:s19] =	ssyncset.done $0x0  }
0xa3: {  	[sflag:s19] =	ssyncadd.s32 $0xFFFFF000  }
0xa4: {  	[tilespmem:s26], [sflag:$0x4] =	stream.indirect.gather [hbm4b:s4+s21], $0x20, s20, s21, $0xb8;
	[tilespmem:$0xB800] =	vst v63  }
0xa5: {  	_ =	swait.ge [sflag:s28], $0x1000  }
0xa6: {  	[sflag:s28] =	ssyncset.done $0x0  }
0xa7: {  	s25 =	simm.s32 $0x2600;
	[sflag:s28] =	ssyncadd.s32 $0xFFFFF000  }
0xa8: {  	[spmem:s2] =	stream.indirect.scatter.add.f32 [tilespmem:s18], [sflag:$0x5], $0x20, s25, s21, $0xb8;
	[tilespmem:$0xB800] =	vst v63  }
0xa9: {  	_ =	swait.ge [sflag:s19], $0x1000  }
0xaa: {  	[sflag:s19] =	ssyncset.done $0x0  }
0xab: {  	[sflag:s19] =	ssyncadd.s32 $0xFFFFF000  }
0xac: {  	[tilespmem:s18], [sflag:$0x1] =	stream.indirect.gather [hbm4b:s4+s21], $0x20, s20, s21, $0xb8;
	[tilespmem:$0xB800] =	vst v63  }
0xad: {  	_ =	swait.ge [sflag:s29], $0x1000  }
0xae: {  	[sflag:s29] =	ssyncset.done $0x0  }
0xaf: {  	s1 =	simm.s32 $0x2680;
	[sflag:s29] =	ssyncadd.s32 $0xFFFFF000  }
0xb0: {  	[spmem:s2] =	stream.indirect.scatter.add.f32 [tilespmem:s22], [sflag:$0x5], $0x20, s1, s21, $0xb8;
	[tilespmem:$0xB800] =	vst v63  }
0xb1: {  	_ =	swait.ge [sflag:s19], $0x1000  }
0xb2: {  	[sflag:s19] =	ssyncset.done $0x0  }
0xb3: {  	[sflag:s19] =	ssyncadd.s32 $0xFFFFF000  }
0xb4: {  	[tilespmem:s22], [sflag:$0x2] =	stream.indirect.gather [hbm4b:s4+s21], $0x20, s20, s21, $0xb8;
	[tilespmem:$0xB800] =	vst v63  }
0xb5: {  	_ =	swait.ge [sflag:s30], $0x1000  }
0xb6: {  	[sflag:s30] =	ssyncset.done $0x0  }
0xb7: {  	s10 =	simm.s32 $0x2700;
	[sflag:s30] =	ssyncadd.s32 $0xFFFFF000  }
0xb8: {  	[spmem:s2] =	stream.indirect.scatter.add.f32 [tilespmem:s24], [sflag:$0x5], $0x20, s10, s21, $0xb8;
	[tilespmem:$0xB800] =	vst v63  }
0xb9: {  	_ =	swait.ge [sflag:s19], $0x1000  }
0xba: {  	[sflag:s19] =	ssyncset.done $0x0  }
0xbb: {  	[sflag:s19] =	ssyncadd.s32 $0xFFFFF000  }
0xbc: {  	[tilespmem:s24], [sflag:$0x3] =	stream.indirect.gather [hbm4b:s4+s21], $0x20, s20, s21, $0xb8;
	[tilespmem:$0xB800] =	vst v63  }
0xbd: {  	_ =	swait.ge [sflag:s31], $0x1000  }
0xbe: {  	[sflag:s31] =	ssyncset.done $0x0  }
0xbf: {  	s25 =	simm.s32 $0x2780;
	[sflag:s31] =	ssyncadd.s32 $0xFFFFF000  }
0xc0: {  	[spmem:s2] =	stream.indirect.scatter.add.f32 [tilespmem:s26], [sflag:$0x5], $0x20, s25, s21, $0xb8;
	[tilespmem:$0xB800] =	vst v63  }
0xc1: {  	_ =	swait.ge [sflag:s19], $0x1000  }
0xc2: {  	[sflag:s19] =	ssyncset.done $0x0  }
0xc3: {  	[sflag:s19] =	ssyncadd.s32 $0xFFFFF000  }
0xc4: {  	[tilespmem:s26], [sflag:$0x4] =	stream.indirect.gather [hbm4b:s4+s21], $0x20, s20, s21, $0xb8;
	[tilespmem:$0xB800] =	vst v63  }
0xc5: {  	_ =	swait.ge [sflag:s28], $0x1000  }
0xc6: {  	[sflag:s28] =	ssyncset.done $0x0  }
0xc7: {  	[sflag:s28] =	ssyncadd.s32 $0xFFFFF000  }
0xc8: {  	_ =	swait.ge [sflag:s29], $0x1000  }
0xc9: {  	[sflag:s29] =	ssyncset.done $0x0  }
0xca: {  	[sflag:s29] =	ssyncadd.s32 $0xFFFFF000  }
0xcb: {  	_ =	swait.ge [sflag:s30], $0x1000  }
0xcc: {  	[sflag:s30] =	ssyncset.done $0x0  }
0xcd: {  	[sflag:s30] =	ssyncadd.s32 $0xFFFFF000  }
0xce: {  	_ =	swait.ge [sflag:s31], $0x1000  }
0xcf: {  	[sflag:s31] =	ssyncset.done $0x0  }
0xd0: {  	[sflag:s31] =	ssyncadd.s32 $0xFFFFF000  }
0xd1: {  	[bflag:$0x0] =	sbarrier.arrive $0xFFFF  }
0xd2: {  	[tilespmem:s18], [sflag:$0x5] =	stream.linear.gather [spmem:s5], $0x1000, $0x38;
	[tilespmem:$0xB800] =	vst v63  }
0xd3: {  	_ =	swait.ge [sflag:s19], $0x1000  }
0xd4: {  	[sflag:s19] =	ssyncset.done $0x0  }
0xd5: {  	[sflag:s19] =	ssyncadd.s32 $0xFFFFF000  }
0xd6: {  	[hbm4b:s12+s3] =	stream.linear.scatter [tilespmem:s18], [sflag:$0x5], $0x1000, $0x38;
	[tilespmem:$0xB800] =	vst v63  }
0xd7: {  	_ =	swait.ge [sflag:s19], $0x1000  }
0xd8: {  	[sflag:s19] =	ssyncset.done $0x0  }
0xd9: {  	[sflag:s19] =	ssyncadd.s32 $0xFFFFF000  }
0xda: {  	[tilespmem:s18], [sflag:$0x5] =	stream.linear.gather [spmem:s6], $0x1000, $0x38;
	[tilespmem:$0xB800] =	vst v63  }
0xdb: {  	_ =	swait.ge [sflag:s19], $0x1000  }
0xdc: {  	[sflag:s19] =	ssyncset.done $0x0  }
0xdd: {  	[sflag:s19] =	ssyncadd.s32 $0xFFFFF000  }
0xde: {  	[hbm4b:s13+s3] =	stream.linear.scatter [tilespmem:s18], [sflag:$0x5], $0x1000, $0x38;
	[tilespmem:$0xB800] =	vst v63  }
0xdf: {  	_ =	swait.ge [sflag:s19], $0x1000  }
0xe0: {  	[sflag:s19] =	ssyncset.done $0x0  }
0xe1: {  	[sflag:s19] =	ssyncadd.s32 $0xFFFFF000  }
0xe2: {  	[tilespmem:s18], [sflag:$0x5] =	stream.linear.gather [spmem:s7], $0x1000, $0x38;
	[tilespmem:$0xB800] =	vst v63  }
0xe3: {  	_ =	swait.ge [sflag:s19], $0x1000  }
0xe4: {  	[sflag:s19] =	ssyncset.done $0x0  }
0xe5: {  	[sflag:s19] =	ssyncadd.s32 $0xFFFFF000  }
0xe6: {  	[hbm4b:s14+s3] =	stream.linear.scatter [tilespmem:s18], [sflag:$0x5], $0x1000, $0x38;
	[tilespmem:$0xB800] =	vst v63  }
0xe7: {  	_ =	swait.ge [sflag:s19], $0x1000  }
0xe8: {  	[sflag:s19] =	ssyncset.done $0x0  }
0xe9: {  	[sflag:s19] =	ssyncadd.s32 $0xFFFFF000  }
0xea: {  	[tilespmem:s18], [sflag:$0x5] =	stream.linear.gather [spmem:s8], $0x1000, $0x38;
	[tilespmem:$0xB800] =	vst v63  }
0xeb: {  	_ =	swait.ge [sflag:s19], $0x1000  }
0xec: {  	[sflag:s19] =	ssyncset.done $0x0  }
0xed: {  	[sflag:s19] =	ssyncadd.s32 $0xFFFFF000  }
0xee: {  	[hbm4b:s15+s3] =	stream.linear.scatter [tilespmem:s18], [sflag:$0x5], $0x1000, $0x38;
	[tilespmem:$0xB800] =	vst v63  }
0xef: {  	_ =	swait.ge [sflag:s19], $0x1000  }
0xf0: {  	[sflag:s19] =	ssyncset.done $0x0  }
0xf1: {  	[sflag:s19] =	ssyncadd.s32 $0xFFFFF000  }
0xf2: {  	[tilespmem:s18], [sflag:$0x5] =	stream.linear.gather [spmem:s9], $0x1000, $0x38;
	[tilespmem:$0xB800] =	vst v63  }
0xf3: {  	s23 =	sadd.s32 $0x1, s23;
	_ =	swait.ge [sflag:s19], $0x1000  }
0xf4: {  	p0 =	sne.s32 s23, s17;
	[sflag:s19] =	ssyncset.done $0x0  }
.Ltmp2:
0xf5: {  	[sflag:s19] =	ssyncadd.s32 $0xFFFFF000;
	(pc) =	sbr.rel @p0 .LBB2_1-.Ltmp2, $4  }
0xf6: {  	[hbm4b:s16+s3] =	stream.linear.scatter [tilespmem:s18], [sflag:$0x5], $0x1000, $0x38;
	[tilespmem:$0xB800] =	vst v63  }
0xf7: {  	_ =	swait.ge [sflag:s19], $0x1000  }
0xf8: {  	[sflag:s19] =	ssyncset.done $0x0  }
0xf9: {  	[sflag:s19] =	ssyncadd.s32 $0xFFFFF000  }
0xfa: {  	_ =	sfence.sel $0x180000  }
0xfb: {  	[bflag:$0x0] =	sbarrier.arrive $0xFFFF  }
0xfc: {  	_ =	strace $0x9000004D  }
0xfd: {  	s0 =	stileid.u32;
	[bflag:$0x2] =	sbarrier.arrive $0xFFFF  }
0xfe: {  	p0 =	sne.s32 s0, $0x0;
	s0 =	rddreg [dreg:$0x2]  }
0xff: {  	s0 =	sadd.s32 @!p0 $0x100000, s0  }
0x100: {  	[sflag:s0] =	ssyncadd.tile.s32 @!p0 $0x1;
	_ =	shalt  }
.Lfunc_end2:
_tile_overlayer_lowered:
.L_overlay_start_2:
0x101: {  	(tag) =	ssettag $0x2  }
0x102: {  	s0 =	rddreg [dreg:$0x0];
	s2 =	stileid.u32  }
0x103: {  	s1 =	rddreg [dreg:$0x1];
	p0 =	sne.s32 s2, $0x0  }
0x104: {  	s3 =	rddreg [dreg:$0x2];
	[bflag:$0x3] =	sbarrier.arrive $0xFFFF;
	s2 =	simm.s32 @!p0 $0x1C05  }
0x105: {  	[timem:s3], [sflag:s2] =	dma.local @!p0 [hbm:s0], s1  }
0x106: {  	s0 =	simm.s32 @!p0 $0x5  }
0x107: {  	_ =	swait.ge @!p0 [sflag:s0], s1  }
0x108: {  	s1 =	ssub.s32 @!p0 $0x0, s1;
	[sflag:s0] =	ssyncset.done @!p0 $0x0  }
0x109: {  	[sflag:s0] =	ssyncadd.s32 @!p0 s1  }
0x10a: {  	[bflag:$0x3] =	sbarrier.arrive $0xFFFF  }
0x10b: {  	_ =	shalt  }

// kernel: kernel.9.cloned.1.call-start
scs
__scs_entry_jumppad:
0x0: {  	(pc) =	sbr.rel $0x88, $3  }
0x1: {  	(tag) =	ssettag $0x0;
	lr =	simm.s32 $0x1  }
0x2: {  	[smem:$0x3F99] =	sst lr;
	_ =	strace $0xD0000000  }
0x3: {  	_ = 	snop  }
0x4: {  	_ = 	snop  }
0x5: {  	_ = 	snop  }
0x6: {  	_ = 	snop  }
0x7: {  	_ = 	snop  }
__scs_overlays_trampoline_lowered:
0x8: {  	[smem:$0x3FA8] =	sst s0  }
0x9: {  	[smem:$0x3FA9] =	sst s1  }
0xa: {  	[smem:$0x3FAA] =	sst s2  }
0xb: {  	[smem:$0x3FAB] =	sst s3  }
0xc: {  	[smem:$0x3FAC] =	sst s4  }
0xd: {  	[smem:$0x3FAD] =	sst s5  }
0xe: {  	[smem:$0x3FAE] =	sst s6  }
0xf: {  	[smem:$0x3FAF] =	sst s7  }
0x10: {  	[smem:$0x3FB0] =	sst s8  }
0x11: {  	[smem:$0x3FB1] =	sst s9;
	s0 =	simm.s32 @!p0 $0x0  }
0x12: {  	s1 =	sld [smem:$0x3F97];
	s0 =	simm.s32 @p0 $0x1  }
0x13: {  	[smem:$0x3FB2] =	sst s0;
	s0 =	simm.s32 @!p1 $0x0  }
0x14: {  	s2 =	sld [smem:$0x3F96];
	s0 =	simm.s32 @p1 $0x1  }
0x15: {  	[smem:$0x3FB3] =	sst s0;
	s0 =	simm.s32 @!p2 $0x0  }
0x16: {  	s3 =	sld [smem:$0x3FDB];
	s0 =	simm.s32 @p2 $0x1  }
0x17: {  	s4 =	simm.s32 $0x1BF5;
	[smem:$0x3FB5] =	sst s0  }
0x18: {  	s0 =	sld [smem:$0x3F98];
	_ =	swait.ge [sflag:s4], $0x0  }
0x19: {  	s7 =	sld [smem:$0x3F99]  }
0x1a: {  	s8 =	sadd.s32 $0xFFFFE003, lr  }
0x1b: {  	s9 =	sadd.s32 $0xFFFFFEF7, lr;
	s5 =	simm.s32 $0xFFFFFFFF;
	p2 =	slt.u32 s8, $0xFFFFF086  }
0x1c: {  	p1 =	slt.u32 s9, $0xF7A;
	s5 =	simm.s32 @!p2 $0x0  }
0x1d: {  	s5 =	simm.s32 @p1 $0x1;
	p0 =	seq.s32 s7, s2  }
0x1e: {  	s7 =	smul.u32 @!p0 $0xF7A, s2;
	p2 =	seq.s32 @!p0 s5, $0x0  }
0x1f: {  	s9 =	smul.u32 $0xF7A, s1;
	s8 =	simm.s32 @!p0 $0x1BF5;
	p2 =	por !p2, p0  }
0x20: {  	[sflag:s8] =	ssyncset.s32 @!p0 $0xFFFFF086;
	s6 =	sadd.s32 @!p0 s3, s7;
	s7 =	simm.s32 @!p0 $0x108  }
0x21: {  	s3 =	sadd.s32 s3, s9;
	s6 =	sadd.s32 @!p0 $0x88, s6;
	s7 =	simm.s32 @p2 $0x1082  }
0x22: {  	[simem:s7], [sflag:s8] =	dma.local @!p0 [hbm:s6], $0xF7A  }
0x23: {  	s9 =	sor.u32 $0xD0000000, s2;
	s6 =	simm.s32 $0x108;
	_ =	swait.ge @!p0 [sflag:s8], $0x0  }
0x24: {  	s3 =	sadd.s32 $0x88, s3;
	s6 =	simm.s32 @!p1 $0x1082;
	[sflag:s4] =	ssyncset.s32 $0xFFFFF086  }
0x25: {  	[simem:s6], [sflag:s4] =	dma.local [hbm:s3], $0xF7A  }
0x26: {  	[smem:$0x3F99] =	sst s1;
	(tag) =	ssettag s2;
	_ =	strace s9  }
0x27: {  	s1 =	sld [smem:$0x3FA9]  }
0x28: {  	s2 =	sld [smem:$0x3FAA]  }
0x29: {  	s4 =	sld [smem:$0x3FAC]  }
0x2a: {  	p0 =	seq.s32 s5, $0x0;
	s5 =	sld [smem:$0x3FAD]  }
0x2b: {  	s6 =	sld [smem:$0x3FAE]  }
0x2c: {  	s7 =	sld [smem:$0x3FAF]  }
0x2d: {  	s3 =	simm.s32 $0x108;
	s8 =	sld [smem:$0x3FB0]  }
0x2e: {  	s3 =	simm.s32 @!p0 $0x1082;
	s9 =	sld [smem:$0x3FB1]  }
0x2f: {  	lr =	sadd.s32 s0, s3;
	s0 =	sld [smem:$0x3FA8]  }
0x30: {  	s3 =	sld [smem:$0x3FAB]  }
0x31: {  	[smem:$0x3FB4] =	sst s10  }
0x32: {  	s10 =	sld [smem:$0x3FB2];
	_ =	sdelay $0x3  }
0x33: {  	p0 =	seq.s32 s10, $0x1;
	s10 =	sld [smem:$0x3FB4];
	_ =	sdelay $0x3  }
0x34: {  	[smem:$0x3FB4] =	sst s10  }
0x35: {  	s10 =	sld [smem:$0x3FB3];
	_ =	sdelay $0x3  }
0x36: {  	p1 =	seq.s32 s10, $0x1;
	s10 =	sld [smem:$0x3FB4];
	_ =	sdelay $0x3  }
0x37: {  	[smem:$0x3FB4] =	sst s10  }
0x38: {  	s10 =	sld [smem:$0x3FB5]  }
0x39: {  	_ = 	snop;
	(pc) =	sbr.ind lr, $3  }
0x3a: {  	_ = 	snop  }
0x3b: {  	_ = 	snop  }
0x3c: {  	p2 =	seq.s32 s10, $0x1;
	s10 =	sld [smem:$0x3FB4]  }
0x3d: {  	_ =	shalt  }
0x3e: {  	_ =	shalt  }
0x3f: {  	_ =	shalt  }
0x40: {  	_ =	shalt  }
0x41: {  	_ =	shalt  }
0x42: {  	_ =	shalt  }
0x43: {  	_ =	shalt  }
0x44: {  	_ =	shalt  }
0x45: {  	_ =	shalt  }
0x46: {  	_ =	shalt  }
0x47: {  	_ =	shalt  }
0x48: {  	_ =	shalt  }
0x49: {  	_ =	shalt  }
0x4a: {  	_ =	shalt  }
0x4b: {  	_ =	shalt  }
0x4c: {  	_ =	shalt  }
0x4d: {  	_ =	shalt  }
0x4e: {  	_ =	shalt  }
0x4f: {  	_ =	shalt  }
0x50: {  	_ =	shalt  }
0x51: {  	_ =	shalt  }
0x52: {  	_ =	shalt  }
0x53: {  	_ =	shalt  }
0x54: {  	_ =	shalt  }
0x55: {  	_ =	shalt  }
0x56: {  	_ =	shalt  }
0x57: {  	_ =	shalt  }
0x58: {  	_ =	shalt  }
0x59: {  	_ =	shalt  }
0x5a: {  	_ =	shalt  }
0x5b: {  	_ =	shalt  }
0x5c: {  	_ =	shalt  }
0x5d: {  	_ =	shalt  }
0x5e: {  	_ =	shalt  }
0x5f: {  	_ =	shalt  }
0x60: {  	_ =	shalt  }
0x61: {  	_ =	shalt  }
0x62: {  	_ =	shalt  }
0x63: {  	_ =	shalt  }
0x64: {  	_ =	shalt  }
0x65: {  	_ =	shalt  }
0x66: {  	_ =	shalt  }
0x67: {  	_ =	shalt  }
0x68: {  	_ =	shalt  }
0x69: {  	_ =	shalt  }
0x6a: {  	_ =	shalt  }
0x6b: {  	_ =	shalt  }
0x6c: {  	_ =	shalt  }
0x6d: {  	_ =	shalt  }
0x6e: {  	_ =	shalt  }
0x6f: {  	_ =	shalt  }
0x70: {  	_ =	shalt  }
0x71: {  	_ =	shalt  }
0x72: {  	_ =	shalt  }
0x73: {  	_ =	shalt  }
0x74: {  	_ =	shalt  }
0x75: {  	_ =	shalt  }
0x76: {  	_ =	shalt  }
0x77: {  	_ =	shalt  }
0x78: {  	_ =	shalt  }
0x79: {  	_ =	shalt  }
0x7a: {  	_ =	shalt  }
0x7b: {  	_ =	shalt  }
0x7c: {  	_ =	shalt  }
0x7d: {  	_ =	shalt  }
0x7e: {  	_ =	shalt  }
0x7f: {  	_ =	shalt  }
0x80: {  	_ =	shalt  }
0x81: {  	_ =	shalt  }
0x82: {  	_ =	shalt  }
0x83: {  	_ =	shalt  }
0x84: {  	_ =	shalt  }
0x85: {  	_ =	shalt  }
0x86: {  	_ =	shalt  }
0x87: {  	_ =	shalt  }
.Lfunc_end0:
.L_simem_size_0:
called_computation_lowered:
.L_overlay_start_0:
0x88: {  	s2 =	sld [smem:$0x3FD9]  }
0x89: {  	s3 =	sld [smem:$0x3FFE];
	_ =	sdelay $0x1  }
0x8a: {  	s1 =	srdreg.scid  }
0x8b: {  	s0 =	sand.u32 $0x1, s1  }
0x8c: {  	s16 =	sshll.u32 s0, $0xA;
	s2 =	sadd.s32 s3, s2  }
0x8d: {  	s2 =	sadd.s32 s2, s16  }
0x8e: {  	[smem:$0x3FC0] =	sst s2  }
0x8f: {  	_ = 	snop  }
0x90: {  	(tm) =	ssettm $0x1  }
0x91: {  	s17 =	sld [smem:$0x3FFB];
	_ =	sdelay $0x3  }
0x92: {  	_ =	strace s17  }
0x93: {  	s2 =	sld [smem:$0x3FFC];
	_ =	sdelay $0x3  }
0x94: {  	_ =	strace s2  }
0x95: {  	s2 =	sld [smem:$0x3FFD];
	_ =	sdelay $0x3  }
0x96: {  	_ =	strace s2  }
0x97: {  	_ =	strace $0x8FFFFFFF  }
0x98: {  	s18 =	sld [smem:$0x3FDB];
	_ =	sdelay $0x1  }
0x99: {  	s19 =	simm.s32 $_scs_section_size  }
0x9a: {  	s4 =	simm.s32 $_size__tile_overlayer_lowered;
	s5 =	simm.s32 $_tile_overlayer_lowered  }
0x9b: {  	s22 =	simm.s32 $0x1BFF;
	s21 =	sshll.u32 s5, $0x1;
	s2 =	sadd.s32 s19, s18  }
0x9c: {  	s6 =	simm.s32 $0x0;
	s20 =	sshll.u32 s4, $0x1;
	s4 =	sadd.s32 s21, s2  }
0x9d: {  	[timem:s6], [sflag:s22] =	dma.local [hbm:s4], s20  }
0x9e: {  	_ =	swait.ge [sflag:s22], s20  }
0x9f: {  	s3 =	ssub.s32 $0x0, s20;
	[sflag:s22] =	ssyncset.done $0x0  }
0xa0: {  	[sflag:s22] =	ssyncadd.s32 s3;
	_ =	sdelay $0x1  }
0xa1: {  	s23 =	simm.s32 $0x1B8B  }
0xa2: {  	_ =	swait.ge [sflag:s23], $0x1  }
0xa3: {  	[sflag:s23] =	ssyncset.done $0x0  }
0xa4: {  	s25 =	simm.s32 $0x1B8E;
	s24 =	sld [smem:$0x3FFE];
	[sflag:s23] =	ssyncadd.s32 $0xFFFFFFFF  }
0xa5: {  	s26 =	simm.s32 $execute0_lowered;
	[smem:$0x3FD2] =	sst s25  }
0xa6: {  	s4 =	sshll.u32 s26, $0x1;
	_ =	strace $0x80000046;
	[dreg:$0x1] =	wrdreg $0xFFFFFFFF  }
0xa7: {  	s28 =	simm.s32 $_size_execute0_lowered;
	s2 =	sadd.s32 s2, s4;
	[dreg:$0x0] =	wrdreg $0x0  }
0xa8: {  	s4 =	sshll.u32 s28, $0x1;
	[dreg:$0x2] =	wrdreg s2  }
0xa9: {  	[dreg:$0x3] =	wrdreg s4  }
0xaa: {  	[dreg:$0x4] =	wrdreg $0xC0  }
0xab: {  	_ =	task [dreg:s6], $0x5FFFF  }
0xac: {  	[dreg:$0x1] =	wrdreg $0xFFFFFFFF  }
0xad: {  	[dreg:$0x0] =	wrdreg $0x60  }
0xae: {  	[dreg:$0x2] =	wrdreg s24  }
0xaf: {  	[dreg:$0x3] =	wrdreg $0x9  }
0xb0: {  	_ =	task.clear_ibuf [dreg:s6], $0x4FFFF;
	_ =	strace $0x90000046  }
0xb1: {  	s29 =	simm.s32 $0x9;
	_ =	strace $0x80000048  }
0xb2: {  	_ =	swait.ge [sflag:s29], $0x1  }
0xb3: {  	[sflag:s29] =	ssyncadd.s32 $0xFFFFFFFF  }
0xb4: {  	_ =	strace $0x90000048  }
0xb5: {  	_ =	sfence  }
0xb6: {  	s30 =	sld [smem:$0x0];
	_ =	sdelay $0x2  }
0xb7: {  	s31 =	sshll.u32 s1, $0xD;
	s1 =	sshrl.u32 s1, $0x2  }
0xb8: {  	s3 =	sand.u32 $0x4000, s31;
	s1 =	sadd.s32 s1, s30  }
0xb9: {  	s0 =	sor.u32 s3, s0;
	s1 =	sshll.u32 s1, $0x11  }
0xba: {  	s0 =	sor.u32 s1, s0  }
0xbb: {  	s0 =	sadd.s32 $0x8F2B, s0  }
0xbc: {  	[sflag:s0] =	ssyncadd.remote.s32 $0x1  }
0xbd: {  	_ =	sfence.sel $0xFFFF  }
0xbe: {  	[dreg:$0x0] =	wrdreg $0xFFFFFFFF;
	(pc) =	sbr.abs _section_cstart, $3  }
0xbf: {  	[dreg:$0x1] =	wrdreg $0xFFFFFFFF  }
0xc0: {  	_ =	task.clear_ibuf [dreg:s6], $0x2FFFF;
	_ =	strace $0x9FFFFFFF  }
0xc1: {  	(tm) =	ssettm $0x7FFFFFFF  }
tec
execute0_lowered:
.L_overlay_start_1:
0x0: {  	(tag) =	ssettag $0x1  }
0x1: {  	s1 =	srdreg.scid;
	s0 =	stileid.u32  }
0x2: {  	s4 =	rddreg [dreg:$0x0];
	s3 =	sand.u32 $0x1, s1;
	s30 =	sshll.u32 s0, $0x1  }
0x3: {  	s2 =	simm.s32 $0x0;
	s8 =	simm.s32 $0x0;
	s5 =	sor.u32 s3, s30  }
0x4: {  	s1 =	rddreg [dreg:$0x1];
	s3 =	ssub.s32 $0x2, s3;
	s6 =	smul.u32 $0x280, s5  }
0x5: {  	[smem:$0x7FF] =	sst s2;
	s5 =	smul.u32 $0x500, s5;
	s7 =	sshrl.u32 s3, $0x1  }
0x6: {  	_ =	strace $0x80000047;
	s31 =	ssub.s32 s3, s7;
	s7 =	simm.s32 $0x1400  }
0x7: {  	s6 =	sadd.s32 s6, s4;
	s4 =	sadd.s32 s5, s4;
	s5 =	smax.u32 s31, $0x1  }
0x8: {  	v0 =	vimm.f32 $0.0e+00;
	v1 =	vimm.f32 $1.000000000e+00;
	s3 =	sadd.s32 $0x1800, s6;
	s4 =	sadd.s32 $0x6800, s4;
	s6 =	simm.s32 $0x1  }
.LBB2_1:
0x9: {  	s9 =	simm.s32 $0x40;
	s10 =	simm.s32 $0x0  }
.LBB2_2:
0xa: {  	p0 =	sne.s32 s9, $0x9FC0;
	[tilespmem:s10+$0x1400] =	vst v0;
	s10 =	smov.u32 s9;
	s9 =	sadd.s32 $0x40, s9  }
.Ltmp0:
0xb: {  	(pc) =	sbr.rel @p0 .LBB2_2-.Ltmp0, $2  }
0xc: {  	_ =	sdelay $0x2  }
0xd: {  	s10 =	sshra.s32 s10, $0x2  }
0xe: {  	[tilespmem:s10+$0x1400] =	vst v0;
	s9 =	simm.s32 $0x0  }
0xf: {  	[tilespmem:s9], [sflag:$0x1] =	stream.linear.gather [hbm4b:s3+s9], $0x1400, $0x38;
	[tilespmem:$0x3C00] =	vst v63  }
0x10: {  	_ =	swait.ge [sflag:s6], $0x1400  }
0x11: {  	[sflag:s6] =	ssyncset.done $0x0  }
0x12: {  	s10 =	simm.s32 $0x0;
	s9 =	simm.s32 $0x40;
	[sflag:s6] =	ssyncadd.s32 $0xFFFFEC00  }
.LBB2_4:
0x13: {  	p0 =	sne.s32 s9, $0x4FC0;
	v2 =	vld [tilespmem:s10+$0x0];
	_ =	sdelay $0x3  }
.Ltmp1:
0x14: {  	(pc) =	sbr.rel @p0 .LBB2_4-.Ltmp1, $2  }
0x15: {  	_ =	sdelay $0x2  }
0x16: {  	s10 =	sshra.s32 s9, $0x2;
	s9 =	sadd.s32 $0x40, s9;
	[tilespmem:v2+s7+$0x0] =	vst.idx.add.f32.msk $0xffff, v1  }
0x17: {  	v2 =	vld [tilespmem:s10+$0x0];
	_ =	sdelay $0x5  }
0x18: {  	s8 =	sadd.s32 $0x1, s8  }
0x19: {  	p0 =	sne.s32 s8, s5  }
.Ltmp2:
0x1a: {  	[tilespmem:v2+s7+$0x0] =	vst.idx.add.f32.msk $0xffff, v1;
	(pc) =	sbr.rel @p0 .LBB2_1-.Ltmp2, $4  }
0x1b: {  	[hbm4b:s4+s2] =	stream.linear.scatter [tilespmem:s7], [sflag:$0x1], $0x2800, $0x38;
	[tilespmem:$0x3C00] =	vst v63  }
0x1c: {  	_ =	swait.ge [sflag:s6], $0x2800  }
0x1d: {  	[sflag:s6] =	ssyncset.done $0x0  }
0x1e: {  	[sflag:s6] =	ssyncadd.s32 $0xFFFFD800  }
0x1f: {  	_ =	sfence.sel $0x180000  }
0x20: {  	[bflag:$0x0] =	sbarrier.arrive $0xFFFF  }
0x21: {  	p0 =	sne.s32 s0, $0x0;
	_ =	strace $0x90000047  }
0x22: {  	s0 =	sadd.s32 @!p0 $0x100000, s1;
	[bflag:$0x2] =	sbarrier.arrive $0xFFFF  }
0x23: {  	[sflag:s0] =	ssyncadd.tile.s32 @!p0 $0x1;
	_ =	shalt  }
.Lfunc_end2:
_tile_overlayer_lowered:
.L_overlay_start_2:
0x24: {  	(tag) =	ssettag $0x2  }
0x25: {  	s0 =	rddreg [dreg:$0x0];
	s2 =	stileid.u32  }
0x26: {  	s1 =	rddreg [dreg:$0x1];
	p0 =	sne.s32 s2, $0x0  }
0x27: {  	s3 =	rddreg [dreg:$0x2];
	[bflag:$0x3] =	sbarrier.arrive $0xFFFF;
	s2 =	simm.s32 @!p0 $0x1C01  }
0x28: {  	[timem:s3], [sflag:s2] =	dma.local @!p0 [hbm:s0], s1  }
0x29: {  	s0 =	simm.s32 @!p0 $0x1  }
0x2a: {  	_ =	swait.ge @!p0 [sflag:s0], s1  }
0x2b: {  	s1 =	ssub.s32 @!p0 $0x0, s1;
	[sflag:s0] =	ssyncset.done @!p0 $0x0  }
0x2c: {  	[sflag:s0] =	ssyncadd.s32 @!p0 s1  }
0x2d: {  	[bflag:$0x3] =	sbarrier.arrive $0xFFFF  }
0x2e: {  	_ =	shalt  }

</sc_bundles>
